<compile_context>
chip_gen: v7x
topology: tpu7x:2x2x1
jax: 0.10.2.dev20260603
libtpu: 0.0.44.dev20260713+nightly
codegen_flags: <defaults>
</compile_context>

<pallas_src>
import jax
import jax.numpy as jnp
import numpy as np
from jax import lax
from jax.experimental import pallas as pl
from jax.experimental.pallas import tpu as pltpu
from jax.experimental.pallas import tpu_sc as plsc

R = 64
N = 32768
K = 64
L = 16
NBLK = N // L
NC = 2
NS = 16
CAPL = 128
CBUF = CAPL * L
NEG = np.float32(-np.inf)


def _shuf(v, idx):
    return jnp.take_along_axis(v, idx, axis=0)


def _allreduce(v, iota, op):
    for k in (1, 2, 4, 8):
        v = op(v, _shuf(v, iota ^ k))
    return v


def _row_topk(xbuf, cvals, cidx, ovals, oidx, cptrref):
    iota = lax.broadcasted_iota(jnp.int32, (L,), 0)
    neg = jnp.full((L,), NEG, jnp.float32)
    trash = jnp.int32(CBUF) + iota

    for m in range(CAPL):
        cvals[pl.ds(m * L, L)] = neg

    def s1(j, c):
        t0, t1, t2, t3, acc = c
        v = xbuf[pl.ds(j * L, L)]
        acc = acc + v * v
        m = jnp.maximum(t0, v)
        v = jnp.minimum(t0, v)
        t0 = m
        m = jnp.maximum(t1, v)
        v = jnp.minimum(t1, v)
        t1 = m
        m = jnp.maximum(t2, v)
        v = jnp.minimum(t2, v)
        t2 = m
        t3 = jnp.maximum(t3, v)
        return t0, t1, t2, t3, acc

    t0, t1, t2, t3, acc = lax.fori_loop(
        0, NBLK, s1, (neg, neg, neg, neg, jnp.zeros((L,), jnp.float32)),
        unroll=8)

    sv = jnp.maximum(_allreduce(acc, iota, jnp.add), jnp.float32(1e-12))
    thr = _allreduce(t3, iota, jnp.minimum)

    i = lax.bitcast_convert_type(sv, jnp.int32)
    i = jnp.int32(0x5F3759DF) - lax.shift_right_arithmetic(i, jnp.int32(1))
    y = lax.bitcast_convert_type(i, jnp.float32)
    half = jnp.float32(0.5) * sv
    for _ in range(3):
        y = y * (jnp.float32(1.5) - half * y * y)
    scale = y

    G = 4
    one = jnp.full((L,), jnp.int32(1), jnp.int32)
    zero = jnp.zeros((L,), jnp.int32)
    capl = jnp.full((L,), jnp.int32(CAPL), jnp.int32)

    def s2(g, cptr):
        base = g * (G * L)
        vs = [xbuf[pl.ds(base + k * L, L)] for k in range(G)]
        msks = [v >= thr for v in vs]
        incs = [jnp.where(m, one, zero) for m in msks]
        pre = incs[0]
        ps = [cptr]
        for k in range(1, G):
            ps.append(cptr + pre)
            pre = pre + incs[k]
        for k in range(G):
            ok = jnp.logical_and(msks[k], ps[k] < capl)
            pos = jnp.where(ok, ps[k] * L + iota, trash)
            plsc.store_scatter(cvals, [pos], vs[k] * scale)
            plsc.store_scatter(cidx, [pos], iota + (base + k * L))
        return cptr + pre

    cptr = lax.fori_loop(0, NBLK // G, s2, zero, unroll=2)
    nvec = _allreduce(cptr, iota, jnp.maximum)[0]

    lane0 = iota == 0
    big = jnp.full((L,), jnp.int32(N), jnp.int32)

    def ext(t, _):
        def scan(j, c):
            bv, bp = c
            v = cvals[pl.ds(j * L, L)]
            p = iota + j * L
            upd = v > bv
            return jnp.where(upd, v, bv), jnp.where(upd, p, bp)

        bv, bp = lax.fori_loop(0, nvec, scan,
                               (neg, jnp.zeros((L,), jnp.int32)))
        bi = plsc.load_gather(cidx, [bp])
        bi = jnp.where(bv > neg, bi, big)
        for k in (1, 2, 4, 8):
            sh = iota ^ k
            gv = _shuf(bv, sh)
            gi = _shuf(bi, sh)
            gp = _shuf(bp, sh)
            upd = jnp.logical_or(
                gv > bv, jnp.logical_and(gv == bv, gi < bi))
            bv = jnp.where(upd, gv, bv)
            bi = jnp.where(upd, gi, bi)
            bp = jnp.where(upd, gp, bp)
        tv = jnp.where(lane0, jnp.full((L,), t, jnp.int32),
                       jnp.int32(K) + iota)
        plsc.store_scatter(ovals, [tv], bv)
        plsc.store_scatter(oidx, [tv], bi)
        kill = jnp.where(lane0, bp, trash)
        plsc.store_scatter(cvals, [kill], neg)
        return 0

    lax.fori_loop(0, K, ext, 0)


def _kernel_body(x_hbm, coors_hbm, vals_hbm,
                 xbuf0, xbuf1, cvals, cidx, ovals, oidx, cptrref,
                 sem0, sem1):
    wid = lax.axis_index("s") * NC + lax.axis_index("c")
    r0 = wid * 2
    cp0 = pltpu.async_copy(x_hbm.at[r0], xbuf0, sem0)
    cp1 = pltpu.async_copy(x_hbm.at[r0 + 1], xbuf1, sem1)
    for rr, (xbuf, cp) in enumerate(((xbuf0, cp0), (xbuf1, cp1))):
        r = r0 + rr
        cp.wait()
        _row_topk(xbuf, cvals, cidx, ovals, oidx, cptrref)
        pltpu.sync_copy(ovals.at[pl.ds(0, K)], vals_hbm.at[pl.ds(r * K, K)])
        pltpu.sync_copy(oidx.at[pl.ds(0, K)], coors_hbm.at[pl.ds(r * K, K)])


@jax.jit
def kernel(x):
    mesh = plsc.VectorSubcoreMesh(
        core_axis_name="c", subcore_axis_name="s",
        num_cores=NC, num_subcores=NS)
    fn = pl.kernel(
        _kernel_body,
        out_type=(
            jax.ShapeDtypeStruct((R * K,), jnp.int32),
            jax.ShapeDtypeStruct((R * K,), jnp.float32),
        ),
        mesh=mesh,
        scratch_types=[
            pltpu.VMEM((N,), jnp.float32),
            pltpu.VMEM((N,), jnp.float32),
            pltpu.VMEM((CBUF + L,), jnp.float32),
            pltpu.VMEM((CBUF + L,), jnp.int32),
            pltpu.VMEM((K + L,), jnp.float32),
            pltpu.VMEM((K + L,), jnp.int32),
            pltpu.VMEM((L,), jnp.int32),
            pltpu.SemaphoreType.DMA,
            pltpu.SemaphoreType.DMA,
        ],
        compiler_params=pltpu.CompilerParams(needs_layout_passes=False),
    )
    coors, vals = fn(x)
    return coors.reshape(R, K, 1), vals.reshape(R, K)

# --- scband reference (transcript-rebuilt; emitter-appended) ---
"""Pipeline reference for scband-top-k-36653250904599 (READ-ONLY COPY).

The authoritative reference and input builder live on the scoring server;
editing this copy changes nothing except your own understanding.
"""

import jax, jax.numpy as jnp
import numpy as np

K = 64
LAST_N_DIMS = 1

def setup_inputs(seed: int = 0) -> dict:
    key = jax.random.key(seed)
    x = jax.random.normal(key, (64, 32768), dtype=jnp.float32)
    return {"x": x}

def reference(x):
    # transpose is None -> skip
    # last_n_dims=1: flatten last 1 dims (no-op reshape), shape_pool = 32768
    input_shape = x.shape
    shape_pool = 1
    for i in input_shape[-LAST_N_DIMS:]:
        shape_pool *= i
    xr = jnp.reshape(x, input_shape[:-LAST_N_DIMS] + (shape_pool,))
    # tf.nn.l2_normalize(x, -1): x * rsqrt(max(sum(x^2), 1e-12))
    sq = jnp.sum(xr * xr, axis=-1, keepdims=True)
    xn = xr * jax.lax.rsqrt(jnp.maximum(sq, 1e-12))
    top_k_value, top_k_indice = jax.lax.top_k(xn, K)
    # decompose flat indices into coordinates over the flattened last dims
    last_result = top_k_indice[..., None]
    coors = None
    sp = shape_pool
    for i in range(-LAST_N_DIMS, 0):
        sp = sp // input_shape[i]
        c = last_result // sp
        coors = c if coors is None else jnp.concatenate([coors, c], axis=-1)
        last_result = jnp.mod(last_result, sp) if sp > 0 else last_result
    coors = coors.astype(jnp.int32)
    return (coors, top_k_value)

if __name__ == "__main__":
    import jax
    _d = setup_inputs()
    print(jax.jit(kernel)(*tuple(_d.values())))

</pallas_src>

<mosaic_0001>
#map = affine_map<(d0, d1) -> (0, 0)>
#map1 = affine_map<(d0, d1) -> (0)>
module attributes {stable_mosaic.version = 14 : i64} {
  func.func @_kernel_body(%arg0: i32, %arg1: i32, %arg2: memref<64x32768xf32, #tpu.memory_space<hbm>>, %arg3: memref<4096xi32, #tpu.memory_space<hbm>>, %arg4: memref<4096xf32, #tpu.memory_space<hbm>>, %arg5: memref<32768xf32, #tpu.memory_space<vmem>>, %arg6: memref<32768xf32, #tpu.memory_space<vmem>>, %arg7: memref<2064xf32, #tpu.memory_space<vmem>>, %arg8: memref<2064xi32, #tpu.memory_space<vmem>>, %arg9: memref<80xf32, #tpu.memory_space<vmem>>, %arg10: memref<80xi32, #tpu.memory_space<vmem>>, %arg11: memref<16xi32, #tpu.memory_space<vmem>>, %arg12: memref<!tpu.dma_semaphore, #tpu.memory_space<semaphore_mem>>, %arg13: memref<!tpu.dma_semaphore, #tpu.memory_space<semaphore_mem>>) attributes {dimension_semantics = [#tpu.dimension_semantics<core_parallel>, #tpu.dimension_semantics<subcore_parallel>], iteration_bounds = array<i64: 2, 16>, scalar_prefetch = 0 : i64, scratch_operands = 9 : i64, tpu.core_type = #tpu.core_type<sc_vector_subcore>, window_params = [{transform_indices = #map}, {transform_indices = #map1}, {transform_indices = #map1}]} {
    %mul3A = arith.constant 2 : i32
    %mul3A_0 = arith.muli %arg1, %mul3A : i32
    %add3A = arith.addi %mul3A_0, %arg0 : i32
    %mul3A_1 = arith.constant 2 : i32
    %mul3A_2 = arith.muli %add3A, %mul3A_1 : i32
    %dma_start3A = arith.constant 0 : i32
    %dma_start3A_3 = tpu.memref_slice %arg2[%mul3A_2, %dma_start3A] : memref<64x32768xf32, #tpu.memory_space<hbm>> -> memref<1x32768xf32, #tpu.memory_space<hbm>>
    %dma_start3A_4 = tpu.memref_squeeze %dma_start3A_3 : memref<1x32768xf32, #tpu.memory_space<hbm>> -> memref<32768xf32, #tpu.memory_space<hbm>>
    %dma_start3A_5 = arith.constant 0 : i32
    %dma_start3A_6 = tpu.memref_slice %arg2[%mul3A_2, %dma_start3A_5] : memref<64x32768xf32, #tpu.memory_space<hbm>> -> memref<1x32768xf32, #tpu.memory_space<hbm>>
    %dma_start3A_7 = tpu.memref_squeeze %dma_start3A_6 : memref<1x32768xf32, #tpu.memory_space<hbm>> -> memref<32768xf32, #tpu.memory_space<hbm>>
    tpu.enqueue_dma source(%dma_start3A_7 : memref<32768xf32, #tpu.memory_space<hbm>>) target(%arg5 : memref<32768xf32, #tpu.memory_space<vmem>>) target_semaphore(%arg12 : memref<!tpu.dma_semaphore, #tpu.memory_space<semaphore_mem>>)
    %add3A_8 = arith.constant 1 : i32
    %add3A_9 = arith.addi %mul3A_2, %add3A_8 : i32
    %dma_start3A_10 = arith.constant 0 : i32
    %dma_start3A_11 = tpu.memref_slice %arg2[%add3A_9, %dma_start3A_10] : memref<64x32768xf32, #tpu.memory_space<hbm>> -> memref<1x32768xf32, #tpu.memory_space<hbm>>
    %dma_start3A_12 = tpu.memref_squeeze %dma_start3A_11 : memref<1x32768xf32, #tpu.memory_space<hbm>> -> memref<32768xf32, #tpu.memory_space<hbm>>
    %dma_start3A_13 = arith.constant 0 : i32
    %dma_start3A_14 = tpu.memref_slice %arg2[%add3A_9, %dma_start3A_13] : memref<64x32768xf32, #tpu.memory_space<hbm>> -> memref<1x32768xf32, #tpu.memory_space<hbm>>
    %dma_start3A_15 = tpu.memref_squeeze %dma_start3A_14 : memref<1x32768xf32, #tpu.memory_space<hbm>> -> memref<32768xf32, #tpu.memory_space<hbm>>
    tpu.enqueue_dma source(%dma_start3A_15 : memref<32768xf32, #tpu.memory_space<hbm>>) target(%arg6 : memref<32768xf32, #tpu.memory_space<vmem>>) target_semaphore(%arg13 : memref<!tpu.dma_semaphore, #tpu.memory_space<semaphore_mem>>)
    %add3A_16 = arith.constant 0 : i32
    %add3A_17 = arith.addi %mul3A_2, %add3A_16 : i32
    %dma_wait3A = arith.constant 0 : i32
    %dma_wait3A_18 = tpu.memref_slice %arg2[%mul3A_2, %dma_wait3A] : memref<64x32768xf32, #tpu.memory_space<hbm>> -> memref<1x32768xf32, #tpu.memory_space<hbm>>
    %dma_wait3A_19 = tpu.memref_squeeze %dma_wait3A_18 : memref<1x32768xf32, #tpu.memory_space<hbm>> -> memref<32768xf32, #tpu.memory_space<hbm>>
    %dma_wait3A_20 = arith.constant 0 : i32
    %dma_wait3A_21 = tpu.memref_slice %arg2[%mul3A_2, %dma_wait3A_20] : memref<64x32768xf32, #tpu.memory_space<hbm>> -> memref<1x32768xf32, #tpu.memory_space<hbm>>
    %dma_wait3A_22 = tpu.memref_squeeze %dma_wait3A_21 : memref<1x32768xf32, #tpu.memory_space<hbm>> -> memref<32768xf32, #tpu.memory_space<hbm>>
    tpu.wait_dma2 semaphore(%arg12 : memref<!tpu.dma_semaphore, #tpu.memory_space<semaphore_mem>>) src(%dma_wait3A_22 : memref<32768xf32, #tpu.memory_space<hbm>>) dst(%arg5 : memref<32768xf32, #tpu.memory_space<vmem>>)
    %iota3A = tpu.iota {dimensions = array<i32: 0>} : vector<16xi32>
    %broadcast_in_dim3A = arith.constant 0xFF800000 : f32
    %broadcast_in_dim3A_23 = vector.broadcast %broadcast_in_dim3A : f32 to vector<16xf32>
    %add3A_24 = arith.constant 2048 : i32
    %add3A_25 = vector.broadcast %add3A_24 : i32 to vector<16xi32>
    %add3A_26 = arith.addi %add3A_25, %iota3A : vector<16xi32>
    %swap3A = arith.constant 0 : index
    %swap3A_27 = tpu.vector_load %arg7[%swap3A] {strides = array<i32>} : memref<2064xf32, #tpu.memory_space<vmem>>, vector<16xf32>,
    tpu.vector_store %arg7[%swap3A], %broadcast_in_dim3A_23 {strides = array<i32>} : memref<2064xf32, #tpu.memory_space<vmem>>, vector<16xf32>,
    %swap3A_28 = arith.constant 16 : index
    %swap3A_29 = tpu.vector_load %arg7[%swap3A_28] {strides = array<i32>} : memref<2064xf32, #tpu.memory_space<vmem>>, vector<16xf32>,
    tpu.vector_store %arg7[%swap3A_28], %broadcast_in_dim3A_23 {strides = array<i32>} : memref<2064xf32, #tpu.memory_space<vmem>>, vector<16xf32>,
    %swap3A_30 = arith.constant 32 : index
    %swap3A_31 = tpu.vector_load %arg7[%swap3A_30] {strides = array<i32>} : memref<2064xf32, #tpu.memory_space<vmem>>, vector<16xf32>,
    tpu.vector_store %arg7[%swap3A_30], %broadcast_in_dim3A_23 {strides = array<i32>} : memref<2064xf32, #tpu.memory_space<vmem>>, vector<16xf32>,
    %swap3A_32 = arith.constant 48 : index
    %swap3A_33 = tpu.vector_load %arg7[%swap3A_32] {strides = array<i32>} : memref<2064xf32, #tpu.memory_space<vmem>>, vector<16xf32>,
    tpu.vector_store %arg7[%swap3A_32], %broadcast_in_dim3A_23 {strides = array<i32>} : memref<2064xf32, #tpu.memory_space<vmem>>, vector<16xf32>,
    %swap3A_34 = arith.constant 64 : index
    %swap3A_35 = tpu.vector_load %arg7[%swap3A_34] {strides = array<i32>} : memref<2064xf32, #tpu.memory_space<vmem>>, vector<16xf32>,
    tpu.vector_store %arg7[%swap3A_34], %broadcast_in_dim3A_23 {strides = array<i32>} : memref<2064xf32, #tpu.memory_space<vmem>>, vector<16xf32>,
    %swap3A_36 = arith.constant 80 : index
    %swap3A_37 = tpu.vector_load %arg7[%swap3A_36] {strides = array<i32>} : memref<2064xf32, #tpu.memory_space<vmem>>, vector<16xf32>,
    tpu.vector_store %arg7[%swap3A_36], %broadcast_in_dim3A_23 {strides = array<i32>} : memref<2064xf32, #tpu.memory_space<vmem>>, vector<16xf32>,
    %swap3A_38 = arith.constant 96 : index
    %swap3A_39 = tpu.vector_load %arg7[%swap3A_38] {strides = array<i32>} : memref<2064xf32, #tpu.memory_space<vmem>>, vector<16xf32>,
    tpu.vector_store %arg7[%swap3A_38], %broadcast_in_dim3A_23 {strides = array<i32>} : memref<2064xf32, #tpu.memory_space<vmem>>, vector<16xf32>,
    %swap3A_40 = arith.constant 112 : index
    %swap3A_41 = tpu.vector_load %arg7[%swap3A_40] {strides = array<i32>} : memref<2064xf32, #tpu.memory_space<vmem>>, vector<16xf32>,
    tpu.vector_store %arg7[%swap3A_40], %broadcast_in_dim3A_23 {strides = array<i32>} : memref<2064xf32, #tpu.memory_space<vmem>>, vector<16xf32>,
    %swap3A_42 = arith.constant 128 : index
    %swap3A_43 = tpu.vector_load %arg7[%swap3A_42] {strides = array<i32>} : memref<2064xf32, #tpu.memory_space<vmem>>, vector<16xf32>,
    tpu.vector_store %arg7[%swap3A_42], %broadcast_in_dim3A_23 {strides = array<i32>} : memref<2064xf32, #tpu.memory_space<vmem>>, vector<16xf32>,
    %swap3A_44 = arith.constant 144 : index
    %swap3A_45 = tpu.vector_load %arg7[%swap3A_44] {strides = array<i32>} : memref<2064xf32, #tpu.memory_space<vmem>>, vector<16xf32>,
    tpu.vector_store %arg7[%swap3A_44], %broadcast_in_dim3A_23 {strides = array<i32>} : memref<2064xf32, #tpu.memory_space<vmem>>, vector<16xf32>,
    %swap3A_46 = arith.constant 160 : index
    %swap3A_47 = tpu.vector_load %arg7[%swap3A_46] {strides = array<i32>} : memref<2064xf32, #tpu.memory_space<vmem>>, vector<16xf32>,
    tpu.vector_store %arg7[%swap3A_46], %broadcast_in_dim3A_23 {strides = array<i32>} : memref<2064xf32, #tpu.memory_space<vmem>>, vector<16xf32>,
    %swap3A_48 = arith.constant 176 : index
    %swap3A_49 = tpu.vector_load %arg7[%swap3A_48] {strides = array<i32>} : memref<2064xf32, #tpu.memory_space<vmem>>, vector<16xf32>,
    tpu.vector_store %arg7[%swap3A_48], %broadcast_in_dim3A_23 {strides = array<i32>} : memref<2064xf32, #tpu.memory_space<vmem>>, vector<16xf32>,
    %swap3A_50 = arith.constant 192 : index
    %swap3A_51 = tpu.vector_load %arg7[%swap3A_50] {strides = array<i32>} : memref<2064xf32, #tpu.memory_space<vmem>>, vector<16xf32>,
    tpu.vector_store %arg7[%swap3A_50], %broadcast_in_dim3A_23 {strides = array<i32>} : memref<2064xf32, #tpu.memory_space<vmem>>, vector<16xf32>,
    %swap3A_52 = arith.constant 208 : index
    %swap3A_53 = tpu.vector_load %arg7[%swap3A_52] {strides = array<i32>} : memref<2064xf32, #tpu.memory_space<vmem>>, vector<16xf32>,
    tpu.vector_store %arg7[%swap3A_52], %broadcast_in_dim3A_23 {strides = array<i32>} : memref<2064xf32, #tpu.memory_space<vmem>>, vector<16xf32>,
    %swap3A_54 = arith.constant 224 : index
    %swap3A_55 = tpu.vector_load %arg7[%swap3A_54] {strides = array<i32>} : memref<2064xf32, #tpu.memory_space<vmem>>, vector<16xf32>,
    tpu.vector_store %arg7[%swap3A_54], %broadcast_in_dim3A_23 {strides = array<i32>} : memref<2064xf32, #tpu.memory_space<vmem>>, vector<16xf32>,
    %swap3A_56 = arith.constant 240 : index
    %swap3A_57 = tpu.vector_load %arg7[%swap3A_56] {strides = array<i32>} : memref<2064xf32, #tpu.memory_space<vmem>>, vector<16xf32>,
    tpu.vector_store %arg7[%swap3A_56], %broadcast_in_dim3A_23 {strides = array<i32>} : memref<2064xf32, #tpu.memory_space<vmem>>, vector<16xf32>,
    %swap3A_58 = arith.constant 256 : index
    %swap3A_59 = tpu.vector_load %arg7[%swap3A_58] {strides = array<i32>} : memref<2064xf32, #tpu.memory_space<vmem>>, vector<16xf32>,
    tpu.vector_store %arg7[%swap3A_58], %broadcast_in_dim3A_23 {strides = array<i32>} : memref<2064xf32, #tpu.memory_space<vmem>>, vector<16xf32>,
    %swap3A_60 = arith.constant 272 : index
    %swap3A_61 = tpu.vector_load %arg7[%swap3A_60] {strides = array<i32>} : memref<2064xf32, #tpu.memory_space<vmem>>, vector<16xf32>,
    tpu.vector_store %arg7[%swap3A_60], %broadcast_in_dim3A_23 {strides = array<i32>} : memref<2064xf32, #tpu.memory_space<vmem>>, vector<16xf32>,
    %swap3A_62 = arith.constant 288 : index
    %swap3A_63 = tpu.vector_load %arg7[%swap3A_62] {strides = array<i32>} : memref<2064xf32, #tpu.memory_space<vmem>>, vector<16xf32>,
    tpu.vector_store %arg7[%swap3A_62], %broadcast_in_dim3A_23 {strides = array<i32>} : memref<2064xf32, #tpu.memory_space<vmem>>, vector<16xf32>,
    %swap3A_64 = arith.constant 304 : index
    %swap3A_65 = tpu.vector_load %arg7[%swap3A_64] {strides = array<i32>} : memref<2064xf32, #tpu.memory_space<vmem>>, vector<16xf32>,
    tpu.vector_store %arg7[%swap3A_64], %broadcast_in_dim3A_23 {strides = array<i32>} : memref<2064xf32, #tpu.memory_space<vmem>>, vector<16xf32>,
    %swap3A_66 = arith.constant 320 : index
    %swap3A_67 = tpu.vector_load %arg7[%swap3A_66] {strides = array<i32>} : memref<2064xf32, #tpu.memory_space<vmem>>, vector<16xf32>,
    tpu.vector_store %arg7[%swap3A_66], %broadcast_in_dim3A_23 {strides = array<i32>} : memref<2064xf32, #tpu.memory_space<vmem>>, vector<16xf32>,
    %swap3A_68 = arith.constant 336 : index
    %swap3A_69 = tpu.vector_load %arg7[%swap3A_68] {strides = array<i32>} : memref<2064xf32, #tpu.memory_space<vmem>>, vector<16xf32>,
    tpu.vector_store %arg7[%swap3A_68], %broadcast_in_dim3A_23 {strides = array<i32>} : memref<2064xf32, #tpu.memory_space<vmem>>, vector<16xf32>,
    %swap3A_70 = arith.constant 352 : index
    %swap3A_71 = tpu.vector_load %arg7[%swap3A_70] {strides = array<i32>} : memref<2064xf32, #tpu.memory_space<vmem>>, vector<16xf32>,
    tpu.vector_store %arg7[%swap3A_70], %broadcast_in_dim3A_23 {strides = array<i32>} : memref<2064xf32, #tpu.memory_space<vmem>>, vector<16xf32>,
    %swap3A_72 = arith.constant 368 : index
    %swap3A_73 = tpu.vector_load %arg7[%swap3A_72] {strides = array<i32>} : memref<2064xf32, #tpu.memory_space<vmem>>, vector<16xf32>,
    tpu.vector_store %arg7[%swap3A_72], %broadcast_in_dim3A_23 {strides = array<i32>} : memref<2064xf32, #tpu.memory_space<vmem>>, vector<16xf32>,
    %swap3A_74 = arith.constant 384 : index
    %swap3A_75 = tpu.vector_load %arg7[%swap3A_74] {strides = array<i32>} : memref<2064xf32, #tpu.memory_space<vmem>>, vector<16xf32>,
    tpu.vector_store %arg7[%swap3A_74], %broadcast_in_dim3A_23 {strides = array<i32>} : memref<2064xf32, #tpu.memory_space<vmem>>, vector<16xf32>,
    %swap3A_76 = arith.constant 400 : index
    %swap3A_77 = tpu.vector_load %arg7[%swap3A_76] {strides = array<i32>} : memref<2064xf32, #tpu.memory_space<vmem>>, vector<16xf32>,
    tpu.vector_store %arg7[%swap3A_76], %broadcast_in_dim3A_23 {strides = array<i32>} : memref<2064xf32, #tpu.memory_space<vmem>>, vector<16xf32>,
    %swap3A_78 = arith.constant 416 : index
    %swap3A_79 = tpu.vector_load %arg7[%swap3A_78] {strides = array<i32>} : memref<2064xf32, #tpu.memory_space<vmem>>, vector<16xf32>,
    tpu.vector_store %arg7[%swap3A_78], %broadcast_in_dim3A_23 {strides = array<i32>} : memref<2064xf32, #tpu.memory_space<vmem>>, vector<16xf32>,
    %swap3A_80 = arith.constant 432 : index
    %swap3A_81 = tpu.vector_load %arg7[%swap3A_80] {strides = array<i32>} : memref<2064xf32, #tpu.memory_space<vmem>>, vector<16xf32>,
    tpu.vector_store %arg7[%swap3A_80], %broadcast_in_dim3A_23 {strides = array<i32>} : memref<2064xf32, #tpu.memory_space<vmem>>, vector<16xf32>,
    %swap3A_82 = arith.constant 448 : index
    %swap3A_83 = tpu.vector_load %arg7[%swap3A_82] {strides = array<i32>} : memref<2064xf32, #tpu.memory_space<vmem>>, vector<16xf32>,
    tpu.vector_store %arg7[%swap3A_82], %broadcast_in_dim3A_23 {strides = array<i32>} : memref<2064xf32, #tpu.memory_space<vmem>>, vector<16xf32>,
    %swap3A_84 = arith.constant 464 : index
    %swap3A_85 = tpu.vector_load %arg7[%swap3A_84] {strides = array<i32>} : memref<2064xf32, #tpu.memory_space<vmem>>, vector<16xf32>,
    tpu.vector_store %arg7[%swap3A_84], %broadcast_in_dim3A_23 {strides = array<i32>} : memref<2064xf32, #tpu.memory_space<vmem>>, vector<16xf32>,
    %swap3A_86 = arith.constant 480 : index
    %swap3A_87 = tpu.vector_load %arg7[%swap3A_86] {strides = array<i32>} : memref<2064xf32, #tpu.memory_space<vmem>>, vector<16xf32>,
    tpu.vector_store %arg7[%swap3A_86], %broadcast_in_dim3A_23 {strides = array<i32>} : memref<2064xf32, #tpu.memory_space<vmem>>, vector<16xf32>,
    %swap3A_88 = arith.constant 496 : index
    %swap3A_89 = tpu.vector_load %arg7[%swap3A_88] {strides = array<i32>} : memref<2064xf32, #tpu.memory_space<vmem>>, vector<16xf32>,
    tpu.vector_store %arg7[%swap3A_88], %broadcast_in_dim3A_23 {strides = array<i32>} : memref<2064xf32, #tpu.memory_space<vmem>>, vector<16xf32>,
    %swap3A_90 = arith.constant 512 : index
    %swap3A_91 = tpu.vector_load %arg7[%swap3A_90] {strides = array<i32>} : memref<2064xf32, #tpu.memory_space<vmem>>, vector<16xf32>,
    tpu.vector_store %arg7[%swap3A_90], %broadcast_in_dim3A_23 {strides = array<i32>} : memref<2064xf32, #tpu.memory_space<vmem>>, vector<16xf32>,
    %swap3A_92 = arith.constant 528 : index
    %swap3A_93 = tpu.vector_load %arg7[%swap3A_92] {strides = array<i32>} : memref<2064xf32, #tpu.memory_space<vmem>>, vector<16xf32>,
    tpu.vector_store %arg7[%swap3A_92], %broadcast_in_dim3A_23 {strides = array<i32>} : memref<2064xf32, #tpu.memory_space<vmem>>, vector<16xf32>,
    %swap3A_94 = arith.constant 544 : index
    %swap3A_95 = tpu.vector_load %arg7[%swap3A_94] {strides = array<i32>} : memref<2064xf32, #tpu.memory_space<vmem>>, vector<16xf32>,
    tpu.vector_store %arg7[%swap3A_94], %broadcast_in_dim3A_23 {strides = array<i32>} : memref<2064xf32, #tpu.memory_space<vmem>>, vector<16xf32>,
    %swap3A_96 = arith.constant 560 : index
    %swap3A_97 = tpu.vector_load %arg7[%swap3A_96] {strides = array<i32>} : memref<2064xf32, #tpu.memory_space<vmem>>, vector<16xf32>,
    tpu.vector_store %arg7[%swap3A_96], %broadcast_in_dim3A_23 {strides = array<i32>} : memref<2064xf32, #tpu.memory_space<vmem>>, vector<16xf32>,
    %swap3A_98 = arith.constant 576 : index
    %swap3A_99 = tpu.vector_load %arg7[%swap3A_98] {strides = array<i32>} : memref<2064xf32, #tpu.memory_space<vmem>>, vector<16xf32>,
    tpu.vector_store %arg7[%swap3A_98], %broadcast_in_dim3A_23 {strides = array<i32>} : memref<2064xf32, #tpu.memory_space<vmem>>, vector<16xf32>,
    %swap3A_100 = arith.constant 592 : index
    %swap3A_101 = tpu.vector_load %arg7[%swap3A_100] {strides = array<i32>} : memref<2064xf32, #tpu.memory_space<vmem>>, vector<16xf32>,
    tpu.vector_store %arg7[%swap3A_100], %broadcast_in_dim3A_23 {strides = array<i32>} : memref<2064xf32, #tpu.memory_space<vmem>>, vector<16xf32>,
    %swap3A_102 = arith.constant 608 : index
    %swap3A_103 = tpu.vector_load %arg7[%swap3A_102] {strides = array<i32>} : memref<2064xf32, #tpu.memory_space<vmem>>, vector<16xf32>,
    tpu.vector_store %arg7[%swap3A_102], %broadcast_in_dim3A_23 {strides = array<i32>} : memref<2064xf32, #tpu.memory_space<vmem>>, vector<16xf32>,
    %swap3A_104 = arith.constant 624 : index
    %swap3A_105 = tpu.vector_load %arg7[%swap3A_104] {strides = array<i32>} : memref<2064xf32, #tpu.memory_space<vmem>>, vector<16xf32>,
    tpu.vector_store %arg7[%swap3A_104], %broadcast_in_dim3A_23 {strides = array<i32>} : memref<2064xf32, #tpu.memory_space<vmem>>, vector<16xf32>,
    %swap3A_106 = arith.constant 640 : index
    %swap3A_107 = tpu.vector_load %arg7[%swap3A_106] {strides = array<i32>} : memref<2064xf32, #tpu.memory_space<vmem>>, vector<16xf32>,
    tpu.vector_store %arg7[%swap3A_106], %broadcast_in_dim3A_23 {strides = array<i32>} : memref<2064xf32, #tpu.memory_space<vmem>>, vector<16xf32>,
    %swap3A_108 = arith.constant 656 : index
    %swap3A_109 = tpu.vector_load %arg7[%swap3A_108] {strides = array<i32>} : memref<2064xf32, #tpu.memory_space<vmem>>, vector<16xf32>,
    tpu.vector_store %arg7[%swap3A_108], %broadcast_in_dim3A_23 {strides = array<i32>} : memref<2064xf32, #tpu.memory_space<vmem>>, vector<16xf32>,
    %swap3A_110 = arith.constant 672 : index
    %swap3A_111 = tpu.vector_load %arg7[%swap3A_110] {strides = array<i32>} : memref<2064xf32, #tpu.memory_space<vmem>>, vector<16xf32>,
    tpu.vector_store %arg7[%swap3A_110], %broadcast_in_dim3A_23 {strides = array<i32>} : memref<2064xf32, #tpu.memory_space<vmem>>, vector<16xf32>,
    %swap3A_112 = arith.constant 688 : index
    %swap3A_113 = tpu.vector_load %arg7[%swap3A_112] {strides = array<i32>} : memref<2064xf32, #tpu.memory_space<vmem>>, vector<16xf32>,
    tpu.vector_store %arg7[%swap3A_112], %broadcast_in_dim3A_23 {strides = array<i32>} : memref<2064xf32, #tpu.memory_space<vmem>>, vector<16xf32>,
    %swap3A_114 = arith.constant 704 : index
    %swap3A_115 = tpu.vector_load %arg7[%swap3A_114] {strides = array<i32>} : memref<2064xf32, #tpu.memory_space<vmem>>, vector<16xf32>,
    tpu.vector_store %arg7[%swap3A_114], %broadcast_in_dim3A_23 {strides = array<i32>} : memref<2064xf32, #tpu.memory_space<vmem>>, vector<16xf32>,
    %swap3A_116 = arith.constant 720 : index
    %swap3A_117 = tpu.vector_load %arg7[%swap3A_116] {strides = array<i32>} : memref<2064xf32, #tpu.memory_space<vmem>>, vector<16xf32>,
    tpu.vector_store %arg7[%swap3A_116], %broadcast_in_dim3A_23 {strides = array<i32>} : memref<2064xf32, #tpu.memory_space<vmem>>, vector<16xf32>,
    %swap3A_118 = arith.constant 736 : index
    %swap3A_119 = tpu.vector_load %arg7[%swap3A_118] {strides = array<i32>} : memref<2064xf32, #tpu.memory_space<vmem>>, vector<16xf32>,
    tpu.vector_store %arg7[%swap3A_118], %broadcast_in_dim3A_23 {strides = array<i32>} : memref<2064xf32, #tpu.memory_space<vmem>>, vector<16xf32>,
    %swap3A_120 = arith.constant 752 : index
    %swap3A_121 = tpu.vector_load %arg7[%swap3A_120] {strides = array<i32>} : memref<2064xf32, #tpu.memory_space<vmem>>, vector<16xf32>,
    tpu.vector_store %arg7[%swap3A_120], %broadcast_in_dim3A_23 {strides = array<i32>} : memref<2064xf32, #tpu.memory_space<vmem>>, vector<16xf32>,
    %swap3A_122 = arith.constant 768 : index
    %swap3A_123 = tpu.vector_load %arg7[%swap3A_122] {strides = array<i32>} : memref<2064xf32, #tpu.memory_space<vmem>>, vector<16xf32>,
    tpu.vector_store %arg7[%swap3A_122], %broadcast_in_dim3A_23 {strides = array<i32>} : memref<2064xf32, #tpu.memory_space<vmem>>, vector<16xf32>,
    %swap3A_124 = arith.constant 784 : index
    %swap3A_125 = tpu.vector_load %arg7[%swap3A_124] {strides = array<i32>} : memref<2064xf32, #tpu.memory_space<vmem>>, vector<16xf32>,
    tpu.vector_store %arg7[%swap3A_124], %broadcast_in_dim3A_23 {strides = array<i32>} : memref<2064xf32, #tpu.memory_space<vmem>>, vector<16xf32>,
    %swap3A_126 = arith.constant 800 : index
    %swap3A_127 = tpu.vector_load %arg7[%swap3A_126] {strides = array<i32>} : memref<2064xf32, #tpu.memory_space<vmem>>, vector<16xf32>,
    tpu.vector_store %arg7[%swap3A_126], %broadcast_in_dim3A_23 {strides = array<i32>} : memref<2064xf32, #tpu.memory_space<vmem>>, vector<16xf32>,
    %swap3A_128 = arith.constant 816 : index
    %swap3A_129 = tpu.vector_load %arg7[%swap3A_128] {strides = array<i32>} : memref<2064xf32, #tpu.memory_space<vmem>>, vector<16xf32>,
    tpu.vector_store %arg7[%swap3A_128], %broadcast_in_dim3A_23 {strides = array<i32>} : memref<2064xf32, #tpu.memory_space<vmem>>, vector<16xf32>,
    %swap3A_130 = arith.constant 832 : index
    %swap3A_131 = tpu.vector_load %arg7[%swap3A_130] {strides = array<i32>} : memref<2064xf32, #tpu.memory_space<vmem>>, vector<16xf32>,
    tpu.vector_store %arg7[%swap3A_130], %broadcast_in_dim3A_23 {strides = array<i32>} : memref<2064xf32, #tpu.memory_space<vmem>>, vector<16xf32>,
    %swap3A_132 = arith.constant 848 : index
    %swap3A_133 = tpu.vector_load %arg7[%swap3A_132] {strides = array<i32>} : memref<2064xf32, #tpu.memory_space<vmem>>, vector<16xf32>,
    tpu.vector_store %arg7[%swap3A_132], %broadcast_in_dim3A_23 {strides = array<i32>} : memref<2064xf32, #tpu.memory_space<vmem>>, vector<16xf32>,
    %swap3A_134 = arith.constant 864 : index
    %swap3A_135 = tpu.vector_load %arg7[%swap3A_134] {strides = array<i32>} : memref<2064xf32, #tpu.memory_space<vmem>>, vector<16xf32>,
    tpu.vector_store %arg7[%swap3A_134], %broadcast_in_dim3A_23 {strides = array<i32>} : memref<2064xf32, #tpu.memory_space<vmem>>, vector<16xf32>,
    %swap3A_136 = arith.constant 880 : index
    %swap3A_137 = tpu.vector_load %arg7[%swap3A_136] {strides = array<i32>} : memref<2064xf32, #tpu.memory_space<vmem>>, vector<16xf32>,
    tpu.vector_store %arg7[%swap3A_136], %broadcast_in_dim3A_23 {strides = array<i32>} : memref<2064xf32, #tpu.memory_space<vmem>>, vector<16xf32>,
    %swap3A_138 = arith.constant 896 : index
    %swap3A_139 = tpu.vector_load %arg7[%swap3A_138] {strides = array<i32>} : memref<2064xf32, #tpu.memory_space<vmem>>, vector<16xf32>,
    tpu.vector_store %arg7[%swap3A_138], %broadcast_in_dim3A_23 {strides = array<i32>} : memref<2064xf32, #tpu.memory_space<vmem>>, vector<16xf32>,
    %swap3A_140 = arith.constant 912 : index
    %swap3A_141 = tpu.vector_load %arg7[%swap3A_140] {strides = array<i32>} : memref<2064xf32, #tpu.memory_space<vmem>>, vector<16xf32>,
    tpu.vector_store %arg7[%swap3A_140], %broadcast_in_dim3A_23 {strides = array<i32>} : memref<2064xf32, #tpu.memory_space<vmem>>, vector<16xf32>,
    %swap3A_142 = arith.constant 928 : index
    %swap3A_143 = tpu.vector_load %arg7[%swap3A_142] {strides = array<i32>} : memref<2064xf32, #tpu.memory_space<vmem>>, vector<16xf32>,
    tpu.vector_store %arg7[%swap3A_142], %broadcast_in_dim3A_23 {strides = array<i32>} : memref<2064xf32, #tpu.memory_space<vmem>>, vector<16xf32>,
    %swap3A_144 = arith.constant 944 : index
    %swap3A_145 = tpu.vector_load %arg7[%swap3A_144] {strides = array<i32>} : memref<2064xf32, #tpu.memory_space<vmem>>, vector<16xf32>,
    tpu.vector_store %arg7[%swap3A_144], %broadcast_in_dim3A_23 {strides = array<i32>} : memref<2064xf32, #tpu.memory_space<vmem>>, vector<16xf32>,
    %swap3A_146 = arith.constant 960 : index
    %swap3A_147 = tpu.vector_load %arg7[%swap3A_146] {strides = array<i32>} : memref<2064xf32, #tpu.memory_space<vmem>>, vector<16xf32>,
    tpu.vector_store %arg7[%swap3A_146], %broadcast_in_dim3A_23 {strides = array<i32>} : memref<2064xf32, #tpu.memory_space<vmem>>, vector<16xf32>,
    %swap3A_148 = arith.constant 976 : index
    %swap3A_149 = tpu.vector_load %arg7[%swap3A_148] {strides = array<i32>} : memref<2064xf32, #tpu.memory_space<vmem>>, vector<16xf32>,
    tpu.vector_store %arg7[%swap3A_148], %broadcast_in_dim3A_23 {strides = array<i32>} : memref<2064xf32, #tpu.memory_space<vmem>>, vector<16xf32>,
    %swap3A_150 = arith.constant 992 : index
    %swap3A_151 = tpu.vector_load %arg7[%swap3A_150] {strides = array<i32>} : memref<2064xf32, #tpu.memory_space<vmem>>, vector<16xf32>,
    tpu.vector_store %arg7[%swap3A_150], %broadcast_in_dim3A_23 {strides = array<i32>} : memref<2064xf32, #tpu.memory_space<vmem>>, vector<16xf32>,
    %swap3A_152 = arith.constant 1008 : index
    %swap3A_153 = tpu.vector_load %arg7[%swap3A_152] {strides = array<i32>} : memref<2064xf32, #tpu.memory_space<vmem>>, vector<16xf32>,
    tpu.vector_store %arg7[%swap3A_152], %broadcast_in_dim3A_23 {strides = array<i32>} : memref<2064xf32, #tpu.memory_space<vmem>>, vector<16xf32>,
    %swap3A_154 = arith.constant 1024 : index
    %swap3A_155 = tpu.vector_load %arg7[%swap3A_154] {strides = array<i32>} : memref<2064xf32, #tpu.memory_space<vmem>>, vector<16xf32>,
    tpu.vector_store %arg7[%swap3A_154], %broadcast_in_dim3A_23 {strides = array<i32>} : memref<2064xf32, #tpu.memory_space<vmem>>, vector<16xf32>,
    %swap3A_156 = arith.constant 1040 : index
    %swap3A_157 = tpu.vector_load %arg7[%swap3A_156] {strides = array<i32>} : memref<2064xf32, #tpu.memory_space<vmem>>, vector<16xf32>,
    tpu.vector_store %arg7[%swap3A_156], %broadcast_in_dim3A_23 {strides = array<i32>} : memref<2064xf32, #tpu.memory_space<vmem>>, vector<16xf32>,
    %swap3A_158 = arith.constant 1056 : index
    %swap3A_159 = tpu.vector_load %arg7[%swap3A_158] {strides = array<i32>} : memref<2064xf32, #tpu.memory_space<vmem>>, vector<16xf32>,
    tpu.vector_store %arg7[%swap3A_158], %broadcast_in_dim3A_23 {strides = array<i32>} : memref<2064xf32, #tpu.memory_space<vmem>>, vector<16xf32>,
    %swap3A_160 = arith.constant 1072 : index
    %swap3A_161 = tpu.vector_load %arg7[%swap3A_160] {strides = array<i32>} : memref<2064xf32, #tpu.memory_space<vmem>>, vector<16xf32>,
    tpu.vector_store %arg7[%swap3A_160], %broadcast_in_dim3A_23 {strides = array<i32>} : memref<2064xf32, #tpu.memory_space<vmem>>, vector<16xf32>,
    %swap3A_162 = arith.constant 1088 : index
    %swap3A_163 = tpu.vector_load %arg7[%swap3A_162] {strides = array<i32>} : memref<2064xf32, #tpu.memory_space<vmem>>, vector<16xf32>,
    tpu.vector_store %arg7[%swap3A_162], %broadcast_in_dim3A_23 {strides = array<i32>} : memref<2064xf32, #tpu.memory_space<vmem>>, vector<16xf32>,
    %swap3A_164 = arith.constant 1104 : index
    %swap3A_165 = tpu.vector_load %arg7[%swap3A_164] {strides = array<i32>} : memref<2064xf32, #tpu.memory_space<vmem>>, vector<16xf32>,
    tpu.vector_store %arg7[%swap3A_164], %broadcast_in_dim3A_23 {strides = array<i32>} : memref<2064xf32, #tpu.memory_space<vmem>>, vector<16xf32>,
    %swap3A_166 = arith.constant 1120 : index
    %swap3A_167 = tpu.vector_load %arg7[%swap3A_166] {strides = array<i32>} : memref<2064xf32, #tpu.memory_space<vmem>>, vector<16xf32>,
    tpu.vector_store %arg7[%swap3A_166], %broadcast_in_dim3A_23 {strides = array<i32>} : memref<2064xf32, #tpu.memory_space<vmem>>, vector<16xf32>,
    %swap3A_168 = arith.constant 1136 : index
    %swap3A_169 = tpu.vector_load %arg7[%swap3A_168] {strides = array<i32>} : memref<2064xf32, #tpu.memory_space<vmem>>, vector<16xf32>,
    tpu.vector_store %arg7[%swap3A_168], %broadcast_in_dim3A_23 {strides = array<i32>} : memref<2064xf32, #tpu.memory_space<vmem>>, vector<16xf32>,
    %swap3A_170 = arith.constant 1152 : index
    %swap3A_171 = tpu.vector_load %arg7[%swap3A_170] {strides = array<i32>} : memref<2064xf32, #tpu.memory_space<vmem>>, vector<16xf32>,
    tpu.vector_store %arg7[%swap3A_170], %broadcast_in_dim3A_23 {strides = array<i32>} : memref<2064xf32, #tpu.memory_space<vmem>>, vector<16xf32>,
    %swap3A_172 = arith.constant 1168 : index
    %swap3A_173 = tpu.vector_load %arg7[%swap3A_172] {strides = array<i32>} : memref<2064xf32, #tpu.memory_space<vmem>>, vector<16xf32>,
    tpu.vector_store %arg7[%swap3A_172], %broadcast_in_dim3A_23 {strides = array<i32>} : memref<2064xf32, #tpu.memory_space<vmem>>, vector<16xf32>,
    %swap3A_174 = arith.constant 1184 : index
    %swap3A_175 = tpu.vector_load %arg7[%swap3A_174] {strides = array<i32>} : memref<2064xf32, #tpu.memory_space<vmem>>, vector<16xf32>,
    tpu.vector_store %arg7[%swap3A_174], %broadcast_in_dim3A_23 {strides = array<i32>} : memref<2064xf32, #tpu.memory_space<vmem>>, vector<16xf32>,
    %swap3A_176 = arith.constant 1200 : index
    %swap3A_177 = tpu.vector_load %arg7[%swap3A_176] {strides = array<i32>} : memref<2064xf32, #tpu.memory_space<vmem>>, vector<16xf32>,
    tpu.vector_store %arg7[%swap3A_176], %broadcast_in_dim3A_23 {strides = array<i32>} : memref<2064xf32, #tpu.memory_space<vmem>>, vector<16xf32>,
    %swap3A_178 = arith.constant 1216 : index
    %swap3A_179 = tpu.vector_load %arg7[%swap3A_178] {strides = array<i32>} : memref<2064xf32, #tpu.memory_space<vmem>>, vector<16xf32>,
    tpu.vector_store %arg7[%swap3A_178], %broadcast_in_dim3A_23 {strides = array<i32>} : memref<2064xf32, #tpu.memory_space<vmem>>, vector<16xf32>,
    %swap3A_180 = arith.constant 1232 : index
    %swap3A_181 = tpu.vector_load %arg7[%swap3A_180] {strides = array<i32>} : memref<2064xf32, #tpu.memory_space<vmem>>, vector<16xf32>,
    tpu.vector_store %arg7[%swap3A_180], %broadcast_in_dim3A_23 {strides = array<i32>} : memref<2064xf32, #tpu.memory_space<vmem>>, vector<16xf32>,
    %swap3A_182 = arith.constant 1248 : index
    %swap3A_183 = tpu.vector_load %arg7[%swap3A_182] {strides = array<i32>} : memref<2064xf32, #tpu.memory_space<vmem>>, vector<16xf32>,
    tpu.vector_store %arg7[%swap3A_182], %broadcast_in_dim3A_23 {strides = array<i32>} : memref<2064xf32, #tpu.memory_space<vmem>>, vector<16xf32>,
    %swap3A_184 = arith.constant 1264 : index
    %swap3A_185 = tpu.vector_load %arg7[%swap3A_184] {strides = array<i32>} : memref<2064xf32, #tpu.memory_space<vmem>>, vector<16xf32>,
    tpu.vector_store %arg7[%swap3A_184], %broadcast_in_dim3A_23 {strides = array<i32>} : memref<2064xf32, #tpu.memory_space<vmem>>, vector<16xf32>,
    %swap3A_186 = arith.constant 1280 : index
    %swap3A_187 = tpu.vector_load %arg7[%swap3A_186] {strides = array<i32>} : memref<2064xf32, #tpu.memory_space<vmem>>, vector<16xf32>,
    tpu.vector_store %arg7[%swap3A_186], %broadcast_in_dim3A_23 {strides = array<i32>} : memref<2064xf32, #tpu.memory_space<vmem>>, vector<16xf32>,
    %swap3A_188 = arith.constant 1296 : index
    %swap3A_189 = tpu.vector_load %arg7[%swap3A_188] {strides = array<i32>} : memref<2064xf32, #tpu.memory_space<vmem>>, vector<16xf32>,
    tpu.vector_store %arg7[%swap3A_188], %broadcast_in_dim3A_23 {strides = array<i32>} : memref<2064xf32, #tpu.memory_space<vmem>>, vector<16xf32>,
    %swap3A_190 = arith.constant 1312 : index
    %swap3A_191 = tpu.vector_load %arg7[%swap3A_190] {strides = array<i32>} : memref<2064xf32, #tpu.memory_space<vmem>>, vector<16xf32>,
    tpu.vector_store %arg7[%swap3A_190], %broadcast_in_dim3A_23 {strides = array<i32>} : memref<2064xf32, #tpu.memory_space<vmem>>, vector<16xf32>,
    %swap3A_192 = arith.constant 1328 : index
    %swap3A_193 = tpu.vector_load %arg7[%swap3A_192] {strides = array<i32>} : memref<2064xf32, #tpu.memory_space<vmem>>, vector<16xf32>,
    tpu.vector_store %arg7[%swap3A_192], %broadcast_in_dim3A_23 {strides = array<i32>} : memref<2064xf32, #tpu.memory_space<vmem>>, vector<16xf32>,
    %swap3A_194 = arith.constant 1344 : index
    %swap3A_195 = tpu.vector_load %arg7[%swap3A_194] {strides = array<i32>} : memref<2064xf32, #tpu.memory_space<vmem>>, vector<16xf32>,
    tpu.vector_store %arg7[%swap3A_194], %broadcast_in_dim3A_23 {strides = array<i32>} : memref<2064xf32, #tpu.memory_space<vmem>>, vector<16xf32>,
    %swap3A_196 = arith.constant 1360 : index
    %swap3A_197 = tpu.vector_load %arg7[%swap3A_196] {strides = array<i32>} : memref<2064xf32, #tpu.memory_space<vmem>>, vector<16xf32>,
    tpu.vector_store %arg7[%swap3A_196], %broadcast_in_dim3A_23 {strides = array<i32>} : memref<2064xf32, #tpu.memory_space<vmem>>, vector<16xf32>,
    %swap3A_198 = arith.constant 1376 : index
    %swap3A_199 = tpu.vector_load %arg7[%swap3A_198] {strides = array<i32>} : memref<2064xf32, #tpu.memory_space<vmem>>, vector<16xf32>,
    tpu.vector_store %arg7[%swap3A_198], %broadcast_in_dim3A_23 {strides = array<i32>} : memref<2064xf32, #tpu.memory_space<vmem>>, vector<16xf32>,
    %swap3A_200 = arith.constant 1392 : index
    %swap3A_201 = tpu.vector_load %arg7[%swap3A_200] {strides = array<i32>} : memref<2064xf32, #tpu.memory_space<vmem>>, vector<16xf32>,
    tpu.vector_store %arg7[%swap3A_200], %broadcast_in_dim3A_23 {strides = array<i32>} : memref<2064xf32, #tpu.memory_space<vmem>>, vector<16xf32>,
    %swap3A_202 = arith.constant 1408 : index
    %swap3A_203 = tpu.vector_load %arg7[%swap3A_202] {strides = array<i32>} : memref<2064xf32, #tpu.memory_space<vmem>>, vector<16xf32>,
    tpu.vector_store %arg7[%swap3A_202], %broadcast_in_dim3A_23 {strides = array<i32>} : memref<2064xf32, #tpu.memory_space<vmem>>, vector<16xf32>,
    %swap3A_204 = arith.constant 1424 : index
    %swap3A_205 = tpu.vector_load %arg7[%swap3A_204] {strides = array<i32>} : memref<2064xf32, #tpu.memory_space<vmem>>, vector<16xf32>,
    tpu.vector_store %arg7[%swap3A_204], %broadcast_in_dim3A_23 {strides = array<i32>} : memref<2064xf32, #tpu.memory_space<vmem>>, vector<16xf32>,
    %swap3A_206 = arith.constant 1440 : index
    %swap3A_207 = tpu.vector_load %arg7[%swap3A_206] {strides = array<i32>} : memref<2064xf32, #tpu.memory_space<vmem>>, vector<16xf32>,
    tpu.vector_store %arg7[%swap3A_206], %broadcast_in_dim3A_23 {strides = array<i32>} : memref<2064xf32, #tpu.memory_space<vmem>>, vector<16xf32>,
    %swap3A_208 = arith.constant 1456 : index
    %swap3A_209 = tpu.vector_load %arg7[%swap3A_208] {strides = array<i32>} : memref<2064xf32, #tpu.memory_space<vmem>>, vector<16xf32>,
    tpu.vector_store %arg7[%swap3A_208], %broadcast_in_dim3A_23 {strides = array<i32>} : memref<2064xf32, #tpu.memory_space<vmem>>, vector<16xf32>,
    %swap3A_210 = arith.constant 1472 : index
    %swap3A_211 = tpu.vector_load %arg7[%swap3A_210] {strides = array<i32>} : memref<2064xf32, #tpu.memory_space<vmem>>, vector<16xf32>,
    tpu.vector_store %arg7[%swap3A_210], %broadcast_in_dim3A_23 {strides = array<i32>} : memref<2064xf32, #tpu.memory_space<vmem>>, vector<16xf32>,
    %swap3A_212 = arith.constant 1488 : index
    %swap3A_213 = tpu.vector_load %arg7[%swap3A_212] {strides = array<i32>} : memref<2064xf32, #tpu.memory_space<vmem>>, vector<16xf32>,
    tpu.vector_store %arg7[%swap3A_212], %broadcast_in_dim3A_23 {strides = array<i32>} : memref<2064xf32, #tpu.memory_space<vmem>>, vector<16xf32>,
    %swap3A_214 = arith.constant 1504 : index
    %swap3A_215 = tpu.vector_load %arg7[%swap3A_214] {strides = array<i32>} : memref<2064xf32, #tpu.memory_space<vmem>>, vector<16xf32>,
    tpu.vector_store %arg7[%swap3A_214], %broadcast_in_dim3A_23 {strides = array<i32>} : memref<2064xf32, #tpu.memory_space<vmem>>, vector<16xf32>,
    %swap3A_216 = arith.constant 1520 : index
    %swap3A_217 = tpu.vector_load %arg7[%swap3A_216] {strides = array<i32>} : memref<2064xf32, #tpu.memory_space<vmem>>, vector<16xf32>,
    tpu.vector_store %arg7[%swap3A_216], %broadcast_in_dim3A_23 {strides = array<i32>} : memref<2064xf32, #tpu.memory_space<vmem>>, vector<16xf32>,
    %swap3A_218 = arith.constant 1536 : index
    %swap3A_219 = tpu.vector_load %arg7[%swap3A_218] {strides = array<i32>} : memref<2064xf32, #tpu.memory_space<vmem>>, vector<16xf32>,
    tpu.vector_store %arg7[%swap3A_218], %broadcast_in_dim3A_23 {strides = array<i32>} : memref<2064xf32, #tpu.memory_space<vmem>>, vector<16xf32>,
    %swap3A_220 = arith.constant 1552 : index
    %swap3A_221 = tpu.vector_load %arg7[%swap3A_220] {strides = array<i32>} : memref<2064xf32, #tpu.memory_space<vmem>>, vector<16xf32>,
    tpu.vector_store %arg7[%swap3A_220], %broadcast_in_dim3A_23 {strides = array<i32>} : memref<2064xf32, #tpu.memory_space<vmem>>, vector<16xf32>,
    %swap3A_222 = arith.constant 1568 : index
    %swap3A_223 = tpu.vector_load %arg7[%swap3A_222] {strides = array<i32>} : memref<2064xf32, #tpu.memory_space<vmem>>, vector<16xf32>,
    tpu.vector_store %arg7[%swap3A_222], %broadcast_in_dim3A_23 {strides = array<i32>} : memref<2064xf32, #tpu.memory_space<vmem>>, vector<16xf32>,
    %swap3A_224 = arith.constant 1584 : index
    %swap3A_225 = tpu.vector_load %arg7[%swap3A_224] {strides = array<i32>} : memref<2064xf32, #tpu.memory_space<vmem>>, vector<16xf32>,
    tpu.vector_store %arg7[%swap3A_224], %broadcast_in_dim3A_23 {strides = array<i32>} : memref<2064xf32, #tpu.memory_space<vmem>>, vector<16xf32>,
    %swap3A_226 = arith.constant 1600 : index
    %swap3A_227 = tpu.vector_load %arg7[%swap3A_226] {strides = array<i32>} : memref<2064xf32, #tpu.memory_space<vmem>>, vector<16xf32>,
    tpu.vector_store %arg7[%swap3A_226], %broadcast_in_dim3A_23 {strides = array<i32>} : memref<2064xf32, #tpu.memory_space<vmem>>, vector<16xf32>,
    %swap3A_228 = arith.constant 1616 : index
    %swap3A_229 = tpu.vector_load %arg7[%swap3A_228] {strides = array<i32>} : memref<2064xf32, #tpu.memory_space<vmem>>, vector<16xf32>,
    tpu.vector_store %arg7[%swap3A_228], %broadcast_in_dim3A_23 {strides = array<i32>} : memref<2064xf32, #tpu.memory_space<vmem>>, vector<16xf32>,
    %swap3A_230 = arith.constant 1632 : index
    %swap3A_231 = tpu.vector_load %arg7[%swap3A_230] {strides = array<i32>} : memref<2064xf32, #tpu.memory_space<vmem>>, vector<16xf32>,
    tpu.vector_store %arg7[%swap3A_230], %broadcast_in_dim3A_23 {strides = array<i32>} : memref<2064xf32, #tpu.memory_space<vmem>>, vector<16xf32>,
    %swap3A_232 = arith.constant 1648 : index
    %swap3A_233 = tpu.vector_load %arg7[%swap3A_232] {strides = array<i32>} : memref<2064xf32, #tpu.memory_space<vmem>>, vector<16xf32>,
    tpu.vector_store %arg7[%swap3A_232], %broadcast_in_dim3A_23 {strides = array<i32>} : memref<2064xf32, #tpu.memory_space<vmem>>, vector<16xf32>,
    %swap3A_234 = arith.constant 1664 : index
    %swap3A_235 = tpu.vector_load %arg7[%swap3A_234] {strides = array<i32>} : memref<2064xf32, #tpu.memory_space<vmem>>, vector<16xf32>,
    tpu.vector_store %arg7[%swap3A_234], %broadcast_in_dim3A_23 {strides = array<i32>} : memref<2064xf32, #tpu.memory_space<vmem>>, vector<16xf32>,
    %swap3A_236 = arith.constant 1680 : index
    %swap3A_237 = tpu.vector_load %arg7[%swap3A_236] {strides = array<i32>} : memref<2064xf32, #tpu.memory_space<vmem>>, vector<16xf32>,
    tpu.vector_store %arg7[%swap3A_236], %broadcast_in_dim3A_23 {strides = array<i32>} : memref<2064xf32, #tpu.memory_space<vmem>>, vector<16xf32>,
    %swap3A_238 = arith.constant 1696 : index
    %swap3A_239 = tpu.vector_load %arg7[%swap3A_238] {strides = array<i32>} : memref<2064xf32, #tpu.memory_space<vmem>>, vector<16xf32>,
    tpu.vector_store %arg7[%swap3A_238], %broadcast_in_dim3A_23 {strides = array<i32>} : memref<2064xf32, #tpu.memory_space<vmem>>, vector<16xf32>,
    %swap3A_240 = arith.constant 1712 : index
    %swap3A_241 = tpu.vector_load %arg7[%swap3A_240] {strides = array<i32>} : memref<2064xf32, #tpu.memory_space<vmem>>, vector<16xf32>,
    tpu.vector_store %arg7[%swap3A_240], %broadcast_in_dim3A_23 {strides = array<i32>} : memref<2064xf32, #tpu.memory_space<vmem>>, vector<16xf32>,
    %swap3A_242 = arith.constant 1728 : index
    %swap3A_243 = tpu.vector_load %arg7[%swap3A_242] {strides = array<i32>} : memref<2064xf32, #tpu.memory_space<vmem>>, vector<16xf32>,
    tpu.vector_store %arg7[%swap3A_242], %broadcast_in_dim3A_23 {strides = array<i32>} : memref<2064xf32, #tpu.memory_space<vmem>>, vector<16xf32>,
    %swap3A_244 = arith.constant 1744 : index
    %swap3A_245 = tpu.vector_load %arg7[%swap3A_244] {strides = array<i32>} : memref<2064xf32, #tpu.memory_space<vmem>>, vector<16xf32>,
    tpu.vector_store %arg7[%swap3A_244], %broadcast_in_dim3A_23 {strides = array<i32>} : memref<2064xf32, #tpu.memory_space<vmem>>, vector<16xf32>,
    %swap3A_246 = arith.constant 1760 : index
    %swap3A_247 = tpu.vector_load %arg7[%swap3A_246] {strides = array<i32>} : memref<2064xf32, #tpu.memory_space<vmem>>, vector<16xf32>,
    tpu.vector_store %arg7[%swap3A_246], %broadcast_in_dim3A_23 {strides = array<i32>} : memref<2064xf32, #tpu.memory_space<vmem>>, vector<16xf32>,
    %swap3A_248 = arith.constant 1776 : index
    %swap3A_249 = tpu.vector_load %arg7[%swap3A_248] {strides = array<i32>} : memref<2064xf32, #tpu.memory_space<vmem>>, vector<16xf32>,
    tpu.vector_store %arg7[%swap3A_248], %broadcast_in_dim3A_23 {strides = array<i32>} : memref<2064xf32, #tpu.memory_space<vmem>>, vector<16xf32>,
    %swap3A_250 = arith.constant 1792 : index
    %swap3A_251 = tpu.vector_load %arg7[%swap3A_250] {strides = array<i32>} : memref<2064xf32, #tpu.memory_space<vmem>>, vector<16xf32>,
    tpu.vector_store %arg7[%swap3A_250], %broadcast_in_dim3A_23 {strides = array<i32>} : memref<2064xf32, #tpu.memory_space<vmem>>, vector<16xf32>,
    %swap3A_252 = arith.constant 1808 : index
    %swap3A_253 = tpu.vector_load %arg7[%swap3A_252] {strides = array<i32>} : memref<2064xf32, #tpu.memory_space<vmem>>, vector<16xf32>,
    tpu.vector_store %arg7[%swap3A_252], %broadcast_in_dim3A_23 {strides = array<i32>} : memref<2064xf32, #tpu.memory_space<vmem>>, vector<16xf32>,
    %swap3A_254 = arith.constant 1824 : index
    %swap3A_255 = tpu.vector_load %arg7[%swap3A_254] {strides = array<i32>} : memref<2064xf32, #tpu.memory_space<vmem>>, vector<16xf32>,
    tpu.vector_store %arg7[%swap3A_254], %broadcast_in_dim3A_23 {strides = array<i32>} : memref<2064xf32, #tpu.memory_space<vmem>>, vector<16xf32>,
    %swap3A_256 = arith.constant 1840 : index
    %swap3A_257 = tpu.vector_load %arg7[%swap3A_256] {strides = array<i32>} : memref<2064xf32, #tpu.memory_space<vmem>>, vector<16xf32>,
    tpu.vector_store %arg7[%swap3A_256], %broadcast_in_dim3A_23 {strides = array<i32>} : memref<2064xf32, #tpu.memory_space<vmem>>, vector<16xf32>,
    %swap3A_258 = arith.constant 1856 : index
    %swap3A_259 = tpu.vector_load %arg7[%swap3A_258] {strides = array<i32>} : memref<2064xf32, #tpu.memory_space<vmem>>, vector<16xf32>,
    tpu.vector_store %arg7[%swap3A_258], %broadcast_in_dim3A_23 {strides = array<i32>} : memref<2064xf32, #tpu.memory_space<vmem>>, vector<16xf32>,
    %swap3A_260 = arith.constant 1872 : index
    %swap3A_261 = tpu.vector_load %arg7[%swap3A_260] {strides = array<i32>} : memref<2064xf32, #tpu.memory_space<vmem>>, vector<16xf32>,
    tpu.vector_store %arg7[%swap3A_260], %broadcast_in_dim3A_23 {strides = array<i32>} : memref<2064xf32, #tpu.memory_space<vmem>>, vector<16xf32>,
    %swap3A_262 = arith.constant 1888 : index
    %swap3A_263 = tpu.vector_load %arg7[%swap3A_262] {strides = array<i32>} : memref<2064xf32, #tpu.memory_space<vmem>>, vector<16xf32>,
    tpu.vector_store %arg7[%swap3A_262], %broadcast_in_dim3A_23 {strides = array<i32>} : memref<2064xf32, #tpu.memory_space<vmem>>, vector<16xf32>,
    %swap3A_264 = arith.constant 1904 : index
    %swap3A_265 = tpu.vector_load %arg7[%swap3A_264] {strides = array<i32>} : memref<2064xf32, #tpu.memory_space<vmem>>, vector<16xf32>,
    tpu.vector_store %arg7[%swap3A_264], %broadcast_in_dim3A_23 {strides = array<i32>} : memref<2064xf32, #tpu.memory_space<vmem>>, vector<16xf32>,
    %swap3A_266 = arith.constant 1920 : index
    %swap3A_267 = tpu.vector_load %arg7[%swap3A_266] {strides = array<i32>} : memref<2064xf32, #tpu.memory_space<vmem>>, vector<16xf32>,
    tpu.vector_store %arg7[%swap3A_266], %broadcast_in_dim3A_23 {strides = array<i32>} : memref<2064xf32, #tpu.memory_space<vmem>>, vector<16xf32>,
    %swap3A_268 = arith.constant 1936 : index
    %swap3A_269 = tpu.vector_load %arg7[%swap3A_268] {strides = array<i32>} : memref<2064xf32, #tpu.memory_space<vmem>>, vector<16xf32>,
    tpu.vector_store %arg7[%swap3A_268], %broadcast_in_dim3A_23 {strides = array<i32>} : memref<2064xf32, #tpu.memory_space<vmem>>, vector<16xf32>,
    %swap3A_270 = arith.constant 1952 : index
    %swap3A_271 = tpu.vector_load %arg7[%swap3A_270] {strides = array<i32>} : memref<2064xf32, #tpu.memory_space<vmem>>, vector<16xf32>,
    tpu.vector_store %arg7[%swap3A_270], %broadcast_in_dim3A_23 {strides = array<i32>} : memref<2064xf32, #tpu.memory_space<vmem>>, vector<16xf32>,
    %swap3A_272 = arith.constant 1968 : index
    %swap3A_273 = tpu.vector_load %arg7[%swap3A_272] {strides = array<i32>} : memref<2064xf32, #tpu.memory_space<vmem>>, vector<16xf32>,
    tpu.vector_store %arg7[%swap3A_272], %broadcast_in_dim3A_23 {strides = array<i32>} : memref<2064xf32, #tpu.memory_space<vmem>>, vector<16xf32>,
    %swap3A_274 = arith.constant 1984 : index
    %swap3A_275 = tpu.vector_load %arg7[%swap3A_274] {strides = array<i32>} : memref<2064xf32, #tpu.memory_space<vmem>>, vector<16xf32>,
    tpu.vector_store %arg7[%swap3A_274], %broadcast_in_dim3A_23 {strides = array<i32>} : memref<2064xf32, #tpu.memory_space<vmem>>, vector<16xf32>,
    %swap3A_276 = arith.constant 2000 : index
    %swap3A_277 = tpu.vector_load %arg7[%swap3A_276] {strides = array<i32>} : memref<2064xf32, #tpu.memory_space<vmem>>, vector<16xf32>,
    tpu.vector_store %arg7[%swap3A_276], %broadcast_in_dim3A_23 {strides = array<i32>} : memref<2064xf32, #tpu.memory_space<vmem>>, vector<16xf32>,
    %swap3A_278 = arith.constant 2016 : index
    %swap3A_279 = tpu.vector_load %arg7[%swap3A_278] {strides = array<i32>} : memref<2064xf32, #tpu.memory_space<vmem>>, vector<16xf32>,
    tpu.vector_store %arg7[%swap3A_278], %broadcast_in_dim3A_23 {strides = array<i32>} : memref<2064xf32, #tpu.memory_space<vmem>>, vector<16xf32>,
    %swap3A_280 = arith.constant 2032 : index
    %swap3A_281 = tpu.vector_load %arg7[%swap3A_280] {strides = array<i32>} : memref<2064xf32, #tpu.memory_space<vmem>>, vector<16xf32>,
    tpu.vector_store %arg7[%swap3A_280], %broadcast_in_dim3A_23 {strides = array<i32>} : memref<2064xf32, #tpu.memory_space<vmem>>, vector<16xf32>,
    %broadcast_in_dim3A_282 = arith.constant 0.000000e+00 : f32
    %broadcast_in_dim3A_283 = vector.broadcast %broadcast_in_dim3A_282 : f32 to vector<16xf32>
    %scan3A = arith.constant 0 : i32
    %scan3A_284 = arith.constant 2048 : i32
    %scan3A_285 = arith.addi %scan3A, %scan3A_284 : i32
    %scan3A_286 = arith.constant 8 : i32
    %scan3A_287:5 = scf.for %scan3A_1014 = %scan3A to %scan3A_285 step %scan3A_286 iter_args(%scan3A_1015 = %broadcast_in_dim3A_23, %scan3A_1016 = %broadcast_in_dim3A_23, %scan3A_1017 = %broadcast_in_dim3A_23, %scan3A_1018 = %broadcast_in_dim3A_23, %scan3A_1019 = %broadcast_in_dim3A_283) -> (vector<16xf32>, vector<16xf32>, vector<16xf32>, vector<16xf32>, vector<16xf32>)  : i32 {
      %mul3A_1020 = arith.constant 16 : i32
      %mul3A_1021 = arith.muli %scan3A_1014, %mul3A_1020 : i32
      %get3A = arith.index_cast %mul3A_1021 : i32 to index
      %get3A_1022 = tpu.vector_load %arg5[%get3A] {strides = array<i32>} : memref<32768xf32, #tpu.memory_space<vmem>>, vector<16xf32>,
      %mul3A_1023 = arith.mulf %get3A_1022, %get3A_1022 : vector<16xf32>
      %add3A_1024 = arith.addf %scan3A_1019, %mul3A_1023 : vector<16xf32>
      %max3A_1025 = arith.maximumf %scan3A_1015, %get3A_1022 : vector<16xf32>
      %min3A_1026 = arith.minimumf %scan3A_1015, %get3A_1022 : vector<16xf32>
      %max3A_1027 = arith.maximumf %scan3A_1016, %min3A_1026 : vector<16xf32>
      %min3A_1028 = arith.minimumf %scan3A_1016, %min3A_1026 : vector<16xf32>
      %max3A_1029 = arith.maximumf %scan3A_1017, %min3A_1028 : vector<16xf32>
      %min3A_1030 = arith.minimumf %scan3A_1017, %min3A_1028 : vector<16xf32>
      %max3A_1031 = arith.maximumf %scan3A_1018, %min3A_1030 : vector<16xf32>
      %scan3A_1032 = arith.constant 1 : i32
      %scan3A_1033 = arith.addi %scan3A_1014, %scan3A_1032 : i32
      %mul3A_1034 = arith.constant 16 : i32
      %mul3A_1035 = arith.muli %scan3A_1033, %mul3A_1034 : i32
      %get3A_1036 = arith.index_cast %mul3A_1035 : i32 to index
      %get3A_1037 = tpu.vector_load %arg5[%get3A_1036] {strides = array<i32>} : memref<32768xf32, #tpu.memory_space<vmem>>, vector<16xf32>,
      %mul3A_1038 = arith.mulf %get3A_1037, %get3A_1037 : vector<16xf32>
      %add3A_1039 = arith.addf %add3A_1024, %mul3A_1038 : vector<16xf32>
      %max3A_1040 = arith.maximumf %max3A_1025, %get3A_1037 : vector<16xf32>
      %min3A_1041 = arith.minimumf %max3A_1025, %get3A_1037 : vector<16xf32>
      %max3A_1042 = arith.maximumf %max3A_1027, %min3A_1041 : vector<16xf32>
      %min3A_1043 = arith.minimumf %max3A_1027, %min3A_1041 : vector<16xf32>
      %max3A_1044 = arith.maximumf %max3A_1029, %min3A_1043 : vector<16xf32>
      %min3A_1045 = arith.minimumf %max3A_1029, %min3A_1043 : vector<16xf32>
      %max3A_1046 = arith.maximumf %max3A_1031, %min3A_1045 : vector<16xf32>
      %scan3A_1047 = arith.constant 2 : i32
      %scan3A_1048 = arith.addi %scan3A_1014, %scan3A_1047 : i32
      %mul3A_1049 = arith.constant 16 : i32
      %mul3A_1050 = arith.muli %scan3A_1048, %mul3A_1049 : i32
      %get3A_1051 = arith.index_cast %mul3A_1050 : i32 to index
      %get3A_1052 = tpu.vector_load %arg5[%get3A_1051] {strides = array<i32>} : memref<32768xf32, #tpu.memory_space<vmem>>, vector<16xf32>,
      %mul3A_1053 = arith.mulf %get3A_1052, %get3A_1052 : vector<16xf32>
      %add3A_1054 = arith.addf %add3A_1039, %mul3A_1053 : vector<16xf32>
      %max3A_1055 = arith.maximumf %max3A_1040, %get3A_1052 : vector<16xf32>
      %min3A_1056 = arith.minimumf %max3A_1040, %get3A_1052 : vector<16xf32>
      %max3A_1057 = arith.maximumf %max3A_1042, %min3A_1056 : vector<16xf32>
      %min3A_1058 = arith.minimumf %max3A_1042, %min3A_1056 : vector<16xf32>
      %max3A_1059 = arith.maximumf %max3A_1044, %min3A_1058 : vector<16xf32>
      %min3A_1060 = arith.minimumf %max3A_1044, %min3A_1058 : vector<16xf32>
      %max3A_1061 = arith.maximumf %max3A_1046, %min3A_1060 : vector<16xf32>
      %scan3A_1062 = arith.constant 3 : i32
      %scan3A_1063 = arith.addi %scan3A_1014, %scan3A_1062 : i32
      %mul3A_1064 = arith.constant 16 : i32
      %mul3A_1065 = arith.muli %scan3A_1063, %mul3A_1064 : i32
      %get3A_1066 = arith.index_cast %mul3A_1065 : i32 to index
      %get3A_1067 = tpu.vector_load %arg5[%get3A_1066] {strides = array<i32>} : memref<32768xf32, #tpu.memory_space<vmem>>, vector<16xf32>,
      %mul3A_1068 = arith.mulf %get3A_1067, %get3A_1067 : vector<16xf32>
      %add3A_1069 = arith.addf %add3A_1054, %mul3A_1068 : vector<16xf32>
      %max3A_1070 = arith.maximumf %max3A_1055, %get3A_1067 : vector<16xf32>
      %min3A_1071 = arith.minimumf %max3A_1055, %get3A_1067 : vector<16xf32>
      %max3A_1072 = arith.maximumf %max3A_1057, %min3A_1071 : vector<16xf32>
      %min3A_1073 = arith.minimumf %max3A_1057, %min3A_1071 : vector<16xf32>
      %max3A_1074 = arith.maximumf %max3A_1059, %min3A_1073 : vector<16xf32>
      %min3A_1075 = arith.minimumf %max3A_1059, %min3A_1073 : vector<16xf32>
      %max3A_1076 = arith.maximumf %max3A_1061, %min3A_1075 : vector<16xf32>
      %scan3A_1077 = arith.constant 4 : i32
      %scan3A_1078 = arith.addi %scan3A_1014, %scan3A_1077 : i32
      %mul3A_1079 = arith.constant 16 : i32
      %mul3A_1080 = arith.muli %scan3A_1078, %mul3A_1079 : i32
      %get3A_1081 = arith.index_cast %mul3A_1080 : i32 to index
      %get3A_1082 = tpu.vector_load %arg5[%get3A_1081] {strides = array<i32>} : memref<32768xf32, #tpu.memory_space<vmem>>, vector<16xf32>,
      %mul3A_1083 = arith.mulf %get3A_1082, %get3A_1082 : vector<16xf32>
      %add3A_1084 = arith.addf %add3A_1069, %mul3A_1083 : vector<16xf32>
      %max3A_1085 = arith.maximumf %max3A_1070, %get3A_1082 : vector<16xf32>
      %min3A_1086 = arith.minimumf %max3A_1070, %get3A_1082 : vector<16xf32>
      %max3A_1087 = arith.maximumf %max3A_1072, %min3A_1086 : vector<16xf32>
      %min3A_1088 = arith.minimumf %max3A_1072, %min3A_1086 : vector<16xf32>
      %max3A_1089 = arith.maximumf %max3A_1074, %min3A_1088 : vector<16xf32>
      %min3A_1090 = arith.minimumf %max3A_1074, %min3A_1088 : vector<16xf32>
      %max3A_1091 = arith.maximumf %max3A_1076, %min3A_1090 : vector<16xf32>
      %scan3A_1092 = arith.constant 5 : i32
      %scan3A_1093 = arith.addi %scan3A_1014, %scan3A_1092 : i32
      %mul3A_1094 = arith.constant 16 : i32
      %mul3A_1095 = arith.muli %scan3A_1093, %mul3A_1094 : i32
      %get3A_1096 = arith.index_cast %mul3A_1095 : i32 to index
      %get3A_1097 = tpu.vector_load %arg5[%get3A_1096] {strides = array<i32>} : memref<32768xf32, #tpu.memory_space<vmem>>, vector<16xf32>,
      %mul3A_1098 = arith.mulf %get3A_1097, %get3A_1097 : vector<16xf32>
      %add3A_1099 = arith.addf %add3A_1084, %mul3A_1098 : vector<16xf32>
      %max3A_1100 = arith.maximumf %max3A_1085, %get3A_1097 : vector<16xf32>
      %min3A_1101 = arith.minimumf %max3A_1085, %get3A_1097 : vector<16xf32>
      %max3A_1102 = arith.maximumf %max3A_1087, %min3A_1101 : vector<16xf32>
      %min3A_1103 = arith.minimumf %max3A_1087, %min3A_1101 : vector<16xf32>
      %max3A_1104 = arith.maximumf %max3A_1089, %min3A_1103 : vector<16xf32>
      %min3A_1105 = arith.minimumf %max3A_1089, %min3A_1103 : vector<16xf32>
      %max3A_1106 = arith.maximumf %max3A_1091, %min3A_1105 : vector<16xf32>
      %scan3A_1107 = arith.constant 6 : i32
      %scan3A_1108 = arith.addi %scan3A_1014, %scan3A_1107 : i32
      %mul3A_1109 = arith.constant 16 : i32
      %mul3A_1110 = arith.muli %scan3A_1108, %mul3A_1109 : i32
      %get3A_1111 = arith.index_cast %mul3A_1110 : i32 to index
      %get3A_1112 = tpu.vector_load %arg5[%get3A_1111] {strides = array<i32>} : memref<32768xf32, #tpu.memory_space<vmem>>, vector<16xf32>,
      %mul3A_1113 = arith.mulf %get3A_1112, %get3A_1112 : vector<16xf32>
      %add3A_1114 = arith.addf %add3A_1099, %mul3A_1113 : vector<16xf32>
      %max3A_1115 = arith.maximumf %max3A_1100, %get3A_1112 : vector<16xf32>
      %min3A_1116 = arith.minimumf %max3A_1100, %get3A_1112 : vector<16xf32>
      %max3A_1117 = arith.maximumf %max3A_1102, %min3A_1116 : vector<16xf32>
      %min3A_1118 = arith.minimumf %max3A_1102, %min3A_1116 : vector<16xf32>
      %max3A_1119 = arith.maximumf %max3A_1104, %min3A_1118 : vector<16xf32>
      %min3A_1120 = arith.minimumf %max3A_1104, %min3A_1118 : vector<16xf32>
      %max3A_1121 = arith.maximumf %max3A_1106, %min3A_1120 : vector<16xf32>
      %scan3A_1122 = arith.constant 7 : i32
      %scan3A_1123 = arith.addi %scan3A_1014, %scan3A_1122 : i32
      %mul3A_1124 = arith.constant 16 : i32
      %mul3A_1125 = arith.muli %scan3A_1123, %mul3A_1124 : i32
      %get3A_1126 = arith.index_cast %mul3A_1125 : i32 to index
      %get3A_1127 = tpu.vector_load %arg5[%get3A_1126] {strides = array<i32>} : memref<32768xf32, #tpu.memory_space<vmem>>, vector<16xf32>,
      %mul3A_1128 = arith.mulf %get3A_1127, %get3A_1127 : vector<16xf32>
      %add3A_1129 = arith.addf %add3A_1114, %mul3A_1128 : vector<16xf32>
      %max3A_1130 = arith.maximumf %max3A_1115, %get3A_1127 : vector<16xf32>
      %min3A_1131 = arith.minimumf %max3A_1115, %get3A_1127 : vector<16xf32>
      %max3A_1132 = arith.maximumf %max3A_1117, %min3A_1131 : vector<16xf32>
      %min3A_1133 = arith.minimumf %max3A_1117, %min3A_1131 : vector<16xf32>
      %max3A_1134 = arith.maximumf %max3A_1119, %min3A_1133 : vector<16xf32>
      %min3A_1135 = arith.minimumf %max3A_1119, %min3A_1133 : vector<16xf32>
      %max3A_1136 = arith.maximumf %max3A_1121, %min3A_1135 : vector<16xf32>
      scf.yield %max3A_1130, %max3A_1132, %max3A_1134, %max3A_1136, %add3A_1129 : vector<16xf32>, vector<16xf32>, vector<16xf32>, vector<16xf32>, vector<16xf32>
    }
    %scan3A_288 = arith.constant 2048 : i32
    %xor3A = arith.constant 1 : i32
    %xor3A_289 = vector.broadcast %xor3A : i32 to vector<16xi32>
    %xor3A_290 = arith.xori %iota3A, %xor3A_289 : vector<16xi32>
    %lt3A = arith.constant 0 : i32
    %lt3A_291 = vector.broadcast %lt3A : i32 to vector<16xi32>
    %lt3A_292 = arith.cmpi slt, %xor3A_290, %lt3A_291 : vector<16xi32>
    %add3A_293 = arith.constant 16 : i32
    %add3A_294 = vector.broadcast %add3A_293 : i32 to vector<16xi32>
    %add3A_295 = arith.addi %xor3A_290, %add3A_294 : vector<16xi32>
    %select_n3A = arith.select %lt3A_292, %add3A_295, %xor3A_290 : vector<16xi1>, vector<16xi32>
    %reshape3A = vector.shape_cast %select_n3A : vector<16xi32> to vector<16x1xi32>
    %gather3A = vector.shape_cast %reshape3A : vector<16x1xi32> to vector<16xi32>
    %gather3A_296 = tpu.dynamic_gather %scan3A_287#4[%gather3A] in [0] : vector<16xf32>, vector<16xi32> -> vector<16xf32>
    %add3A_297 = arith.addf %scan3A_287#4, %gather3A_296 : vector<16xf32>
    %xor3A_298 = arith.constant 2 : i32
    %xor3A_299 = vector.broadcast %xor3A_298 : i32 to vector<16xi32>
    %xor3A_300 = arith.xori %iota3A, %xor3A_299 : vector<16xi32>
    %lt3A_301 = arith.constant 0 : i32
    %lt3A_302 = vector.broadcast %lt3A_301 : i32 to vector<16xi32>
    %lt3A_303 = arith.cmpi slt, %xor3A_300, %lt3A_302 : vector<16xi32>
    %add3A_304 = arith.constant 16 : i32
    %add3A_305 = vector.broadcast %add3A_304 : i32 to vector<16xi32>
    %add3A_306 = arith.addi %xor3A_300, %add3A_305 : vector<16xi32>
    %select_n3A_307 = arith.select %lt3A_303, %add3A_306, %xor3A_300 : vector<16xi1>, vector<16xi32>
    %reshape3A_308 = vector.shape_cast %select_n3A_307 : vector<16xi32> to vector<16x1xi32>
    %gather3A_309 = vector.shape_cast %reshape3A_308 : vector<16x1xi32> to vector<16xi32>
    %gather3A_310 = tpu.dynamic_gather %add3A_297[%gather3A_309] in [0] : vector<16xf32>, vector<16xi32> -> vector<16xf32>
    %add3A_311 = arith.addf %add3A_297, %gather3A_310 : vector<16xf32>
    %xor3A_312 = arith.constant 4 : i32
    %xor3A_313 = vector.broadcast %xor3A_312 : i32 to vector<16xi32>
    %xor3A_314 = arith.xori %iota3A, %xor3A_313 : vector<16xi32>
    %lt3A_315 = arith.constant 0 : i32
    %lt3A_316 = vector.broadcast %lt3A_315 : i32 to vector<16xi32>
    %lt3A_317 = arith.cmpi slt, %xor3A_314, %lt3A_316 : vector<16xi32>
    %add3A_318 = arith.constant 16 : i32
    %add3A_319 = vector.broadcast %add3A_318 : i32 to vector<16xi32>
    %add3A_320 = arith.addi %xor3A_314, %add3A_319 : vector<16xi32>
    %select_n3A_321 = arith.select %lt3A_317, %add3A_320, %xor3A_314 : vector<16xi1>, vector<16xi32>
    %reshape3A_322 = vector.shape_cast %select_n3A_321 : vector<16xi32> to vector<16x1xi32>
    %gather3A_323 = vector.shape_cast %reshape3A_322 : vector<16x1xi32> to vector<16xi32>
    %gather3A_324 = tpu.dynamic_gather %add3A_311[%gather3A_323] in [0] : vector<16xf32>, vector<16xi32> -> vector<16xf32>
    %add3A_325 = arith.addf %add3A_311, %gather3A_324 : vector<16xf32>
    %xor3A_326 = arith.constant 8 : i32
    %xor3A_327 = vector.broadcast %xor3A_326 : i32 to vector<16xi32>
    %xor3A_328 = arith.xori %iota3A, %xor3A_327 : vector<16xi32>
    %lt3A_329 = arith.constant 0 : i32
    %lt3A_330 = vector.broadcast %lt3A_329 : i32 to vector<16xi32>
    %lt3A_331 = arith.cmpi slt, %xor3A_328, %lt3A_330 : vector<16xi32>
    %add3A_332 = arith.constant 16 : i32
    %add3A_333 = vector.broadcast %add3A_332 : i32 to vector<16xi32>
    %add3A_334 = arith.addi %xor3A_328, %add3A_333 : vector<16xi32>
    %select_n3A_335 = arith.select %lt3A_331, %add3A_334, %xor3A_328 : vector<16xi1>, vector<16xi32>
    %reshape3A_336 = vector.shape_cast %select_n3A_335 : vector<16xi32> to vector<16x1xi32>
    %gather3A_337 = vector.shape_cast %reshape3A_336 : vector<16x1xi32> to vector<16xi32>
    %gather3A_338 = tpu.dynamic_gather %add3A_325[%gather3A_337] in [0] : vector<16xf32>, vector<16xi32> -> vector<16xf32>
    %add3A_339 = arith.addf %add3A_325, %gather3A_338 : vector<16xf32>
    %max3A = arith.constant 9.99999996E-13 : f32
    %max3A_340 = vector.broadcast %max3A : f32 to vector<16xf32>
    %max3A_341 = arith.maximumf %add3A_339, %max3A_340 : vector<16xf32>
    %xor3A_342 = arith.constant 1 : i32
    %xor3A_343 = vector.broadcast %xor3A_342 : i32 to vector<16xi32>
    %xor3A_344 = arith.xori %iota3A, %xor3A_343 : vector<16xi32>
    %lt3A_345 = arith.constant 0 : i32
    %lt3A_346 = vector.broadcast %lt3A_345 : i32 to vector<16xi32>
    %lt3A_347 = arith.cmpi slt, %xor3A_344, %lt3A_346 : vector<16xi32>
    %add3A_348 = arith.constant 16 : i32
    %add3A_349 = vector.broadcast %add3A_348 : i32 to vector<16xi32>
    %add3A_350 = arith.addi %xor3A_344, %add3A_349 : vector<16xi32>
    %select_n3A_351 = arith.select %lt3A_347, %add3A_350, %xor3A_344 : vector<16xi1>, vector<16xi32>
    %reshape3A_352 = vector.shape_cast %select_n3A_351 : vector<16xi32> to vector<16x1xi32>
    %gather3A_353 = vector.shape_cast %reshape3A_352 : vector<16x1xi32> to vector<16xi32>
    %gather3A_354 = tpu.dynamic_gather %scan3A_287#3[%gather3A_353] in [0] : vector<16xf32>, vector<16xi32> -> vector<16xf32>
    %min3A = arith.minimumf %scan3A_287#3, %gather3A_354 : vector<16xf32>
    %xor3A_355 = arith.constant 2 : i32
    %xor3A_356 = vector.broadcast %xor3A_355 : i32 to vector<16xi32>
    %xor3A_357 = arith.xori %iota3A, %xor3A_356 : vector<16xi32>
    %lt3A_358 = arith.constant 0 : i32
    %lt3A_359 = vector.broadcast %lt3A_358 : i32 to vector<16xi32>
    %lt3A_360 = arith.cmpi slt, %xor3A_357, %lt3A_359 : vector<16xi32>
    %add3A_361 = arith.constant 16 : i32
    %add3A_362 = vector.broadcast %add3A_361 : i32 to vector<16xi32>
    %add3A_363 = arith.addi %xor3A_357, %add3A_362 : vector<16xi32>
    %select_n3A_364 = arith.select %lt3A_360, %add3A_363, %xor3A_357 : vector<16xi1>, vector<16xi32>
    %reshape3A_365 = vector.shape_cast %select_n3A_364 : vector<16xi32> to vector<16x1xi32>
    %gather3A_366 = vector.shape_cast %reshape3A_365 : vector<16x1xi32> to vector<16xi32>
    %gather3A_367 = tpu.dynamic_gather %min3A[%gather3A_366] in [0] : vector<16xf32>, vector<16xi32> -> vector<16xf32>
    %min3A_368 = arith.minimumf %min3A, %gather3A_367 : vector<16xf32>
    %xor3A_369 = arith.constant 4 : i32
    %xor3A_370 = vector.broadcast %xor3A_369 : i32 to vector<16xi32>
    %xor3A_371 = arith.xori %iota3A, %xor3A_370 : vector<16xi32>
    %lt3A_372 = arith.constant 0 : i32
    %lt3A_373 = vector.broadcast %lt3A_372 : i32 to vector<16xi32>
    %lt3A_374 = arith.cmpi slt, %xor3A_371, %lt3A_373 : vector<16xi32>
    %add3A_375 = arith.constant 16 : i32
    %add3A_376 = vector.broadcast %add3A_375 : i32 to vector<16xi32>
    %add3A_377 = arith.addi %xor3A_371, %add3A_376 : vector<16xi32>
    %select_n3A_378 = arith.select %lt3A_374, %add3A_377, %xor3A_371 : vector<16xi1>, vector<16xi32>
    %reshape3A_379 = vector.shape_cast %select_n3A_378 : vector<16xi32> to vector<16x1xi32>
    %gather3A_380 = vector.shape_cast %reshape3A_379 : vector<16x1xi32> to vector<16xi32>
    %gather3A_381 = tpu.dynamic_gather %min3A_368[%gather3A_380] in [0] : vector<16xf32>, vector<16xi32> -> vector<16xf32>
    %min3A_382 = arith.minimumf %min3A_368, %gather3A_381 : vector<16xf32>
    %xor3A_383 = arith.constant 8 : i32
    %xor3A_384 = vector.broadcast %xor3A_383 : i32 to vector<16xi32>
    %xor3A_385 = arith.xori %iota3A, %xor3A_384 : vector<16xi32>
    %lt3A_386 = arith.constant 0 : i32
    %lt3A_387 = vector.broadcast %lt3A_386 : i32 to vector<16xi32>
    %lt3A_388 = arith.cmpi slt, %xor3A_385, %lt3A_387 : vector<16xi32>
    %add3A_389 = arith.constant 16 : i32
    %add3A_390 = vector.broadcast %add3A_389 : i32 to vector<16xi32>
    %add3A_391 = arith.addi %xor3A_385, %add3A_390 : vector<16xi32>
    %select_n3A_392 = arith.select %lt3A_388, %add3A_391, %xor3A_385 : vector<16xi1>, vector<16xi32>
    %reshape3A_393 = vector.shape_cast %select_n3A_392 : vector<16xi32> to vector<16x1xi32>
    %gather3A_394 = vector.shape_cast %reshape3A_393 : vector<16x1xi32> to vector<16xi32>
    %gather3A_395 = tpu.dynamic_gather %min3A_382[%gather3A_394] in [0] : vector<16xf32>, vector<16xi32> -> vector<16xf32>
    %min3A_396 = arith.minimumf %min3A_382, %gather3A_395 : vector<16xf32>
    %bitcast_convert_type3A = tpu.bitcast %max3A_341 : vector<16xf32> -> vector<16xi32>
    %shift_right_arithmetic3A = arith.constant 1 : i32
    %shift_right_arithmetic3A_397 = vector.broadcast %shift_right_arithmetic3A : i32 to vector<16xi32>
    %shift_right_arithmetic3A_398 = arith.shrsi %bitcast_convert_type3A, %shift_right_arithmetic3A_397 : vector<16xi32>
    %sub3A = arith.constant 1597463007 : i32
    %sub3A_399 = vector.broadcast %sub3A : i32 to vector<16xi32>
    %sub3A_400 = arith.subi %sub3A_399, %shift_right_arithmetic3A_398 : vector<16xi32>
    %bitcast_convert_type3A_401 = tpu.bitcast %sub3A_400 : vector<16xi32> -> vector<16xf32>
    %mul3A_402 = arith.constant 5.000000e-01 : f32
    %mul3A_403 = vector.broadcast %mul3A_402 : f32 to vector<16xf32>
    %mul3A_404 = arith.mulf %mul3A_403, %max3A_341 : vector<16xf32>
    %mul3A_405 = arith.mulf %mul3A_404, %bitcast_convert_type3A_401 : vector<16xf32>
    %mul3A_406 = arith.mulf %mul3A_405, %bitcast_convert_type3A_401 : vector<16xf32>
    %sub3A_407 = arith.constant 1.500000e+00 : f32
    %sub3A_408 = vector.broadcast %sub3A_407 : f32 to vector<16xf32>
    %sub3A_409 = arith.subf %sub3A_408, %mul3A_406 : vector<16xf32>
    %mul3A_410 = arith.mulf %bitcast_convert_type3A_401, %sub3A_409 : vector<16xf32>
    %mul3A_411 = arith.mulf %mul3A_404, %mul3A_410 : vector<16xf32>
    %mul3A_412 = arith.mulf %mul3A_411, %mul3A_410 : vector<16xf32>
    %sub3A_413 = arith.constant 1.500000e+00 : f32
    %sub3A_414 = vector.broadcast %sub3A_413 : f32 to vector<16xf32>
    %sub3A_415 = arith.subf %sub3A_414, %mul3A_412 : vector<16xf32>
    %mul3A_416 = arith.mulf %mul3A_410, %sub3A_415 : vector<16xf32>
    %mul3A_417 = arith.mulf %mul3A_404, %mul3A_416 : vector<16xf32>
    %mul3A_418 = arith.mulf %mul3A_417, %mul3A_416 : vector<16xf32>
    %sub3A_419 = arith.constant 1.500000e+00 : f32
    %sub3A_420 = vector.broadcast %sub3A_419 : f32 to vector<16xf32>
    %sub3A_421 = arith.subf %sub3A_420, %mul3A_418 : vector<16xf32>
    %mul3A_422 = arith.mulf %mul3A_416, %sub3A_421 : vector<16xf32>
    %broadcast_in_dim3A_423 = arith.constant 1 : i32
    %broadcast_in_dim3A_424 = vector.broadcast %broadcast_in_dim3A_423 : i32 to vector<16xi32>
    %broadcast_in_dim3A_425 = arith.constant 0 : i32
    %broadcast_in_dim3A_426 = vector.broadcast %broadcast_in_dim3A_425 : i32 to vector<16xi32>
    %broadcast_in_dim3A_427 = arith.constant 128 : i32
    %broadcast_in_dim3A_428 = vector.broadcast %broadcast_in_dim3A_427 : i32 to vector<16xi32>
    %scan3A_429 = arith.constant 0 : i32
    %scan3A_430 = arith.constant 512 : i32
    %scan3A_431 = arith.addi %scan3A_429, %scan3A_430 : i32
    %scan3A_432 = arith.constant 2 : i32
    %scan3A_433 = scf.for %scan3A_1014 = %scan3A_429 to %scan3A_431 step %scan3A_432 iter_args(%scan3A_1015 = %broadcast_in_dim3A_426) -> (vector<16xi32>)  : i32 {
      %mul3A_1016 = arith.constant 64 : i32
      %mul3A_1017 = arith.muli %scan3A_1014, %mul3A_1016 : i32
      %add3A_1018 = arith.constant 0 : i32
      %add3A_1019 = arith.addi %mul3A_1017, %add3A_1018 : i32
      %get3A = arith.index_cast %add3A_1019 : i32 to index
      %get3A_1020 = tpu.vector_load %arg5[%get3A] {strides = array<i32>} : memref<32768xf32, #tpu.memory_space<vmem>>, vector<16xf32>,
      %add3A_1021 = arith.constant 16 : i32
      %add3A_1022 = arith.addi %mul3A_1017, %add3A_1021 : i32
      %get3A_1023 = arith.index_cast %add3A_1022 : i32 to index
      %get3A_1024 = tpu.vector_load %arg5[%get3A_1023] {strides = array<i32>} : memref<32768xf32, #tpu.memory_space<vmem>>, vector<16xf32>,
      %add3A_1025 = arith.constant 32 : i32
      %add3A_1026 = arith.addi %mul3A_1017, %add3A_1025 : i32
      %get3A_1027 = arith.index_cast %add3A_1026 : i32 to index
      %get3A_1028 = tpu.vector_load %arg5[%get3A_1027] {strides = array<i32>} : memref<32768xf32, #tpu.memory_space<vmem>>, vector<16xf32>,
      %add3A_1029 = arith.constant 48 : i32
      %add3A_1030 = arith.addi %mul3A_1017, %add3A_1029 : i32
      %get3A_1031 = arith.index_cast %add3A_1030 : i32 to index
      %get3A_1032 = tpu.vector_load %arg5[%get3A_1031] {strides = array<i32>} : memref<32768xf32, #tpu.memory_space<vmem>>, vector<16xf32>,
      %ge3A = arith.cmpf oge, %get3A_1020, %min3A_396 : vector<16xf32>
      %ge3A_1033 = arith.cmpf oge, %get3A_1024, %min3A_396 : vector<16xf32>
      %ge3A_1034 = arith.cmpf oge, %get3A_1028, %min3A_396 : vector<16xf32>
      %ge3A_1035 = arith.cmpf oge, %get3A_1032, %min3A_396 : vector<16xf32>
      %select_n3A_1036 = arith.select %ge3A, %broadcast_in_dim3A_424, %broadcast_in_dim3A_426 : vector<16xi1>, vector<16xi32>
      %select_n3A_1037 = arith.select %ge3A_1033, %broadcast_in_dim3A_424, %broadcast_in_dim3A_426 : vector<16xi1>, vector<16xi32>
      %select_n3A_1038 = arith.select %ge3A_1034, %broadcast_in_dim3A_424, %broadcast_in_dim3A_426 : vector<16xi1>, vector<16xi32>
      %select_n3A_1039 = arith.select %ge3A_1035, %broadcast_in_dim3A_424, %broadcast_in_dim3A_426 : vector<16xi1>, vector<16xi32>
      %add3A_1040 = arith.addi %scan3A_1015, %select_n3A_1036 : vector<16xi32>
      %add3A_1041 = arith.addi %select_n3A_1036, %select_n3A_1037 : vector<16xi32>
      %add3A_1042 = arith.addi %scan3A_1015, %add3A_1041 : vector<16xi32>
      %add3A_1043 = arith.addi %add3A_1041, %select_n3A_1038 : vector<16xi32>
      %add3A_1044 = arith.addi %scan3A_1015, %add3A_1043 : vector<16xi32>
      %add3A_1045 = arith.addi %add3A_1043, %select_n3A_1039 : vector<16xi32>
      %lt3A_1046 = arith.cmpi slt, %scan3A_1015, %broadcast_in_dim3A_428 : vector<16xi32>
      %and3A = arith.andi %ge3A, %lt3A_1046 : vector<16xi1>
      %mul3A_1047 = arith.constant 16 : i32
      %mul3A_1048 = vector.broadcast %mul3A_1047 : i32 to vector<16xi32>
      %mul3A_1049 = arith.muli %scan3A_1015, %mul3A_1048 : vector<16xi32>
      %add3A_1050 = arith.addi %mul3A_1049, %iota3A : vector<16xi32>
      %select_n3A_1051 = arith.select %and3A, %add3A_1050, %add3A_26 : vector<16xi1>, vector<16xi32>
      %mul3A_1052 = arith.mulf %get3A_1020, %mul3A_422 : vector<16xf32>
      tpu.vector_store_idx %arg7[%select_n3A_1051], %mul3A_1052 : memref<2064xf32, #tpu.memory_space<vmem>>[vector<16xi32>], vector<16xf32>,
      %add3A_1053 = arith.constant 0 : i32
      %add3A_1054 = arith.addi %mul3A_1017, %add3A_1053 : i32
      %add3A_1055 = vector.broadcast %add3A_1054 : i32 to vector<16xi32>
      %add3A_1056 = arith.addi %iota3A, %add3A_1055 : vector<16xi32>
      tpu.vector_store_idx %arg8[%select_n3A_1051], %add3A_1056 : memref<2064xi32, #tpu.memory_space<vmem>>[vector<16xi32>], vector<16xi32>,
      %lt3A_1057 = arith.cmpi slt, %add3A_1040, %broadcast_in_dim3A_428 : vector<16xi32>
      %and3A_1058 = arith.andi %ge3A_1033, %lt3A_1057 : vector<16xi1>
      %mul3A_1059 = arith.constant 16 : i32
      %mul3A_1060 = vector.broadcast %mul3A_1059 : i32 to vector<16xi32>
      %mul3A_1061 = arith.muli %add3A_1040, %mul3A_1060 : vector<16xi32>
      %add3A_1062 = arith.addi %mul3A_1061, %iota3A : vector<16xi32>
      %select_n3A_1063 = arith.select %and3A_1058, %add3A_1062, %add3A_26 : vector<16xi1>, vector<16xi32>
      %mul3A_1064 = arith.mulf %get3A_1024, %mul3A_422 : vector<16xf32>
      tpu.vector_store_idx %arg7[%select_n3A_1063], %mul3A_1064 : memref<2064xf32, #tpu.memory_space<vmem>>[vector<16xi32>], vector<16xf32>,
      %add3A_1065 = arith.constant 16 : i32
      %add3A_1066 = arith.addi %mul3A_1017, %add3A_1065 : i32
      %add3A_1067 = vector.broadcast %add3A_1066 : i32 to vector<16xi32>
      %add3A_1068 = arith.addi %iota3A, %add3A_1067 : vector<16xi32>
      tpu.vector_store_idx %arg8[%select_n3A_1063], %add3A_1068 : memref<2064xi32, #tpu.memory_space<vmem>>[vector<16xi32>], vector<16xi32>,
      %lt3A_1069 = arith.cmpi slt, %add3A_1042, %broadcast_in_dim3A_428 : vector<16xi32>
      %and3A_1070 = arith.andi %ge3A_1034, %lt3A_1069 : vector<16xi1>
      %mul3A_1071 = arith.constant 16 : i32
      %mul3A_1072 = vector.broadcast %mul3A_1071 : i32 to vector<16xi32>
      %mul3A_1073 = arith.muli %add3A_1042, %mul3A_1072 : vector<16xi32>
      %add3A_1074 = arith.addi %mul3A_1073, %iota3A : vector<16xi32>
      %select_n3A_1075 = arith.select %and3A_1070, %add3A_1074, %add3A_26 : vector<16xi1>, vector<16xi32>
      %mul3A_1076 = arith.mulf %get3A_1028, %mul3A_422 : vector<16xf32>
      tpu.vector_store_idx %arg7[%select_n3A_1075], %mul3A_1076 : memref<2064xf32, #tpu.memory_space<vmem>>[vector<16xi32>], vector<16xf32>,
      %add3A_1077 = arith.constant 32 : i32
      %add3A_1078 = arith.addi %mul3A_1017, %add3A_1077 : i32
      %add3A_1079 = vector.broadcast %add3A_1078 : i32 to vector<16xi32>
      %add3A_1080 = arith.addi %iota3A, %add3A_1079 : vector<16xi32>
      tpu.vector_store_idx %arg8[%select_n3A_1075], %add3A_1080 : memref<2064xi32, #tpu.memory_space<vmem>>[vector<16xi32>], vector<16xi32>,
      %lt3A_1081 = arith.cmpi slt, %add3A_1044, %broadcast_in_dim3A_428 : vector<16xi32>
      %and3A_1082 = arith.andi %ge3A_1035, %lt3A_1081 : vector<16xi1>
      %mul3A_1083 = arith.constant 16 : i32
      %mul3A_1084 = vector.broadcast %mul3A_1083 : i32 to vector<16xi32>
      %mul3A_1085 = arith.muli %add3A_1044, %mul3A_1084 : vector<16xi32>
      %add3A_1086 = arith.addi %mul3A_1085, %iota3A : vector<16xi32>
      %select_n3A_1087 = arith.select %and3A_1082, %add3A_1086, %add3A_26 : vector<16xi1>, vector<16xi32>
      %mul3A_1088 = arith.mulf %get3A_1032, %mul3A_422 : vector<16xf32>
      tpu.vector_store_idx %arg7[%select_n3A_1087], %mul3A_1088 : memref<2064xf32, #tpu.memory_space<vmem>>[vector<16xi32>], vector<16xf32>,
      %add3A_1089 = arith.constant 48 : i32
      %add3A_1090 = arith.addi %mul3A_1017, %add3A_1089 : i32
      %add3A_1091 = vector.broadcast %add3A_1090 : i32 to vector<16xi32>
      %add3A_1092 = arith.addi %iota3A, %add3A_1091 : vector<16xi32>
      tpu.vector_store_idx %arg8[%select_n3A_1087], %add3A_1092 : memref<2064xi32, #tpu.memory_space<vmem>>[vector<16xi32>], vector<16xi32>,
      %add3A_1093 = arith.addi %scan3A_1015, %add3A_1045 : vector<16xi32>
      %scan3A_1094 = arith.constant 1 : i32
      %scan3A_1095 = arith.addi %scan3A_1014, %scan3A_1094 : i32
      %mul3A_1096 = arith.constant 64 : i32
      %mul3A_1097 = arith.muli %scan3A_1095, %mul3A_1096 : i32
      %add3A_1098 = arith.constant 0 : i32
      %add3A_1099 = arith.addi %mul3A_1097, %add3A_1098 : i32
      %get3A_1100 = arith.index_cast %add3A_1099 : i32 to index
      %get3A_1101 = tpu.vector_load %arg5[%get3A_1100] {strides = array<i32>} : memref<32768xf32, #tpu.memory_space<vmem>>, vector<16xf32>,
      %add3A_1102 = arith.constant 16 : i32
      %add3A_1103 = arith.addi %mul3A_1097, %add3A_1102 : i32
      %get3A_1104 = arith.index_cast %add3A_1103 : i32 to index
      %get3A_1105 = tpu.vector_load %arg5[%get3A_1104] {strides = array<i32>} : memref<32768xf32, #tpu.memory_space<vmem>>, vector<16xf32>,
      %add3A_1106 = arith.constant 32 : i32
      %add3A_1107 = arith.addi %mul3A_1097, %add3A_1106 : i32
      %get3A_1108 = arith.index_cast %add3A_1107 : i32 to index
      %get3A_1109 = tpu.vector_load %arg5[%get3A_1108] {strides = array<i32>} : memref<32768xf32, #tpu.memory_space<vmem>>, vector<16xf32>,
      %add3A_1110 = arith.constant 48 : i32
      %add3A_1111 = arith.addi %mul3A_1097, %add3A_1110 : i32
      %get3A_1112 = arith.index_cast %add3A_1111 : i32 to index
      %get3A_1113 = tpu.vector_load %arg5[%get3A_1112] {strides = array<i32>} : memref<32768xf32, #tpu.memory_space<vmem>>, vector<16xf32>,
      %ge3A_1114 = arith.cmpf oge, %get3A_1101, %min3A_396 : vector<16xf32>
      %ge3A_1115 = arith.cmpf oge, %get3A_1105, %min3A_396 : vector<16xf32>
      %ge3A_1116 = arith.cmpf oge, %get3A_1109, %min3A_396 : vector<16xf32>
      %ge3A_1117 = arith.cmpf oge, %get3A_1113, %min3A_396 : vector<16xf32>
      %select_n3A_1118 = arith.select %ge3A_1114, %broadcast_in_dim3A_424, %broadcast_in_dim3A_426 : vector<16xi1>, vector<16xi32>
      %select_n3A_1119 = arith.select %ge3A_1115, %broadcast_in_dim3A_424, %broadcast_in_dim3A_426 : vector<16xi1>, vector<16xi32>
      %select_n3A_1120 = arith.select %ge3A_1116, %broadcast_in_dim3A_424, %broadcast_in_dim3A_426 : vector<16xi1>, vector<16xi32>
      %select_n3A_1121 = arith.select %ge3A_1117, %broadcast_in_dim3A_424, %broadcast_in_dim3A_426 : vector<16xi1>, vector<16xi32>
      %add3A_1122 = arith.addi %add3A_1093, %select_n3A_1118 : vector<16xi32>
      %add3A_1123 = arith.addi %select_n3A_1118, %select_n3A_1119 : vector<16xi32>
      %add3A_1124 = arith.addi %add3A_1093, %add3A_1123 : vector<16xi32>
      %add3A_1125 = arith.addi %add3A_1123, %select_n3A_1120 : vector<16xi32>
      %add3A_1126 = arith.addi %add3A_1093, %add3A_1125 : vector<16xi32>
      %add3A_1127 = arith.addi %add3A_1125, %select_n3A_1121 : vector<16xi32>
      %lt3A_1128 = arith.cmpi slt, %add3A_1093, %broadcast_in_dim3A_428 : vector<16xi32>
      %and3A_1129 = arith.andi %ge3A_1114, %lt3A_1128 : vector<16xi1>
      %mul3A_1130 = arith.constant 16 : i32
      %mul3A_1131 = vector.broadcast %mul3A_1130 : i32 to vector<16xi32>
      %mul3A_1132 = arith.muli %add3A_1093, %mul3A_1131 : vector<16xi32>
      %add3A_1133 = arith.addi %mul3A_1132, %iota3A : vector<16xi32>
      %select_n3A_1134 = arith.select %and3A_1129, %add3A_1133, %add3A_26 : vector<16xi1>, vector<16xi32>
      %mul3A_1135 = arith.mulf %get3A_1101, %mul3A_422 : vector<16xf32>
      tpu.vector_store_idx %arg7[%select_n3A_1134], %mul3A_1135 : memref<2064xf32, #tpu.memory_space<vmem>>[vector<16xi32>], vector<16xf32>,
      %add3A_1136 = arith.constant 0 : i32
      %add3A_1137 = arith.addi %mul3A_1097, %add3A_1136 : i32
      %add3A_1138 = vector.broadcast %add3A_1137 : i32 to vector<16xi32>
      %add3A_1139 = arith.addi %iota3A, %add3A_1138 : vector<16xi32>
      tpu.vector_store_idx %arg8[%select_n3A_1134], %add3A_1139 : memref<2064xi32, #tpu.memory_space<vmem>>[vector<16xi32>], vector<16xi32>,
      %lt3A_1140 = arith.cmpi slt, %add3A_1122, %broadcast_in_dim3A_428 : vector<16xi32>
      %and3A_1141 = arith.andi %ge3A_1115, %lt3A_1140 : vector<16xi1>
      %mul3A_1142 = arith.constant 16 : i32
      %mul3A_1143 = vector.broadcast %mul3A_1142 : i32 to vector<16xi32>
      %mul3A_1144 = arith.muli %add3A_1122, %mul3A_1143 : vector<16xi32>
      %add3A_1145 = arith.addi %mul3A_1144, %iota3A : vector<16xi32>
      %select_n3A_1146 = arith.select %and3A_1141, %add3A_1145, %add3A_26 : vector<16xi1>, vector<16xi32>
      %mul3A_1147 = arith.mulf %get3A_1105, %mul3A_422 : vector<16xf32>
      tpu.vector_store_idx %arg7[%select_n3A_1146], %mul3A_1147 : memref<2064xf32, #tpu.memory_space<vmem>>[vector<16xi32>], vector<16xf32>,
      %add3A_1148 = arith.constant 16 : i32
      %add3A_1149 = arith.addi %mul3A_1097, %add3A_1148 : i32
      %add3A_1150 = vector.broadcast %add3A_1149 : i32 to vector<16xi32>
      %add3A_1151 = arith.addi %iota3A, %add3A_1150 : vector<16xi32>
      tpu.vector_store_idx %arg8[%select_n3A_1146], %add3A_1151 : memref<2064xi32, #tpu.memory_space<vmem>>[vector<16xi32>], vector<16xi32>,
      %lt3A_1152 = arith.cmpi slt, %add3A_1124, %broadcast_in_dim3A_428 : vector<16xi32>
      %and3A_1153 = arith.andi %ge3A_1116, %lt3A_1152 : vector<16xi1>
      %mul3A_1154 = arith.constant 16 : i32
      %mul3A_1155 = vector.broadcast %mul3A_1154 : i32 to vector<16xi32>
      %mul3A_1156 = arith.muli %add3A_1124, %mul3A_1155 : vector<16xi32>
      %add3A_1157 = arith.addi %mul3A_1156, %iota3A : vector<16xi32>
      %select_n3A_1158 = arith.select %and3A_1153, %add3A_1157, %add3A_26 : vector<16xi1>, vector<16xi32>
      %mul3A_1159 = arith.mulf %get3A_1109, %mul3A_422 : vector<16xf32>
      tpu.vector_store_idx %arg7[%select_n3A_1158], %mul3A_1159 : memref<2064xf32, #tpu.memory_space<vmem>>[vector<16xi32>], vector<16xf32>,
      %add3A_1160 = arith.constant 32 : i32
      %add3A_1161 = arith.addi %mul3A_1097, %add3A_1160 : i32
      %add3A_1162 = vector.broadcast %add3A_1161 : i32 to vector<16xi32>
      %add3A_1163 = arith.addi %iota3A, %add3A_1162 : vector<16xi32>
      tpu.vector_store_idx %arg8[%select_n3A_1158], %add3A_1163 : memref<2064xi32, #tpu.memory_space<vmem>>[vector<16xi32>], vector<16xi32>,
      %lt3A_1164 = arith.cmpi slt, %add3A_1126, %broadcast_in_dim3A_428 : vector<16xi32>
      %and3A_1165 = arith.andi %ge3A_1117, %lt3A_1164 : vector<16xi1>
      %mul3A_1166 = arith.constant 16 : i32
      %mul3A_1167 = vector.broadcast %mul3A_1166 : i32 to vector<16xi32>
      %mul3A_1168 = arith.muli %add3A_1126, %mul3A_1167 : vector<16xi32>
      %add3A_1169 = arith.addi %mul3A_1168, %iota3A : vector<16xi32>
      %select_n3A_1170 = arith.select %and3A_1165, %add3A_1169, %add3A_26 : vector<16xi1>, vector<16xi32>
      %mul3A_1171 = arith.mulf %get3A_1113, %mul3A_422 : vector<16xf32>
      tpu.vector_store_idx %arg7[%select_n3A_1170], %mul3A_1171 : memref<2064xf32, #tpu.memory_space<vmem>>[vector<16xi32>], vector<16xf32>,
      %add3A_1172 = arith.constant 48 : i32
      %add3A_1173 = arith.addi %mul3A_1097, %add3A_1172 : i32
      %add3A_1174 = vector.broadcast %add3A_1173 : i32 to vector<16xi32>
      %add3A_1175 = arith.addi %iota3A, %add3A_1174 : vector<16xi32>
      tpu.vector_store_idx %arg8[%select_n3A_1170], %add3A_1175 : memref<2064xi32, #tpu.memory_space<vmem>>[vector<16xi32>], vector<16xi32>,
      %add3A_1176 = arith.addi %add3A_1093, %add3A_1127 : vector<16xi32>
      scf.yield %add3A_1176 : vector<16xi32>
    }
    %scan3A_434 = arith.constant 512 : i32
    %xor3A_435 = arith.constant 1 : i32
    %xor3A_436 = vector.broadcast %xor3A_435 : i32 to vector<16xi32>
    %xor3A_437 = arith.xori %iota3A, %xor3A_436 : vector<16xi32>
    %lt3A_438 = arith.constant 0 : i32
    %lt3A_439 = vector.broadcast %lt3A_438 : i32 to vector<16xi32>
    %lt3A_440 = arith.cmpi slt, %xor3A_437, %lt3A_439 : vector<16xi32>
    %add3A_441 = arith.constant 16 : i32
    %add3A_442 = vector.broadcast %add3A_441 : i32 to vector<16xi32>
    %add3A_443 = arith.addi %xor3A_437, %add3A_442 : vector<16xi32>
    %select_n3A_444 = arith.select %lt3A_440, %add3A_443, %xor3A_437 : vector<16xi1>, vector<16xi32>
    %reshape3A_445 = vector.shape_cast %select_n3A_444 : vector<16xi32> to vector<16x1xi32>
    %gather3A_446 = vector.shape_cast %reshape3A_445 : vector<16x1xi32> to vector<16xi32>
    %gather3A_447 = tpu.dynamic_gather %scan3A_433[%gather3A_446] in [0] : vector<16xi32>, vector<16xi32> -> vector<16xi32>
    %max3A_448 = arith.maxsi %scan3A_433, %gather3A_447 : vector<16xi32>
    %xor3A_449 = arith.constant 2 : i32
    %xor3A_450 = vector.broadcast %xor3A_449 : i32 to vector<16xi32>
    %xor3A_451 = arith.xori %iota3A, %xor3A_450 : vector<16xi32>
    %lt3A_452 = arith.constant 0 : i32
    %lt3A_453 = vector.broadcast %lt3A_452 : i32 to vector<16xi32>
    %lt3A_454 = arith.cmpi slt, %xor3A_451, %lt3A_453 : vector<16xi32>
    %add3A_455 = arith.constant 16 : i32
    %add3A_456 = vector.broadcast %add3A_455 : i32 to vector<16xi32>
    %add3A_457 = arith.addi %xor3A_451, %add3A_456 : vector<16xi32>
    %select_n3A_458 = arith.select %lt3A_454, %add3A_457, %xor3A_451 : vector<16xi1>, vector<16xi32>
    %reshape3A_459 = vector.shape_cast %select_n3A_458 : vector<16xi32> to vector<16x1xi32>
    %gather3A_460 = vector.shape_cast %reshape3A_459 : vector<16x1xi32> to vector<16xi32>
    %gather3A_461 = tpu.dynamic_gather %max3A_448[%gather3A_460] in [0] : vector<16xi32>, vector<16xi32> -> vector<16xi32>
    %max3A_462 = arith.maxsi %max3A_448, %gather3A_461 : vector<16xi32>
    %xor3A_463 = arith.constant 4 : i32
    %xor3A_464 = vector.broadcast %xor3A_463 : i32 to vector<16xi32>
    %xor3A_465 = arith.xori %iota3A, %xor3A_464 : vector<16xi32>
    %lt3A_466 = arith.constant 0 : i32
    %lt3A_467 = vector.broadcast %lt3A_466 : i32 to vector<16xi32>
    %lt3A_468 = arith.cmpi slt, %xor3A_465, %lt3A_467 : vector<16xi32>
    %add3A_469 = arith.constant 16 : i32
    %add3A_470 = vector.broadcast %add3A_469 : i32 to vector<16xi32>
    %add3A_471 = arith.addi %xor3A_465, %add3A_470 : vector<16xi32>
    %select_n3A_472 = arith.select %lt3A_468, %add3A_471, %xor3A_465 : vector<16xi1>, vector<16xi32>
    %reshape3A_473 = vector.shape_cast %select_n3A_472 : vector<16xi32> to vector<16x1xi32>
    %gather3A_474 = vector.shape_cast %reshape3A_473 : vector<16x1xi32> to vector<16xi32>
    %gather3A_475 = tpu.dynamic_gather %max3A_462[%gather3A_474] in [0] : vector<16xi32>, vector<16xi32> -> vector<16xi32>
    %max3A_476 = arith.maxsi %max3A_462, %gather3A_475 : vector<16xi32>
    %xor3A_477 = arith.constant 8 : i32
    %xor3A_478 = vector.broadcast %xor3A_477 : i32 to vector<16xi32>
    %xor3A_479 = arith.xori %iota3A, %xor3A_478 : vector<16xi32>
    %lt3A_480 = arith.constant 0 : i32
    %lt3A_481 = vector.broadcast %lt3A_480 : i32 to vector<16xi32>
    %lt3A_482 = arith.cmpi slt, %xor3A_479, %lt3A_481 : vector<16xi32>
    %add3A_483 = arith.constant 16 : i32
    %add3A_484 = vector.broadcast %add3A_483 : i32 to vector<16xi32>
    %add3A_485 = arith.addi %xor3A_479, %add3A_484 : vector<16xi32>
    %select_n3A_486 = arith.select %lt3A_482, %add3A_485, %xor3A_479 : vector<16xi1>, vector<16xi32>
    %reshape3A_487 = vector.shape_cast %select_n3A_486 : vector<16xi32> to vector<16x1xi32>
    %gather3A_488 = vector.shape_cast %reshape3A_487 : vector<16x1xi32> to vector<16xi32>
    %gather3A_489 = tpu.dynamic_gather %max3A_476[%gather3A_488] in [0] : vector<16xi32>, vector<16xi32> -> vector<16xi32>
    %max3A_490 = arith.maxsi %max3A_476, %gather3A_489 : vector<16xi32>
    %slice3A = vector.extract_strided_slice %max3A_490 {offsets = [0], sizes = [1], strides = [1]} : vector<16xi32> to vector<1xi32>
    %squeeze3A = vector.extract %slice3A[0] : i32 from vector<1xi32>
    %eq3A = arith.constant 0 : i32
    %eq3A_491 = vector.broadcast %eq3A : i32 to vector<16xi32>
    %eq3A_492 = arith.cmpi eq, %iota3A, %eq3A_491 : vector<16xi32>
    %broadcast_in_dim3A_493 = arith.constant 32768 : i32
    %broadcast_in_dim3A_494 = vector.broadcast %broadcast_in_dim3A_493 : i32 to vector<16xi32>
    %scan3A_495 = arith.constant 0 : i32
    %scan3A_496 = arith.constant 0 : i32
    %scan3A_497 = arith.constant 64 : i32
    %scan3A_498 = arith.addi %scan3A_496, %scan3A_497 : i32
    %scan3A_499 = arith.constant 1 : i32
    %scan3A_500 = scf.for %scan3A_1014 = %scan3A_496 to %scan3A_498 step %scan3A_499 iter_args(%scan3A_1015 = %scan3A_495) -> (i32)  : i32 {
      %broadcast_in_dim3A_1016 = arith.constant 0 : i32
      %broadcast_in_dim3A_1017 = vector.broadcast %broadcast_in_dim3A_1016 : i32 to vector<16xi32>
      %while3A = arith.constant 0 : i32
      %while3A_1018 = arith.subi %squeeze3A, %while3A : i32
      %while3A_1019 = arith.addi %while3A, %while3A_1018 : i32
      %while3A_1020 = arith.constant 1 : i32
      %while3A_1021 = arith.divsi %while3A_1018, %while3A_1020 : i32
      %while3A_1022 = arith.muli %while3A_1021, %while3A_1020 : i32
      %while3A_1023 = arith.addi %while3A, %while3A_1022 : i32
      %while3A_1024 = arith.constant 1 : i32
      %while3A_1025:2 = scf.for %while3A_1199 = %while3A to %while3A_1023 step %while3A_1024 iter_args(%while3A_1200 = %broadcast_in_dim3A_23, %while3A_1201 = %broadcast_in_dim3A_1017) -> (vector<16xf32>, vector<16xi32>)  : i32 {
        %mul3A_1202 = arith.constant 16 : i32
        %mul3A_1203 = arith.muli %while3A_1199, %mul3A_1202 : i32
        %get3A = arith.index_cast %mul3A_1203 : i32 to index
        %get3A_1204 = tpu.vector_load %arg7[%get3A] {strides = array<i32>} : memref<2064xf32, #tpu.memory_space<vmem>>, vector<16xf32>,
        %mul3A_1205 = arith.constant 16 : i32
        %mul3A_1206 = arith.muli %while3A_1199, %mul3A_1205 : i32
        %add3A_1207 = vector.broadcast %mul3A_1206 : i32 to vector<16xi32>
        %add3A_1208 = arith.addi %iota3A, %add3A_1207 : vector<16xi32>
        %gt3A_1209 = arith.cmpf ogt, %get3A_1204, %while3A_1200 : vector<16xf32>
        %select_n3A_1210 = arith.select %gt3A_1209, %get3A_1204, %while3A_1200 : vector<16xi1>, vector<16xf32>
        %select_n3A_1211 = arith.select %gt3A_1209, %add3A_1208, %while3A_1201 : vector<16xi1>, vector<16xi32>
        scf.yield %select_n3A_1210, %select_n3A_1211 : vector<16xf32>, vector<16xi32>
      }
      %while3A_1026 = arith.constant 1 : i32
      %while3A_1027:2 = scf.for %while3A_1199 = %while3A_1023 to %while3A_1019 step %while3A_1026 iter_args(%while3A_1200 = %while3A_1025#0, %while3A_1201 = %while3A_1025#1) -> (vector<16xf32>, vector<16xi32>)  : i32 {
        %mul3A_1202 = arith.constant 16 : i32
        %mul3A_1203 = arith.muli %while3A_1199, %mul3A_1202 : i32
        %get3A = arith.index_cast %mul3A_1203 : i32 to index
        %get3A_1204 = tpu.vector_load %arg7[%get3A] {strides = array<i32>} : memref<2064xf32, #tpu.memory_space<vmem>>, vector<16xf32>,
        %mul3A_1205 = arith.constant 16 : i32
        %mul3A_1206 = arith.muli %while3A_1199, %mul3A_1205 : i32
        %add3A_1207 = vector.broadcast %mul3A_1206 : i32 to vector<16xi32>
        %add3A_1208 = arith.addi %iota3A, %add3A_1207 : vector<16xi32>
        %gt3A_1209 = arith.cmpf ogt, %get3A_1204, %while3A_1200 : vector<16xf32>
        %select_n3A_1210 = arith.select %gt3A_1209, %get3A_1204, %while3A_1200 : vector<16xi1>, vector<16xf32>
        %select_n3A_1211 = arith.select %gt3A_1209, %add3A_1208, %while3A_1201 : vector<16xi1>, vector<16xi32>
        scf.yield %select_n3A_1210, %select_n3A_1211 : vector<16xf32>, vector<16xi32>
      }
      %gather3A_1028 = tpu.vector_load_idx %arg8[%while3A_1027#1] : memref<2064xi32, #tpu.memory_space<vmem>>[vector<16xi32>], vector<16xi32>,
      %gt3A = arith.cmpf ogt, %while3A_1027#0, %broadcast_in_dim3A_23 : vector<16xf32>
      %select_n3A_1029 = arith.select %gt3A, %gather3A_1028, %broadcast_in_dim3A_494 : vector<16xi1>, vector<16xi32>
      %xor3A_1030 = arith.constant 1 : i32
      %xor3A_1031 = vector.broadcast %xor3A_1030 : i32 to vector<16xi32>
      %xor3A_1032 = arith.xori %iota3A, %xor3A_1031 : vector<16xi32>
      %lt3A_1033 = arith.constant 0 : i32
      %lt3A_1034 = vector.broadcast %lt3A_1033 : i32 to vector<16xi32>
      %lt3A_1035 = arith.cmpi slt, %xor3A_1032, %lt3A_1034 : vector<16xi32>
      %add3A_1036 = arith.constant 16 : i32
      %add3A_1037 = vector.broadcast %add3A_1036 : i32 to vector<16xi32>
      %add3A_1038 = arith.addi %xor3A_1032, %add3A_1037 : vector<16xi32>
      %select_n3A_1039 = arith.select %lt3A_1035, %add3A_1038, %xor3A_1032 : vector<16xi1>, vector<16xi32>
      %reshape3A_1040 = vector.shape_cast %select_n3A_1039 : vector<16xi32> to vector<16x1xi32>
      %gather3A_1041 = vector.shape_cast %reshape3A_1040 : vector<16x1xi32> to vector<16xi32>
      %gather3A_1042 = tpu.dynamic_gather %while3A_1027#0[%gather3A_1041] in [0] : vector<16xf32>, vector<16xi32> -> vector<16xf32>
      %lt3A_1043 = arith.constant 0 : i32
      %lt3A_1044 = vector.broadcast %lt3A_1043 : i32 to vector<16xi32>
      %lt3A_1045 = arith.cmpi slt, %xor3A_1032, %lt3A_1044 : vector<16xi32>
      %add3A_1046 = arith.constant 16 : i32
      %add3A_1047 = vector.broadcast %add3A_1046 : i32 to vector<16xi32>
      %add3A_1048 = arith.addi %xor3A_1032, %add3A_1047 : vector<16xi32>
      %select_n3A_1049 = arith.select %lt3A_1045, %add3A_1048, %xor3A_1032 : vector<16xi1>, vector<16xi32>
      %reshape3A_1050 = vector.shape_cast %select_n3A_1049 : vector<16xi32> to vector<16x1xi32>
      %gather3A_1051 = vector.shape_cast %reshape3A_1050 : vector<16x1xi32> to vector<16xi32>
      %gather3A_1052 = tpu.dynamic_gather %select_n3A_1029[%gather3A_1051] in [0] : vector<16xi32>, vector<16xi32> -> vector<16xi32>
      %lt3A_1053 = arith.constant 0 : i32
      %lt3A_1054 = vector.broadcast %lt3A_1053 : i32 to vector<16xi32>
      %lt3A_1055 = arith.cmpi slt, %xor3A_1032, %lt3A_1054 : vector<16xi32>
      %add3A_1056 = arith.constant 16 : i32
      %add3A_1057 = vector.broadcast %add3A_1056 : i32 to vector<16xi32>
      %add3A_1058 = arith.addi %xor3A_1032, %add3A_1057 : vector<16xi32>
      %select_n3A_1059 = arith.select %lt3A_1055, %add3A_1058, %xor3A_1032 : vector<16xi1>, vector<16xi32>
      %reshape3A_1060 = vector.shape_cast %select_n3A_1059 : vector<16xi32> to vector<16x1xi32>
      %gather3A_1061 = vector.shape_cast %reshape3A_1060 : vector<16x1xi32> to vector<16xi32>
      %gather3A_1062 = tpu.dynamic_gather %while3A_1027#1[%gather3A_1061] in [0] : vector<16xi32>, vector<16xi32> -> vector<16xi32>
      %gt3A_1063 = arith.cmpf ogt, %gather3A_1042, %while3A_1027#0 : vector<16xf32>
      %eq3A_1064 = arith.cmpf oeq, %gather3A_1042, %while3A_1027#0 : vector<16xf32>
      %lt3A_1065 = arith.cmpi slt, %gather3A_1052, %select_n3A_1029 : vector<16xi32>
      %and3A = arith.andi %eq3A_1064, %lt3A_1065 : vector<16xi1>
      %or3A = arith.ori %gt3A_1063, %and3A : vector<16xi1>
      %select_n3A_1066 = arith.select %or3A, %gather3A_1042, %while3A_1027#0 : vector<16xi1>, vector<16xf32>
      %select_n3A_1067 = arith.select %or3A, %gather3A_1052, %select_n3A_1029 : vector<16xi1>, vector<16xi32>
      %select_n3A_1068 = arith.select %or3A, %gather3A_1062, %while3A_1027#1 : vector<16xi1>, vector<16xi32>
      %xor3A_1069 = arith.constant 2 : i32
      %xor3A_1070 = vector.broadcast %xor3A_1069 : i32 to vector<16xi32>
      %xor3A_1071 = arith.xori %iota3A, %xor3A_1070 : vector<16xi32>
      %lt3A_1072 = arith.constant 0 : i32
      %lt3A_1073 = vector.broadcast %lt3A_1072 : i32 to vector<16xi32>
      %lt3A_1074 = arith.cmpi slt, %xor3A_1071, %lt3A_1073 : vector<16xi32>
      %add3A_1075 = arith.constant 16 : i32
      %add3A_1076 = vector.broadcast %add3A_1075 : i32 to vector<16xi32>
      %add3A_1077 = arith.addi %xor3A_1071, %add3A_1076 : vector<16xi32>
      %select_n3A_1078 = arith.select %lt3A_1074, %add3A_1077, %xor3A_1071 : vector<16xi1>, vector<16xi32>
      %reshape3A_1079 = vector.shape_cast %select_n3A_1078 : vector<16xi32> to vector<16x1xi32>
      %gather3A_1080 = vector.shape_cast %reshape3A_1079 : vector<16x1xi32> to vector<16xi32>
      %gather3A_1081 = tpu.dynamic_gather %select_n3A_1066[%gather3A_1080] in [0] : vector<16xf32>, vector<16xi32> -> vector<16xf32>
      %lt3A_1082 = arith.constant 0 : i32
      %lt3A_1083 = vector.broadcast %lt3A_1082 : i32 to vector<16xi32>
      %lt3A_1084 = arith.cmpi slt, %xor3A_1071, %lt3A_1083 : vector<16xi32>
      %add3A_1085 = arith.constant 16 : i32
      %add3A_1086 = vector.broadcast %add3A_1085 : i32 to vector<16xi32>
      %add3A_1087 = arith.addi %xor3A_1071, %add3A_1086 : vector<16xi32>
      %select_n3A_1088 = arith.select %lt3A_1084, %add3A_1087, %xor3A_1071 : vector<16xi1>, vector<16xi32>
      %reshape3A_1089 = vector.shape_cast %select_n3A_1088 : vector<16xi32> to vector<16x1xi32>
      %gather3A_1090 = vector.shape_cast %reshape3A_1089 : vector<16x1xi32> to vector<16xi32>
      %gather3A_1091 = tpu.dynamic_gather %select_n3A_1067[%gather3A_1090] in [0] : vector<16xi32>, vector<16xi32> -> vector<16xi32>
      %lt3A_1092 = arith.constant 0 : i32
      %lt3A_1093 = vector.broadcast %lt3A_1092 : i32 to vector<16xi32>
      %lt3A_1094 = arith.cmpi slt, %xor3A_1071, %lt3A_1093 : vector<16xi32>
      %add3A_1095 = arith.constant 16 : i32
      %add3A_1096 = vector.broadcast %add3A_1095 : i32 to vector<16xi32>
      %add3A_1097 = arith.addi %xor3A_1071, %add3A_1096 : vector<16xi32>
      %select_n3A_1098 = arith.select %lt3A_1094, %add3A_1097, %xor3A_1071 : vector<16xi1>, vector<16xi32>
      %reshape3A_1099 = vector.shape_cast %select_n3A_1098 : vector<16xi32> to vector<16x1xi32>
      %gather3A_1100 = vector.shape_cast %reshape3A_1099 : vector<16x1xi32> to vector<16xi32>
      %gather3A_1101 = tpu.dynamic_gather %select_n3A_1068[%gather3A_1100] in [0] : vector<16xi32>, vector<16xi32> -> vector<16xi32>
      %gt3A_1102 = arith.cmpf ogt, %gather3A_1081, %select_n3A_1066 : vector<16xf32>
      %eq3A_1103 = arith.cmpf oeq, %gather3A_1081, %select_n3A_1066 : vector<16xf32>
      %lt3A_1104 = arith.cmpi slt, %gather3A_1091, %select_n3A_1067 : vector<16xi32>
      %and3A_1105 = arith.andi %eq3A_1103, %lt3A_1104 : vector<16xi1>
      %or3A_1106 = arith.ori %gt3A_1102, %and3A_1105 : vector<16xi1>
      %select_n3A_1107 = arith.select %or3A_1106, %gather3A_1081, %select_n3A_1066 : vector<16xi1>, vector<16xf32>
      %select_n3A_1108 = arith.select %or3A_1106, %gather3A_1091, %select_n3A_1067 : vector<16xi1>, vector<16xi32>
      %select_n3A_1109 = arith.select %or3A_1106, %gather3A_1101, %select_n3A_1068 : vector<16xi1>, vector<16xi32>
      %xor3A_1110 = arith.constant 4 : i32
      %xor3A_1111 = vector.broadcast %xor3A_1110 : i32 to vector<16xi32>
      %xor3A_1112 = arith.xori %iota3A, %xor3A_1111 : vector<16xi32>
      %lt3A_1113 = arith.constant 0 : i32
      %lt3A_1114 = vector.broadcast %lt3A_1113 : i32 to vector<16xi32>
      %lt3A_1115 = arith.cmpi slt, %xor3A_1112, %lt3A_1114 : vector<16xi32>
      %add3A_1116 = arith.constant 16 : i32
      %add3A_1117 = vector.broadcast %add3A_1116 : i32 to vector<16xi32>
      %add3A_1118 = arith.addi %xor3A_1112, %add3A_1117 : vector<16xi32>
      %select_n3A_1119 = arith.select %lt3A_1115, %add3A_1118, %xor3A_1112 : vector<16xi1>, vector<16xi32>
      %reshape3A_1120 = vector.shape_cast %select_n3A_1119 : vector<16xi32> to vector<16x1xi32>
      %gather3A_1121 = vector.shape_cast %reshape3A_1120 : vector<16x1xi32> to vector<16xi32>
      %gather3A_1122 = tpu.dynamic_gather %select_n3A_1107[%gather3A_1121] in [0] : vector<16xf32>, vector<16xi32> -> vector<16xf32>
      %lt3A_1123 = arith.constant 0 : i32
      %lt3A_1124 = vector.broadcast %lt3A_1123 : i32 to vector<16xi32>
      %lt3A_1125 = arith.cmpi slt, %xor3A_1112, %lt3A_1124 : vector<16xi32>
      %add3A_1126 = arith.constant 16 : i32
      %add3A_1127 = vector.broadcast %add3A_1126 : i32 to vector<16xi32>
      %add3A_1128 = arith.addi %xor3A_1112, %add3A_1127 : vector<16xi32>
      %select_n3A_1129 = arith.select %lt3A_1125, %add3A_1128, %xor3A_1112 : vector<16xi1>, vector<16xi32>
      %reshape3A_1130 = vector.shape_cast %select_n3A_1129 : vector<16xi32> to vector<16x1xi32>
      %gather3A_1131 = vector.shape_cast %reshape3A_1130 : vector<16x1xi32> to vector<16xi32>
      %gather3A_1132 = tpu.dynamic_gather %select_n3A_1108[%gather3A_1131] in [0] : vector<16xi32>, vector<16xi32> -> vector<16xi32>
      %lt3A_1133 = arith.constant 0 : i32
      %lt3A_1134 = vector.broadcast %lt3A_1133 : i32 to vector<16xi32>
      %lt3A_1135 = arith.cmpi slt, %xor3A_1112, %lt3A_1134 : vector<16xi32>
      %add3A_1136 = arith.constant 16 : i32
      %add3A_1137 = vector.broadcast %add3A_1136 : i32 to vector<16xi32>
      %add3A_1138 = arith.addi %xor3A_1112, %add3A_1137 : vector<16xi32>
      %select_n3A_1139 = arith.select %lt3A_1135, %add3A_1138, %xor3A_1112 : vector<16xi1>, vector<16xi32>
      %reshape3A_1140 = vector.shape_cast %select_n3A_1139 : vector<16xi32> to vector<16x1xi32>
      %gather3A_1141 = vector.shape_cast %reshape3A_1140 : vector<16x1xi32> to vector<16xi32>
      %gather3A_1142 = tpu.dynamic_gather %select_n3A_1109[%gather3A_1141] in [0] : vector<16xi32>, vector<16xi32> -> vector<16xi32>
      %gt3A_1143 = arith.cmpf ogt, %gather3A_1122, %select_n3A_1107 : vector<16xf32>
      %eq3A_1144 = arith.cmpf oeq, %gather3A_1122, %select_n3A_1107 : vector<16xf32>
      %lt3A_1145 = arith.cmpi slt, %gather3A_1132, %select_n3A_1108 : vector<16xi32>
      %and3A_1146 = arith.andi %eq3A_1144, %lt3A_1145 : vector<16xi1>
      %or3A_1147 = arith.ori %gt3A_1143, %and3A_1146 : vector<16xi1>
      %select_n3A_1148 = arith.select %or3A_1147, %gather3A_1122, %select_n3A_1107 : vector<16xi1>, vector<16xf32>
      %select_n3A_1149 = arith.select %or3A_1147, %gather3A_1132, %select_n3A_1108 : vector<16xi1>, vector<16xi32>
      %select_n3A_1150 = arith.select %or3A_1147, %gather3A_1142, %select_n3A_1109 : vector<16xi1>, vector<16xi32>
      %xor3A_1151 = arith.constant 8 : i32
      %xor3A_1152 = vector.broadcast %xor3A_1151 : i32 to vector<16xi32>
      %xor3A_1153 = arith.xori %iota3A, %xor3A_1152 : vector<16xi32>
      %lt3A_1154 = arith.constant 0 : i32
      %lt3A_1155 = vector.broadcast %lt3A_1154 : i32 to vector<16xi32>
      %lt3A_1156 = arith.cmpi slt, %xor3A_1153, %lt3A_1155 : vector<16xi32>
      %add3A_1157 = arith.constant 16 : i32
      %add3A_1158 = vector.broadcast %add3A_1157 : i32 to vector<16xi32>
      %add3A_1159 = arith.addi %xor3A_1153, %add3A_1158 : vector<16xi32>
      %select_n3A_1160 = arith.select %lt3A_1156, %add3A_1159, %xor3A_1153 : vector<16xi1>, vector<16xi32>
      %reshape3A_1161 = vector.shape_cast %select_n3A_1160 : vector<16xi32> to vector<16x1xi32>
      %gather3A_1162 = vector.shape_cast %reshape3A_1161 : vector<16x1xi32> to vector<16xi32>
      %gather3A_1163 = tpu.dynamic_gather %select_n3A_1148[%gather3A_1162] in [0] : vector<16xf32>, vector<16xi32> -> vector<16xf32>
      %lt3A_1164 = arith.constant 0 : i32
      %lt3A_1165 = vector.broadcast %lt3A_1164 : i32 to vector<16xi32>
      %lt3A_1166 = arith.cmpi slt, %xor3A_1153, %lt3A_1165 : vector<16xi32>
      %add3A_1167 = arith.constant 16 : i32
      %add3A_1168 = vector.broadcast %add3A_1167 : i32 to vector<16xi32>
      %add3A_1169 = arith.addi %xor3A_1153, %add3A_1168 : vector<16xi32>
      %select_n3A_1170 = arith.select %lt3A_1166, %add3A_1169, %xor3A_1153 : vector<16xi1>, vector<16xi32>
      %reshape3A_1171 = vector.shape_cast %select_n3A_1170 : vector<16xi32> to vector<16x1xi32>
      %gather3A_1172 = vector.shape_cast %reshape3A_1171 : vector<16x1xi32> to vector<16xi32>
      %gather3A_1173 = tpu.dynamic_gather %select_n3A_1149[%gather3A_1172] in [0] : vector<16xi32>, vector<16xi32> -> vector<16xi32>
      %lt3A_1174 = arith.constant 0 : i32
      %lt3A_1175 = vector.broadcast %lt3A_1174 : i32 to vector<16xi32>
      %lt3A_1176 = arith.cmpi slt, %xor3A_1153, %lt3A_1175 : vector<16xi32>
      %add3A_1177 = arith.constant 16 : i32
      %add3A_1178 = vector.broadcast %add3A_1177 : i32 to vector<16xi32>
      %add3A_1179 = arith.addi %xor3A_1153, %add3A_1178 : vector<16xi32>
      %select_n3A_1180 = arith.select %lt3A_1176, %add3A_1179, %xor3A_1153 : vector<16xi1>, vector<16xi32>
      %reshape3A_1181 = vector.shape_cast %select_n3A_1180 : vector<16xi32> to vector<16x1xi32>
      %gather3A_1182 = vector.shape_cast %reshape3A_1181 : vector<16x1xi32> to vector<16xi32>
      %gather3A_1183 = tpu.dynamic_gather %select_n3A_1150[%gather3A_1182] in [0] : vector<16xi32>, vector<16xi32> -> vector<16xi32>
      %gt3A_1184 = arith.cmpf ogt, %gather3A_1163, %select_n3A_1148 : vector<16xf32>
      %eq3A_1185 = arith.cmpf oeq, %gather3A_1163, %select_n3A_1148 : vector<16xf32>
      %lt3A_1186 = arith.cmpi slt, %gather3A_1173, %select_n3A_1149 : vector<16xi32>
      %and3A_1187 = arith.andi %eq3A_1185, %lt3A_1186 : vector<16xi1>
      %or3A_1188 = arith.ori %gt3A_1184, %and3A_1187 : vector<16xi1>
      %select_n3A_1189 = arith.select %or3A_1188, %gather3A_1163, %select_n3A_1148 : vector<16xi1>, vector<16xf32>
      %select_n3A_1190 = arith.select %or3A_1188, %gather3A_1173, %select_n3A_1149 : vector<16xi1>, vector<16xi32>
      %select_n3A_1191 = arith.select %or3A_1188, %gather3A_1183, %select_n3A_1150 : vector<16xi1>, vector<16xi32>
      %broadcast_in_dim3A_1192 = vector.broadcast %scan3A_1014 : i32 to vector<16xi32>
      %add3A_1193 = arith.constant 64 : i32
      %add3A_1194 = vector.broadcast %add3A_1193 : i32 to vector<16xi32>
      %add3A_1195 = arith.addi %add3A_1194, %iota3A : vector<16xi32>
      %select_n3A_1196 = arith.select %eq3A_492, %broadcast_in_dim3A_1192, %add3A_1195 : vector<16xi1>, vector<16xi32>
      tpu.vector_store_idx %arg9[%select_n3A_1196], %select_n3A_1189 : memref<80xf32, #tpu.memory_space<vmem>>[vector<16xi32>], vector<16xf32>,
      tpu.vector_store_idx %arg10[%select_n3A_1196], %select_n3A_1190 : memref<80xi32, #tpu.memory_space<vmem>>[vector<16xi32>], vector<16xi32>,
      %select_n3A_1197 = arith.select %eq3A_492, %select_n3A_1191, %add3A_26 : vector<16xi1>, vector<16xi32>
      tpu.vector_store_idx %arg7[%select_n3A_1197], %broadcast_in_dim3A_23 : memref<2064xf32, #tpu.memory_space<vmem>>[vector<16xi32>], vector<16xf32>,
      %scan3A_1198 = arith.constant 0 : i32
      scf.yield %scan3A_1198 : i32
    }
    %scan3A_501 = arith.constant 64 : i32
    %mul3A_502 = arith.constant 64 : i32
    %mul3A_503 = arith.muli %add3A_17, %mul3A_502 : i32
    "tpu.region"() ({
      %run_scoped3A = tpu.sem_alloc : memref<!tpu.dma_semaphore, #tpu.memory_space<semaphore_mem>>
      %dma_start3A_1014 = arith.constant 0 : i32
      %dma_start3A_1015 = tpu.memref_slice %arg9[%dma_start3A_1014] : memref<80xf32, #tpu.memory_space<vmem>> -> memref<64xf32, #tpu.memory_space<vmem>>
      %dma_start3A_1016 = tpu.memref_slice %arg4[%mul3A_503] : memref<4096xf32, #tpu.memory_space<hbm>> -> memref<64xf32, #tpu.memory_space<hbm>>
      %dma_start3A_1017 = tpu.memref_slice %arg4[%mul3A_503] : memref<4096xf32, #tpu.memory_space<hbm>> -> memref<64xf32, #tpu.memory_space<hbm>>
      %dma_start3A_1018 = arith.constant 0 : i32
      %dma_start3A_1019 = tpu.memref_slice %arg9[%dma_start3A_1018] : memref<80xf32, #tpu.memory_space<vmem>> -> memref<64xf32, #tpu.memory_space<vmem>>
      tpu.enqueue_dma source(%dma_start3A_1019 : memref<64xf32, #tpu.memory_space<vmem>>) target(%dma_start3A_1017 : memref<64xf32, #tpu.memory_space<hbm>>) target_semaphore(%run_scoped3A : memref<!tpu.dma_semaphore, #tpu.memory_space<semaphore_mem>>)
      %dma_wait3A_1020 = arith.constant 0 : i32
      %dma_wait3A_1021 = tpu.memref_slice %arg9[%dma_wait3A_1020] : memref<80xf32, #tpu.memory_space<vmem>> -> memref<64xf32, #tpu.memory_space<vmem>>
      %dma_wait3A_1022 = tpu.memref_slice %arg4[%mul3A_503] : memref<4096xf32, #tpu.memory_space<hbm>> -> memref<64xf32, #tpu.memory_space<hbm>>
      %dma_wait3A_1023 = tpu.memref_slice %arg4[%mul3A_503] : memref<4096xf32, #tpu.memory_space<hbm>> -> memref<64xf32, #tpu.memory_space<hbm>>
      %dma_wait3A_1024 = arith.constant 0 : i32
      %dma_wait3A_1025 = tpu.memref_slice %arg9[%dma_wait3A_1024] : memref<80xf32, #tpu.memory_space<vmem>> -> memref<64xf32, #tpu.memory_space<vmem>>
      tpu.wait_dma2 semaphore(%run_scoped3A : memref<!tpu.dma_semaphore, #tpu.memory_space<semaphore_mem>>) src(%dma_wait3A_1025 : memref<64xf32, #tpu.memory_space<vmem>>) dst(%dma_wait3A_1023 : memref<64xf32, #tpu.memory_space<hbm>>)
      tpu.yield
    }) : () -> ()
    %mul3A_504 = arith.constant 64 : i32
    %mul3A_505 = arith.muli %add3A_17, %mul3A_504 : i32
    "tpu.region"() ({
      %run_scoped3A = tpu.sem_alloc : memref<!tpu.dma_semaphore, #tpu.memory_space<semaphore_mem>>
      %dma_start3A_1014 = arith.constant 0 : i32
      %dma_start3A_1015 = tpu.memref_slice %arg10[%dma_start3A_1014] : memref<80xi32, #tpu.memory_space<vmem>> -> memref<64xi32, #tpu.memory_space<vmem>>
      %dma_start3A_1016 = tpu.memref_slice %arg3[%mul3A_505] : memref<4096xi32, #tpu.memory_space<hbm>> -> memref<64xi32, #tpu.memory_space<hbm>>
      %dma_start3A_1017 = tpu.memref_slice %arg3[%mul3A_505] : memref<4096xi32, #tpu.memory_space<hbm>> -> memref<64xi32, #tpu.memory_space<hbm>>
      %dma_start3A_1018 = arith.constant 0 : i32
      %dma_start3A_1019 = tpu.memref_slice %arg10[%dma_start3A_1018] : memref<80xi32, #tpu.memory_space<vmem>> -> memref<64xi32, #tpu.memory_space<vmem>>
      tpu.enqueue_dma source(%dma_start3A_1019 : memref<64xi32, #tpu.memory_space<vmem>>) target(%dma_start3A_1017 : memref<64xi32, #tpu.memory_space<hbm>>) target_semaphore(%run_scoped3A : memref<!tpu.dma_semaphore, #tpu.memory_space<semaphore_mem>>)
      %dma_wait3A_1020 = arith.constant 0 : i32
      %dma_wait3A_1021 = tpu.memref_slice %arg10[%dma_wait3A_1020] : memref<80xi32, #tpu.memory_space<vmem>> -> memref<64xi32, #tpu.memory_space<vmem>>
      %dma_wait3A_1022 = tpu.memref_slice %arg3[%mul3A_505] : memref<4096xi32, #tpu.memory_space<hbm>> -> memref<64xi32, #tpu.memory_space<hbm>>
      %dma_wait3A_1023 = tpu.memref_slice %arg3[%mul3A_505] : memref<4096xi32, #tpu.memory_space<hbm>> -> memref<64xi32, #tpu.memory_space<hbm>>
      %dma_wait3A_1024 = arith.constant 0 : i32
      %dma_wait3A_1025 = tpu.memref_slice %arg10[%dma_wait3A_1024] : memref<80xi32, #tpu.memory_space<vmem>> -> memref<64xi32, #tpu.memory_space<vmem>>
      tpu.wait_dma2 semaphore(%run_scoped3A : memref<!tpu.dma_semaphore, #tpu.memory_space<semaphore_mem>>) src(%dma_wait3A_1025 : memref<64xi32, #tpu.memory_space<vmem>>) dst(%dma_wait3A_1023 : memref<64xi32, #tpu.memory_space<hbm>>)
      tpu.yield
    }) : () -> ()
    %add3A_506 = arith.constant 1 : i32
    %add3A_507 = arith.addi %mul3A_2, %add3A_506 : i32
    %dma_wait3A_508 = arith.constant 0 : i32
    %dma_wait3A_509 = tpu.memref_slice %arg2[%add3A_9, %dma_wait3A_508] : memref<64x32768xf32, #tpu.memory_space<hbm>> -> memref<1x32768xf32, #tpu.memory_space<hbm>>
    %dma_wait3A_510 = tpu.memref_squeeze %dma_wait3A_509 : memref<1x32768xf32, #tpu.memory_space<hbm>> -> memref<32768xf32, #tpu.memory_space<hbm>>
    %dma_wait3A_511 = arith.constant 0 : i32
    %dma_wait3A_512 = tpu.memref_slice %arg2[%add3A_9, %dma_wait3A_511] : memref<64x32768xf32, #tpu.memory_space<hbm>> -> memref<1x32768xf32, #tpu.memory_space<hbm>>
    %dma_wait3A_513 = tpu.memref_squeeze %dma_wait3A_512 : memref<1x32768xf32, #tpu.memory_space<hbm>> -> memref<32768xf32, #tpu.memory_space<hbm>>
    tpu.wait_dma2 semaphore(%arg13 : memref<!tpu.dma_semaphore, #tpu.memory_space<semaphore_mem>>) src(%dma_wait3A_513 : memref<32768xf32, #tpu.memory_space<hbm>>) dst(%arg6 : memref<32768xf32, #tpu.memory_space<vmem>>)
    %iota3A_514 = tpu.iota {dimensions = array<i32: 0>} : vector<16xi32>
    %broadcast_in_dim3A_515 = arith.constant 0xFF800000 : f32
    %broadcast_in_dim3A_516 = vector.broadcast %broadcast_in_dim3A_515 : f32 to vector<16xf32>
    %add3A_517 = arith.constant 2048 : i32
    %add3A_518 = vector.broadcast %add3A_517 : i32 to vector<16xi32>
    %add3A_519 = arith.addi %add3A_518, %iota3A_514 : vector<16xi32>
    %swap3A_520 = arith.constant 0 : index
    %swap3A_521 = tpu.vector_load %arg7[%swap3A_520] {strides = array<i32>} : memref<2064xf32, #tpu.memory_space<vmem>>, vector<16xf32>,
    tpu.vector_store %arg7[%swap3A_520], %broadcast_in_dim3A_516 {strides = array<i32>} : memref<2064xf32, #tpu.memory_space<vmem>>, vector<16xf32>,
    %swap3A_522 = arith.constant 16 : index
    %swap3A_523 = tpu.vector_load %arg7[%swap3A_522] {strides = array<i32>} : memref<2064xf32, #tpu.memory_space<vmem>>, vector<16xf32>,
    tpu.vector_store %arg7[%swap3A_522], %broadcast_in_dim3A_516 {strides = array<i32>} : memref<2064xf32, #tpu.memory_space<vmem>>, vector<16xf32>,
    %swap3A_524 = arith.constant 32 : index
    %swap3A_525 = tpu.vector_load %arg7[%swap3A_524] {strides = array<i32>} : memref<2064xf32, #tpu.memory_space<vmem>>, vector<16xf32>,
    tpu.vector_store %arg7[%swap3A_524], %broadcast_in_dim3A_516 {strides = array<i32>} : memref<2064xf32, #tpu.memory_space<vmem>>, vector<16xf32>,
    %swap3A_526 = arith.constant 48 : index
    %swap3A_527 = tpu.vector_load %arg7[%swap3A_526] {strides = array<i32>} : memref<2064xf32, #tpu.memory_space<vmem>>, vector<16xf32>,
    tpu.vector_store %arg7[%swap3A_526], %broadcast_in_dim3A_516 {strides = array<i32>} : memref<2064xf32, #tpu.memory_space<vmem>>, vector<16xf32>,
    %swap3A_528 = arith.constant 64 : index
    %swap3A_529 = tpu.vector_load %arg7[%swap3A_528] {strides = array<i32>} : memref<2064xf32, #tpu.memory_space<vmem>>, vector<16xf32>,
    tpu.vector_store %arg7[%swap3A_528], %broadcast_in_dim3A_516 {strides = array<i32>} : memref<2064xf32, #tpu.memory_space<vmem>>, vector<16xf32>,
    %swap3A_530 = arith.constant 80 : index
    %swap3A_531 = tpu.vector_load %arg7[%swap3A_530] {strides = array<i32>} : memref<2064xf32, #tpu.memory_space<vmem>>, vector<16xf32>,
    tpu.vector_store %arg7[%swap3A_530], %broadcast_in_dim3A_516 {strides = array<i32>} : memref<2064xf32, #tpu.memory_space<vmem>>, vector<16xf32>,
    %swap3A_532 = arith.constant 96 : index
    %swap3A_533 = tpu.vector_load %arg7[%swap3A_532] {strides = array<i32>} : memref<2064xf32, #tpu.memory_space<vmem>>, vector<16xf32>,
    tpu.vector_store %arg7[%swap3A_532], %broadcast_in_dim3A_516 {strides = array<i32>} : memref<2064xf32, #tpu.memory_space<vmem>>, vector<16xf32>,
    %swap3A_534 = arith.constant 112 : index
    %swap3A_535 = tpu.vector_load %arg7[%swap3A_534] {strides = array<i32>} : memref<2064xf32, #tpu.memory_space<vmem>>, vector<16xf32>,
    tpu.vector_store %arg7[%swap3A_534], %broadcast_in_dim3A_516 {strides = array<i32>} : memref<2064xf32, #tpu.memory_space<vmem>>, vector<16xf32>,
    %swap3A_536 = arith.constant 128 : index
    %swap3A_537 = tpu.vector_load %arg7[%swap3A_536] {strides = array<i32>} : memref<2064xf32, #tpu.memory_space<vmem>>, vector<16xf32>,
    tpu.vector_store %arg7[%swap3A_536], %broadcast_in_dim3A_516 {strides = array<i32>} : memref<2064xf32, #tpu.memory_space<vmem>>, vector<16xf32>,
    %swap3A_538 = arith.constant 144 : index
    %swap3A_539 = tpu.vector_load %arg7[%swap3A_538] {strides = array<i32>} : memref<2064xf32, #tpu.memory_space<vmem>>, vector<16xf32>,
    tpu.vector_store %arg7[%swap3A_538], %broadcast_in_dim3A_516 {strides = array<i32>} : memref<2064xf32, #tpu.memory_space<vmem>>, vector<16xf32>,
    %swap3A_540 = arith.constant 160 : index
    %swap3A_541 = tpu.vector_load %arg7[%swap3A_540] {strides = array<i32>} : memref<2064xf32, #tpu.memory_space<vmem>>, vector<16xf32>,
    tpu.vector_store %arg7[%swap3A_540], %broadcast_in_dim3A_516 {strides = array<i32>} : memref<2064xf32, #tpu.memory_space<vmem>>, vector<16xf32>,
    %swap3A_542 = arith.constant 176 : index
    %swap3A_543 = tpu.vector_load %arg7[%swap3A_542] {strides = array<i32>} : memref<2064xf32, #tpu.memory_space<vmem>>, vector<16xf32>,
    tpu.vector_store %arg7[%swap3A_542], %broadcast_in_dim3A_516 {strides = array<i32>} : memref<2064xf32, #tpu.memory_space<vmem>>, vector<16xf32>,
    %swap3A_544 = arith.constant 192 : index
    %swap3A_545 = tpu.vector_load %arg7[%swap3A_544] {strides = array<i32>} : memref<2064xf32, #tpu.memory_space<vmem>>, vector<16xf32>,
    tpu.vector_store %arg7[%swap3A_544], %broadcast_in_dim3A_516 {strides = array<i32>} : memref<2064xf32, #tpu.memory_space<vmem>>, vector<16xf32>,
    %swap3A_546 = arith.constant 208 : index
    %swap3A_547 = tpu.vector_load %arg7[%swap3A_546] {strides = array<i32>} : memref<2064xf32, #tpu.memory_space<vmem>>, vector<16xf32>,
    tpu.vector_store %arg7[%swap3A_546], %broadcast_in_dim3A_516 {strides = array<i32>} : memref<2064xf32, #tpu.memory_space<vmem>>, vector<16xf32>,
    %swap3A_548 = arith.constant 224 : index
    %swap3A_549 = tpu.vector_load %arg7[%swap3A_548] {strides = array<i32>} : memref<2064xf32, #tpu.memory_space<vmem>>, vector<16xf32>,
    tpu.vector_store %arg7[%swap3A_548], %broadcast_in_dim3A_516 {strides = array<i32>} : memref<2064xf32, #tpu.memory_space<vmem>>, vector<16xf32>,
    %swap3A_550 = arith.constant 240 : index
    %swap3A_551 = tpu.vector_load %arg7[%swap3A_550] {strides = array<i32>} : memref<2064xf32, #tpu.memory_space<vmem>>, vector<16xf32>,
    tpu.vector_store %arg7[%swap3A_550], %broadcast_in_dim3A_516 {strides = array<i32>} : memref<2064xf32, #tpu.memory_space<vmem>>, vector<16xf32>,
    %swap3A_552 = arith.constant 256 : index
    %swap3A_553 = tpu.vector_load %arg7[%swap3A_552] {strides = array<i32>} : memref<2064xf32, #tpu.memory_space<vmem>>, vector<16xf32>,
    tpu.vector_store %arg7[%swap3A_552], %broadcast_in_dim3A_516 {strides = array<i32>} : memref<2064xf32, #tpu.memory_space<vmem>>, vector<16xf32>,
    %swap3A_554 = arith.constant 272 : index
    %swap3A_555 = tpu.vector_load %arg7[%swap3A_554] {strides = array<i32>} : memref<2064xf32, #tpu.memory_space<vmem>>, vector<16xf32>,
    tpu.vector_store %arg7[%swap3A_554], %broadcast_in_dim3A_516 {strides = array<i32>} : memref<2064xf32, #tpu.memory_space<vmem>>, vector<16xf32>,
    %swap3A_556 = arith.constant 288 : index
    %swap3A_557 = tpu.vector_load %arg7[%swap3A_556] {strides = array<i32>} : memref<2064xf32, #tpu.memory_space<vmem>>, vector<16xf32>,
    tpu.vector_store %arg7[%swap3A_556], %broadcast_in_dim3A_516 {strides = array<i32>} : memref<2064xf32, #tpu.memory_space<vmem>>, vector<16xf32>,
    %swap3A_558 = arith.constant 304 : index
    %swap3A_559 = tpu.vector_load %arg7[%swap3A_558] {strides = array<i32>} : memref<2064xf32, #tpu.memory_space<vmem>>, vector<16xf32>,
    tpu.vector_store %arg7[%swap3A_558], %broadcast_in_dim3A_516 {strides = array<i32>} : memref<2064xf32, #tpu.memory_space<vmem>>, vector<16xf32>,
    %swap3A_560 = arith.constant 320 : index
    %swap3A_561 = tpu.vector_load %arg7[%swap3A_560] {strides = array<i32>} : memref<2064xf32, #tpu.memory_space<vmem>>, vector<16xf32>,
    tpu.vector_store %arg7[%swap3A_560], %broadcast_in_dim3A_516 {strides = array<i32>} : memref<2064xf32, #tpu.memory_space<vmem>>, vector<16xf32>,
    %swap3A_562 = arith.constant 336 : index
    %swap3A_563 = tpu.vector_load %arg7[%swap3A_562] {strides = array<i32>} : memref<2064xf32, #tpu.memory_space<vmem>>, vector<16xf32>,
    tpu.vector_store %arg7[%swap3A_562], %broadcast_in_dim3A_516 {strides = array<i32>} : memref<2064xf32, #tpu.memory_space<vmem>>, vector<16xf32>,
    %swap3A_564 = arith.constant 352 : index
    %swap3A_565 = tpu.vector_load %arg7[%swap3A_564] {strides = array<i32>} : memref<2064xf32, #tpu.memory_space<vmem>>, vector<16xf32>,
    tpu.vector_store %arg7[%swap3A_564], %broadcast_in_dim3A_516 {strides = array<i32>} : memref<2064xf32, #tpu.memory_space<vmem>>, vector<16xf32>,
    %swap3A_566 = arith.constant 368 : index
    %swap3A_567 = tpu.vector_load %arg7[%swap3A_566] {strides = array<i32>} : memref<2064xf32, #tpu.memory_space<vmem>>, vector<16xf32>,
    tpu.vector_store %arg7[%swap3A_566], %broadcast_in_dim3A_516 {strides = array<i32>} : memref<2064xf32, #tpu.memory_space<vmem>>, vector<16xf32>,
    %swap3A_568 = arith.constant 384 : index
    %swap3A_569 = tpu.vector_load %arg7[%swap3A_568] {strides = array<i32>} : memref<2064xf32, #tpu.memory_space<vmem>>, vector<16xf32>,
    tpu.vector_store %arg7[%swap3A_568], %broadcast_in_dim3A_516 {strides = array<i32>} : memref<2064xf32, #tpu.memory_space<vmem>>, vector<16xf32>,
    %swap3A_570 = arith.constant 400 : index
    %swap3A_571 = tpu.vector_load %arg7[%swap3A_570] {strides = array<i32>} : memref<2064xf32, #tpu.memory_space<vmem>>, vector<16xf32>,
    tpu.vector_store %arg7[%swap3A_570], %broadcast_in_dim3A_516 {strides = array<i32>} : memref<2064xf32, #tpu.memory_space<vmem>>, vector<16xf32>,
    %swap3A_572 = arith.constant 416 : index
    %swap3A_573 = tpu.vector_load %arg7[%swap3A_572] {strides = array<i32>} : memref<2064xf32, #tpu.memory_space<vmem>>, vector<16xf32>,
    tpu.vector_store %arg7[%swap3A_572], %broadcast_in_dim3A_516 {strides = array<i32>} : memref<2064xf32, #tpu.memory_space<vmem>>, vector<16xf32>,
    %swap3A_574 = arith.constant 432 : index
    %swap3A_575 = tpu.vector_load %arg7[%swap3A_574] {strides = array<i32>} : memref<2064xf32, #tpu.memory_space<vmem>>, vector<16xf32>,
    tpu.vector_store %arg7[%swap3A_574], %broadcast_in_dim3A_516 {strides = array<i32>} : memref<2064xf32, #tpu.memory_space<vmem>>, vector<16xf32>,
    %swap3A_576 = arith.constant 448 : index
    %swap3A_577 = tpu.vector_load %arg7[%swap3A_576] {strides = array<i32>} : memref<2064xf32, #tpu.memory_space<vmem>>, vector<16xf32>,
    tpu.vector_store %arg7[%swap3A_576], %broadcast_in_dim3A_516 {strides = array<i32>} : memref<2064xf32, #tpu.memory_space<vmem>>, vector<16xf32>,
    %swap3A_578 = arith.constant 464 : index
    %swap3A_579 = tpu.vector_load %arg7[%swap3A_578] {strides = array<i32>} : memref<2064xf32, #tpu.memory_space<vmem>>, vector<16xf32>,
    tpu.vector_store %arg7[%swap3A_578], %broadcast_in_dim3A_516 {strides = array<i32>} : memref<2064xf32, #tpu.memory_space<vmem>>, vector<16xf32>,
    %swap3A_580 = arith.constant 480 : index
    %swap3A_581 = tpu.vector_load %arg7[%swap3A_580] {strides = array<i32>} : memref<2064xf32, #tpu.memory_space<vmem>>, vector<16xf32>,
    tpu.vector_store %arg7[%swap3A_580], %broadcast_in_dim3A_516 {strides = array<i32>} : memref<2064xf32, #tpu.memory_space<vmem>>, vector<16xf32>,
    %swap3A_582 = arith.constant 496 : index
    %swap3A_583 = tpu.vector_load %arg7[%swap3A_582] {strides = array<i32>} : memref<2064xf32, #tpu.memory_space<vmem>>, vector<16xf32>,
    tpu.vector_store %arg7[%swap3A_582], %broadcast_in_dim3A_516 {strides = array<i32>} : memref<2064xf32, #tpu.memory_space<vmem>>, vector<16xf32>,
    %swap3A_584 = arith.constant 512 : index
    %swap3A_585 = tpu.vector_load %arg7[%swap3A_584] {strides = array<i32>} : memref<2064xf32, #tpu.memory_space<vmem>>, vector<16xf32>,
    tpu.vector_store %arg7[%swap3A_584], %broadcast_in_dim3A_516 {strides = array<i32>} : memref<2064xf32, #tpu.memory_space<vmem>>, vector<16xf32>,
    %swap3A_586 = arith.constant 528 : index
    %swap3A_587 = tpu.vector_load %arg7[%swap3A_586] {strides = array<i32>} : memref<2064xf32, #tpu.memory_space<vmem>>, vector<16xf32>,
    tpu.vector_store %arg7[%swap3A_586], %broadcast_in_dim3A_516 {strides = array<i32>} : memref<2064xf32, #tpu.memory_space<vmem>>, vector<16xf32>,
    %swap3A_588 = arith.constant 544 : index
    %swap3A_589 = tpu.vector_load %arg7[%swap3A_588] {strides = array<i32>} : memref<2064xf32, #tpu.memory_space<vmem>>, vector<16xf32>,
    tpu.vector_store %arg7[%swap3A_588], %broadcast_in_dim3A_516 {strides = array<i32>} : memref<2064xf32, #tpu.memory_space<vmem>>, vector<16xf32>,
    %swap3A_590 = arith.constant 560 : index
    %swap3A_591 = tpu.vector_load %arg7[%swap3A_590] {strides = array<i32>} : memref<2064xf32, #tpu.memory_space<vmem>>, vector<16xf32>,
    tpu.vector_store %arg7[%swap3A_590], %broadcast_in_dim3A_516 {strides = array<i32>} : memref<2064xf32, #tpu.memory_space<vmem>>, vector<16xf32>,
    %swap3A_592 = arith.constant 576 : index
    %swap3A_593 = tpu.vector_load %arg7[%swap3A_592] {strides = array<i32>} : memref<2064xf32, #tpu.memory_space<vmem>>, vector<16xf32>,
    tpu.vector_store %arg7[%swap3A_592], %broadcast_in_dim3A_516 {strides = array<i32>} : memref<2064xf32, #tpu.memory_space<vmem>>, vector<16xf32>,
    %swap3A_594 = arith.constant 592 : index
    %swap3A_595 = tpu.vector_load %arg7[%swap3A_594] {strides = array<i32>} : memref<2064xf32, #tpu.memory_space<vmem>>, vector<16xf32>,
    tpu.vector_store %arg7[%swap3A_594], %broadcast_in_dim3A_516 {strides = array<i32>} : memref<2064xf32, #tpu.memory_space<vmem>>, vector<16xf32>,
    %swap3A_596 = arith.constant 608 : index
    %swap3A_597 = tpu.vector_load %arg7[%swap3A_596] {strides = array<i32>} : memref<2064xf32, #tpu.memory_space<vmem>>, vector<16xf32>,
    tpu.vector_store %arg7[%swap3A_596], %broadcast_in_dim3A_516 {strides = array<i32>} : memref<2064xf32, #tpu.memory_space<vmem>>, vector<16xf32>,
    %swap3A_598 = arith.constant 624 : index
    %swap3A_599 = tpu.vector_load %arg7[%swap3A_598] {strides = array<i32>} : memref<2064xf32, #tpu.memory_space<vmem>>, vector<16xf32>,
    tpu.vector_store %arg7[%swap3A_598], %broadcast_in_dim3A_516 {strides = array<i32>} : memref<2064xf32, #tpu.memory_space<vmem>>, vector<16xf32>,
    %swap3A_600 = arith.constant 640 : index
    %swap3A_601 = tpu.vector_load %arg7[%swap3A_600] {strides = array<i32>} : memref<2064xf32, #tpu.memory_space<vmem>>, vector<16xf32>,
    tpu.vector_store %arg7[%swap3A_600], %broadcast_in_dim3A_516 {strides = array<i32>} : memref<2064xf32, #tpu.memory_space<vmem>>, vector<16xf32>,
    %swap3A_602 = arith.constant 656 : index
    %swap3A_603 = tpu.vector_load %arg7[%swap3A_602] {strides = array<i32>} : memref<2064xf32, #tpu.memory_space<vmem>>, vector<16xf32>,
    tpu.vector_store %arg7[%swap3A_602], %broadcast_in_dim3A_516 {strides = array<i32>} : memref<2064xf32, #tpu.memory_space<vmem>>, vector<16xf32>,
    %swap3A_604 = arith.constant 672 : index
    %swap3A_605 = tpu.vector_load %arg7[%swap3A_604] {strides = array<i32>} : memref<2064xf32, #tpu.memory_space<vmem>>, vector<16xf32>,
    tpu.vector_store %arg7[%swap3A_604], %broadcast_in_dim3A_516 {strides = array<i32>} : memref<2064xf32, #tpu.memory_space<vmem>>, vector<16xf32>,
    %swap3A_606 = arith.constant 688 : index
    %swap3A_607 = tpu.vector_load %arg7[%swap3A_606] {strides = array<i32>} : memref<2064xf32, #tpu.memory_space<vmem>>, vector<16xf32>,
    tpu.vector_store %arg7[%swap3A_606], %broadcast_in_dim3A_516 {strides = array<i32>} : memref<2064xf32, #tpu.memory_space<vmem>>, vector<16xf32>,
    %swap3A_608 = arith.constant 704 : index
    %swap3A_609 = tpu.vector_load %arg7[%swap3A_608] {strides = array<i32>} : memref<2064xf32, #tpu.memory_space<vmem>>, vector<16xf32>,
    tpu.vector_store %arg7[%swap3A_608], %broadcast_in_dim3A_516 {strides = array<i32>} : memref<2064xf32, #tpu.memory_space<vmem>>, vector<16xf32>,
    %swap3A_610 = arith.constant 720 : index
    %swap3A_611 = tpu.vector_load %arg7[%swap3A_610] {strides = array<i32>} : memref<2064xf32, #tpu.memory_space<vmem>>, vector<16xf32>,
    tpu.vector_store %arg7[%swap3A_610], %broadcast_in_dim3A_516 {strides = array<i32>} : memref<2064xf32, #tpu.memory_space<vmem>>, vector<16xf32>,
    %swap3A_612 = arith.constant 736 : index
    %swap3A_613 = tpu.vector_load %arg7[%swap3A_612] {strides = array<i32>} : memref<2064xf32, #tpu.memory_space<vmem>>, vector<16xf32>,
    tpu.vector_store %arg7[%swap3A_612], %broadcast_in_dim3A_516 {strides = array<i32>} : memref<2064xf32, #tpu.memory_space<vmem>>, vector<16xf32>,
    %swap3A_614 = arith.constant 752 : index
    %swap3A_615 = tpu.vector_load %arg7[%swap3A_614] {strides = array<i32>} : memref<2064xf32, #tpu.memory_space<vmem>>, vector<16xf32>,
    tpu.vector_store %arg7[%swap3A_614], %broadcast_in_dim3A_516 {strides = array<i32>} : memref<2064xf32, #tpu.memory_space<vmem>>, vector<16xf32>,
    %swap3A_616 = arith.constant 768 : index
    %swap3A_617 = tpu.vector_load %arg7[%swap3A_616] {strides = array<i32>} : memref<2064xf32, #tpu.memory_space<vmem>>, vector<16xf32>,
    tpu.vector_store %arg7[%swap3A_616], %broadcast_in_dim3A_516 {strides = array<i32>} : memref<2064xf32, #tpu.memory_space<vmem>>, vector<16xf32>,
    %swap3A_618 = arith.constant 784 : index
    %swap3A_619 = tpu.vector_load %arg7[%swap3A_618] {strides = array<i32>} : memref<2064xf32, #tpu.memory_space<vmem>>, vector<16xf32>,
    tpu.vector_store %arg7[%swap3A_618], %broadcast_in_dim3A_516 {strides = array<i32>} : memref<2064xf32, #tpu.memory_space<vmem>>, vector<16xf32>,
    %swap3A_620 = arith.constant 800 : index
    %swap3A_621 = tpu.vector_load %arg7[%swap3A_620] {strides = array<i32>} : memref<2064xf32, #tpu.memory_space<vmem>>, vector<16xf32>,
    tpu.vector_store %arg7[%swap3A_620], %broadcast_in_dim3A_516 {strides = array<i32>} : memref<2064xf32, #tpu.memory_space<vmem>>, vector<16xf32>,
    %swap3A_622 = arith.constant 816 : index
    %swap3A_623 = tpu.vector_load %arg7[%swap3A_622] {strides = array<i32>} : memref<2064xf32, #tpu.memory_space<vmem>>, vector<16xf32>,
    tpu.vector_store %arg7[%swap3A_622], %broadcast_in_dim3A_516 {strides = array<i32>} : memref<2064xf32, #tpu.memory_space<vmem>>, vector<16xf32>,
    %swap3A_624 = arith.constant 832 : index
    %swap3A_625 = tpu.vector_load %arg7[%swap3A_624] {strides = array<i32>} : memref<2064xf32, #tpu.memory_space<vmem>>, vector<16xf32>,
    tpu.vector_store %arg7[%swap3A_624], %broadcast_in_dim3A_516 {strides = array<i32>} : memref<2064xf32, #tpu.memory_space<vmem>>, vector<16xf32>,
    %swap3A_626 = arith.constant 848 : index
    %swap3A_627 = tpu.vector_load %arg7[%swap3A_626] {strides = array<i32>} : memref<2064xf32, #tpu.memory_space<vmem>>, vector<16xf32>,
    tpu.vector_store %arg7[%swap3A_626], %broadcast_in_dim3A_516 {strides = array<i32>} : memref<2064xf32, #tpu.memory_space<vmem>>, vector<16xf32>,
    %swap3A_628 = arith.constant 864 : index
    %swap3A_629 = tpu.vector_load %arg7[%swap3A_628] {strides = array<i32>} : memref<2064xf32, #tpu.memory_space<vmem>>, vector<16xf32>,
    tpu.vector_store %arg7[%swap3A_628], %broadcast_in_dim3A_516 {strides = array<i32>} : memref<2064xf32, #tpu.memory_space<vmem>>, vector<16xf32>,
    %swap3A_630 = arith.constant 880 : index
    %swap3A_631 = tpu.vector_load %arg7[%swap3A_630] {strides = array<i32>} : memref<2064xf32, #tpu.memory_space<vmem>>, vector<16xf32>,
    tpu.vector_store %arg7[%swap3A_630], %broadcast_in_dim3A_516 {strides = array<i32>} : memref<2064xf32, #tpu.memory_space<vmem>>, vector<16xf32>,
    %swap3A_632 = arith.constant 896 : index
    %swap3A_633 = tpu.vector_load %arg7[%swap3A_632] {strides = array<i32>} : memref<2064xf32, #tpu.memory_space<vmem>>, vector<16xf32>,
    tpu.vector_store %arg7[%swap3A_632], %broadcast_in_dim3A_516 {strides = array<i32>} : memref<2064xf32, #tpu.memory_space<vmem>>, vector<16xf32>,
    %swap3A_634 = arith.constant 912 : index
    %swap3A_635 = tpu.vector_load %arg7[%swap3A_634] {strides = array<i32>} : memref<2064xf32, #tpu.memory_space<vmem>>, vector<16xf32>,
    tpu.vector_store %arg7[%swap3A_634], %broadcast_in_dim3A_516 {strides = array<i32>} : memref<2064xf32, #tpu.memory_space<vmem>>, vector<16xf32>,
    %swap3A_636 = arith.constant 928 : index
    %swap3A_637 = tpu.vector_load %arg7[%swap3A_636] {strides = array<i32>} : memref<2064xf32, #tpu.memory_space<vmem>>, vector<16xf32>,
    tpu.vector_store %arg7[%swap3A_636], %broadcast_in_dim3A_516 {strides = array<i32>} : memref<2064xf32, #tpu.memory_space<vmem>>, vector<16xf32>,
    %swap3A_638 = arith.constant 944 : index
    %swap3A_639 = tpu.vector_load %arg7[%swap3A_638] {strides = array<i32>} : memref<2064xf32, #tpu.memory_space<vmem>>, vector<16xf32>,
    tpu.vector_store %arg7[%swap3A_638], %broadcast_in_dim3A_516 {strides = array<i32>} : memref<2064xf32, #tpu.memory_space<vmem>>, vector<16xf32>,
    %swap3A_640 = arith.constant 960 : index
    %swap3A_641 = tpu.vector_load %arg7[%swap3A_640] {strides = array<i32>} : memref<2064xf32, #tpu.memory_space<vmem>>, vector<16xf32>,
    tpu.vector_store %arg7[%swap3A_640], %broadcast_in_dim3A_516 {strides = array<i32>} : memref<2064xf32, #tpu.memory_space<vmem>>, vector<16xf32>,
    %swap3A_642 = arith.constant 976 : index
    %swap3A_643 = tpu.vector_load %arg7[%swap3A_642] {strides = array<i32>} : memref<2064xf32, #tpu.memory_space<vmem>>, vector<16xf32>,
    tpu.vector_store %arg7[%swap3A_642], %broadcast_in_dim3A_516 {strides = array<i32>} : memref<2064xf32, #tpu.memory_space<vmem>>, vector<16xf32>,
    %swap3A_644 = arith.constant 992 : index
    %swap3A_645 = tpu.vector_load %arg7[%swap3A_644] {strides = array<i32>} : memref<2064xf32, #tpu.memory_space<vmem>>, vector<16xf32>,
    tpu.vector_store %arg7[%swap3A_644], %broadcast_in_dim3A_516 {strides = array<i32>} : memref<2064xf32, #tpu.memory_space<vmem>>, vector<16xf32>,
    %swap3A_646 = arith.constant 1008 : index
    %swap3A_647 = tpu.vector_load %arg7[%swap3A_646] {strides = array<i32>} : memref<2064xf32, #tpu.memory_space<vmem>>, vector<16xf32>,
    tpu.vector_store %arg7[%swap3A_646], %broadcast_in_dim3A_516 {strides = array<i32>} : memref<2064xf32, #tpu.memory_space<vmem>>, vector<16xf32>,
    %swap3A_648 = arith.constant 1024 : index
    %swap3A_649 = tpu.vector_load %arg7[%swap3A_648] {strides = array<i32>} : memref<2064xf32, #tpu.memory_space<vmem>>, vector<16xf32>,
    tpu.vector_store %arg7[%swap3A_648], %broadcast_in_dim3A_516 {strides = array<i32>} : memref<2064xf32, #tpu.memory_space<vmem>>, vector<16xf32>,
    %swap3A_650 = arith.constant 1040 : index
    %swap3A_651 = tpu.vector_load %arg7[%swap3A_650] {strides = array<i32>} : memref<2064xf32, #tpu.memory_space<vmem>>, vector<16xf32>,
    tpu.vector_store %arg7[%swap3A_650], %broadcast_in_dim3A_516 {strides = array<i32>} : memref<2064xf32, #tpu.memory_space<vmem>>, vector<16xf32>,
    %swap3A_652 = arith.constant 1056 : index
    %swap3A_653 = tpu.vector_load %arg7[%swap3A_652] {strides = array<i32>} : memref<2064xf32, #tpu.memory_space<vmem>>, vector<16xf32>,
    tpu.vector_store %arg7[%swap3A_652], %broadcast_in_dim3A_516 {strides = array<i32>} : memref<2064xf32, #tpu.memory_space<vmem>>, vector<16xf32>,
    %swap3A_654 = arith.constant 1072 : index
    %swap3A_655 = tpu.vector_load %arg7[%swap3A_654] {strides = array<i32>} : memref<2064xf32, #tpu.memory_space<vmem>>, vector<16xf32>,
    tpu.vector_store %arg7[%swap3A_654], %broadcast_in_dim3A_516 {strides = array<i32>} : memref<2064xf32, #tpu.memory_space<vmem>>, vector<16xf32>,
    %swap3A_656 = arith.constant 1088 : index
    %swap3A_657 = tpu.vector_load %arg7[%swap3A_656] {strides = array<i32>} : memref<2064xf32, #tpu.memory_space<vmem>>, vector<16xf32>,
    tpu.vector_store %arg7[%swap3A_656], %broadcast_in_dim3A_516 {strides = array<i32>} : memref<2064xf32, #tpu.memory_space<vmem>>, vector<16xf32>,
    %swap3A_658 = arith.constant 1104 : index
    %swap3A_659 = tpu.vector_load %arg7[%swap3A_658] {strides = array<i32>} : memref<2064xf32, #tpu.memory_space<vmem>>, vector<16xf32>,
    tpu.vector_store %arg7[%swap3A_658], %broadcast_in_dim3A_516 {strides = array<i32>} : memref<2064xf32, #tpu.memory_space<vmem>>, vector<16xf32>,
    %swap3A_660 = arith.constant 1120 : index
    %swap3A_661 = tpu.vector_load %arg7[%swap3A_660] {strides = array<i32>} : memref<2064xf32, #tpu.memory_space<vmem>>, vector<16xf32>,
    tpu.vector_store %arg7[%swap3A_660], %broadcast_in_dim3A_516 {strides = array<i32>} : memref<2064xf32, #tpu.memory_space<vmem>>, vector<16xf32>,
    %swap3A_662 = arith.constant 1136 : index
    %swap3A_663 = tpu.vector_load %arg7[%swap3A_662] {strides = array<i32>} : memref<2064xf32, #tpu.memory_space<vmem>>, vector<16xf32>,
    tpu.vector_store %arg7[%swap3A_662], %broadcast_in_dim3A_516 {strides = array<i32>} : memref<2064xf32, #tpu.memory_space<vmem>>, vector<16xf32>,
    %swap3A_664 = arith.constant 1152 : index
    %swap3A_665 = tpu.vector_load %arg7[%swap3A_664] {strides = array<i32>} : memref<2064xf32, #tpu.memory_space<vmem>>, vector<16xf32>,
    tpu.vector_store %arg7[%swap3A_664], %broadcast_in_dim3A_516 {strides = array<i32>} : memref<2064xf32, #tpu.memory_space<vmem>>, vector<16xf32>,
    %swap3A_666 = arith.constant 1168 : index
    %swap3A_667 = tpu.vector_load %arg7[%swap3A_666] {strides = array<i32>} : memref<2064xf32, #tpu.memory_space<vmem>>, vector<16xf32>,
    tpu.vector_store %arg7[%swap3A_666], %broadcast_in_dim3A_516 {strides = array<i32>} : memref<2064xf32, #tpu.memory_space<vmem>>, vector<16xf32>,
    %swap3A_668 = arith.constant 1184 : index
    %swap3A_669 = tpu.vector_load %arg7[%swap3A_668] {strides = array<i32>} : memref<2064xf32, #tpu.memory_space<vmem>>, vector<16xf32>,
    tpu.vector_store %arg7[%swap3A_668], %broadcast_in_dim3A_516 {strides = array<i32>} : memref<2064xf32, #tpu.memory_space<vmem>>, vector<16xf32>,
    %swap3A_670 = arith.constant 1200 : index
    %swap3A_671 = tpu.vector_load %arg7[%swap3A_670] {strides = array<i32>} : memref<2064xf32, #tpu.memory_space<vmem>>, vector<16xf32>,
    tpu.vector_store %arg7[%swap3A_670], %broadcast_in_dim3A_516 {strides = array<i32>} : memref<2064xf32, #tpu.memory_space<vmem>>, vector<16xf32>,
    %swap3A_672 = arith.constant 1216 : index
    %swap3A_673 = tpu.vector_load %arg7[%swap3A_672] {strides = array<i32>} : memref<2064xf32, #tpu.memory_space<vmem>>, vector<16xf32>,
    tpu.vector_store %arg7[%swap3A_672], %broadcast_in_dim3A_516 {strides = array<i32>} : memref<2064xf32, #tpu.memory_space<vmem>>, vector<16xf32>,
    %swap3A_674 = arith.constant 1232 : index
    %swap3A_675 = tpu.vector_load %arg7[%swap3A_674] {strides = array<i32>} : memref<2064xf32, #tpu.memory_space<vmem>>, vector<16xf32>,
    tpu.vector_store %arg7[%swap3A_674], %broadcast_in_dim3A_516 {strides = array<i32>} : memref<2064xf32, #tpu.memory_space<vmem>>, vector<16xf32>,
    %swap3A_676 = arith.constant 1248 : index
    %swap3A_677 = tpu.vector_load %arg7[%swap3A_676] {strides = array<i32>} : memref<2064xf32, #tpu.memory_space<vmem>>, vector<16xf32>,
    tpu.vector_store %arg7[%swap3A_676], %broadcast_in_dim3A_516 {strides = array<i32>} : memref<2064xf32, #tpu.memory_space<vmem>>, vector<16xf32>,
    %swap3A_678 = arith.constant 1264 : index
    %swap3A_679 = tpu.vector_load %arg7[%swap3A_678] {strides = array<i32>} : memref<2064xf32, #tpu.memory_space<vmem>>, vector<16xf32>,
    tpu.vector_store %arg7[%swap3A_678], %broadcast_in_dim3A_516 {strides = array<i32>} : memref<2064xf32, #tpu.memory_space<vmem>>, vector<16xf32>,
    %swap3A_680 = arith.constant 1280 : index
    %swap3A_681 = tpu.vector_load %arg7[%swap3A_680] {strides = array<i32>} : memref<2064xf32, #tpu.memory_space<vmem>>, vector<16xf32>,
    tpu.vector_store %arg7[%swap3A_680], %broadcast_in_dim3A_516 {strides = array<i32>} : memref<2064xf32, #tpu.memory_space<vmem>>, vector<16xf32>,
    %swap3A_682 = arith.constant 1296 : index
    %swap3A_683 = tpu.vector_load %arg7[%swap3A_682] {strides = array<i32>} : memref<2064xf32, #tpu.memory_space<vmem>>, vector<16xf32>,
    tpu.vector_store %arg7[%swap3A_682], %broadcast_in_dim3A_516 {strides = array<i32>} : memref<2064xf32, #tpu.memory_space<vmem>>, vector<16xf32>,
    %swap3A_684 = arith.constant 1312 : index
    %swap3A_685 = tpu.vector_load %arg7[%swap3A_684] {strides = array<i32>} : memref<2064xf32, #tpu.memory_space<vmem>>, vector<16xf32>,
    tpu.vector_store %arg7[%swap3A_684], %broadcast_in_dim3A_516 {strides = array<i32>} : memref<2064xf32, #tpu.memory_space<vmem>>, vector<16xf32>,
    %swap3A_686 = arith.constant 1328 : index
    %swap3A_687 = tpu.vector_load %arg7[%swap3A_686] {strides = array<i32>} : memref<2064xf32, #tpu.memory_space<vmem>>, vector<16xf32>,
    tpu.vector_store %arg7[%swap3A_686], %broadcast_in_dim3A_516 {strides = array<i32>} : memref<2064xf32, #tpu.memory_space<vmem>>, vector<16xf32>,
    %swap3A_688 = arith.constant 1344 : index
    %swap3A_689 = tpu.vector_load %arg7[%swap3A_688] {strides = array<i32>} : memref<2064xf32, #tpu.memory_space<vmem>>, vector<16xf32>,
    tpu.vector_store %arg7[%swap3A_688], %broadcast_in_dim3A_516 {strides = array<i32>} : memref<2064xf32, #tpu.memory_space<vmem>>, vector<16xf32>,
    %swap3A_690 = arith.constant 1360 : index
    %swap3A_691 = tpu.vector_load %arg7[%swap3A_690] {strides = array<i32>} : memref<2064xf32, #tpu.memory_space<vmem>>, vector<16xf32>,
    tpu.vector_store %arg7[%swap3A_690], %broadcast_in_dim3A_516 {strides = array<i32>} : memref<2064xf32, #tpu.memory_space<vmem>>, vector<16xf32>,
    %swap3A_692 = arith.constant 1376 : index
    %swap3A_693 = tpu.vector_load %arg7[%swap3A_692] {strides = array<i32>} : memref<2064xf32, #tpu.memory_space<vmem>>, vector<16xf32>,
    tpu.vector_store %arg7[%swap3A_692], %broadcast_in_dim3A_516 {strides = array<i32>} : memref<2064xf32, #tpu.memory_space<vmem>>, vector<16xf32>,
    %swap3A_694 = arith.constant 1392 : index
    %swap3A_695 = tpu.vector_load %arg7[%swap3A_694] {strides = array<i32>} : memref<2064xf32, #tpu.memory_space<vmem>>, vector<16xf32>,
    tpu.vector_store %arg7[%swap3A_694], %broadcast_in_dim3A_516 {strides = array<i32>} : memref<2064xf32, #tpu.memory_space<vmem>>, vector<16xf32>,
    %swap3A_696 = arith.constant 1408 : index
    %swap3A_697 = tpu.vector_load %arg7[%swap3A_696] {strides = array<i32>} : memref<2064xf32, #tpu.memory_space<vmem>>, vector<16xf32>,
    tpu.vector_store %arg7[%swap3A_696], %broadcast_in_dim3A_516 {strides = array<i32>} : memref<2064xf32, #tpu.memory_space<vmem>>, vector<16xf32>,
    %swap3A_698 = arith.constant 1424 : index
    %swap3A_699 = tpu.vector_load %arg7[%swap3A_698] {strides = array<i32>} : memref<2064xf32, #tpu.memory_space<vmem>>, vector<16xf32>,
    tpu.vector_store %arg7[%swap3A_698], %broadcast_in_dim3A_516 {strides = array<i32>} : memref<2064xf32, #tpu.memory_space<vmem>>, vector<16xf32>,
    %swap3A_700 = arith.constant 1440 : index
    %swap3A_701 = tpu.vector_load %arg7[%swap3A_700] {strides = array<i32>} : memref<2064xf32, #tpu.memory_space<vmem>>, vector<16xf32>,
    tpu.vector_store %arg7[%swap3A_700], %broadcast_in_dim3A_516 {strides = array<i32>} : memref<2064xf32, #tpu.memory_space<vmem>>, vector<16xf32>,
    %swap3A_702 = arith.constant 1456 : index
    %swap3A_703 = tpu.vector_load %arg7[%swap3A_702] {strides = array<i32>} : memref<2064xf32, #tpu.memory_space<vmem>>, vector<16xf32>,
    tpu.vector_store %arg7[%swap3A_702], %broadcast_in_dim3A_516 {strides = array<i32>} : memref<2064xf32, #tpu.memory_space<vmem>>, vector<16xf32>,
    %swap3A_704 = arith.constant 1472 : index
    %swap3A_705 = tpu.vector_load %arg7[%swap3A_704] {strides = array<i32>} : memref<2064xf32, #tpu.memory_space<vmem>>, vector<16xf32>,
    tpu.vector_store %arg7[%swap3A_704], %broadcast_in_dim3A_516 {strides = array<i32>} : memref<2064xf32, #tpu.memory_space<vmem>>, vector<16xf32>,
    %swap3A_706 = arith.constant 1488 : index
    %swap3A_707 = tpu.vector_load %arg7[%swap3A_706] {strides = array<i32>} : memref<2064xf32, #tpu.memory_space<vmem>>, vector<16xf32>,
    tpu.vector_store %arg7[%swap3A_706], %broadcast_in_dim3A_516 {strides = array<i32>} : memref<2064xf32, #tpu.memory_space<vmem>>, vector<16xf32>,
    %swap3A_708 = arith.constant 1504 : index
    %swap3A_709 = tpu.vector_load %arg7[%swap3A_708] {strides = array<i32>} : memref<2064xf32, #tpu.memory_space<vmem>>, vector<16xf32>,
    tpu.vector_store %arg7[%swap3A_708], %broadcast_in_dim3A_516 {strides = array<i32>} : memref<2064xf32, #tpu.memory_space<vmem>>, vector<16xf32>,
    %swap3A_710 = arith.constant 1520 : index
    %swap3A_711 = tpu.vector_load %arg7[%swap3A_710] {strides = array<i32>} : memref<2064xf32, #tpu.memory_space<vmem>>, vector<16xf32>,
    tpu.vector_store %arg7[%swap3A_710], %broadcast_in_dim3A_516 {strides = array<i32>} : memref<2064xf32, #tpu.memory_space<vmem>>, vector<16xf32>,
    %swap3A_712 = arith.constant 1536 : index
    %swap3A_713 = tpu.vector_load %arg7[%swap3A_712] {strides = array<i32>} : memref<2064xf32, #tpu.memory_space<vmem>>, vector<16xf32>,
    tpu.vector_store %arg7[%swap3A_712], %broadcast_in_dim3A_516 {strides = array<i32>} : memref<2064xf32, #tpu.memory_space<vmem>>, vector<16xf32>,
    %swap3A_714 = arith.constant 1552 : index
    %swap3A_715 = tpu.vector_load %arg7[%swap3A_714] {strides = array<i32>} : memref<2064xf32, #tpu.memory_space<vmem>>, vector<16xf32>,
    tpu.vector_store %arg7[%swap3A_714], %broadcast_in_dim3A_516 {strides = array<i32>} : memref<2064xf32, #tpu.memory_space<vmem>>, vector<16xf32>,
    %swap3A_716 = arith.constant 1568 : index
    %swap3A_717 = tpu.vector_load %arg7[%swap3A_716] {strides = array<i32>} : memref<2064xf32, #tpu.memory_space<vmem>>, vector<16xf32>,
    tpu.vector_store %arg7[%swap3A_716], %broadcast_in_dim3A_516 {strides = array<i32>} : memref<2064xf32, #tpu.memory_space<vmem>>, vector<16xf32>,
    %swap3A_718 = arith.constant 1584 : index
    %swap3A_719 = tpu.vector_load %arg7[%swap3A_718] {strides = array<i32>} : memref<2064xf32, #tpu.memory_space<vmem>>, vector<16xf32>,
    tpu.vector_store %arg7[%swap3A_718], %broadcast_in_dim3A_516 {strides = array<i32>} : memref<2064xf32, #tpu.memory_space<vmem>>, vector<16xf32>,
    %swap3A_720 = arith.constant 1600 : index
    %swap3A_721 = tpu.vector_load %arg7[%swap3A_720] {strides = array<i32>} : memref<2064xf32, #tpu.memory_space<vmem>>, vector<16xf32>,
    tpu.vector_store %arg7[%swap3A_720], %broadcast_in_dim3A_516 {strides = array<i32>} : memref<2064xf32, #tpu.memory_space<vmem>>, vector<16xf32>,
    %swap3A_722 = arith.constant 1616 : index
    %swap3A_723 = tpu.vector_load %arg7[%swap3A_722] {strides = array<i32>} : memref<2064xf32, #tpu.memory_space<vmem>>, vector<16xf32>,
    tpu.vector_store %arg7[%swap3A_722], %broadcast_in_dim3A_516 {strides = array<i32>} : memref<2064xf32, #tpu.memory_space<vmem>>, vector<16xf32>,
    %swap3A_724 = arith.constant 1632 : index
    %swap3A_725 = tpu.vector_load %arg7[%swap3A_724] {strides = array<i32>} : memref<2064xf32, #tpu.memory_space<vmem>>, vector<16xf32>,
    tpu.vector_store %arg7[%swap3A_724], %broadcast_in_dim3A_516 {strides = array<i32>} : memref<2064xf32, #tpu.memory_space<vmem>>, vector<16xf32>,
    %swap3A_726 = arith.constant 1648 : index
    %swap3A_727 = tpu.vector_load %arg7[%swap3A_726] {strides = array<i32>} : memref<2064xf32, #tpu.memory_space<vmem>>, vector<16xf32>,
    tpu.vector_store %arg7[%swap3A_726], %broadcast_in_dim3A_516 {strides = array<i32>} : memref<2064xf32, #tpu.memory_space<vmem>>, vector<16xf32>,
    %swap3A_728 = arith.constant 1664 : index
    %swap3A_729 = tpu.vector_load %arg7[%swap3A_728] {strides = array<i32>} : memref<2064xf32, #tpu.memory_space<vmem>>, vector<16xf32>,
    tpu.vector_store %arg7[%swap3A_728], %broadcast_in_dim3A_516 {strides = array<i32>} : memref<2064xf32, #tpu.memory_space<vmem>>, vector<16xf32>,
    %swap3A_730 = arith.constant 1680 : index
    %swap3A_731 = tpu.vector_load %arg7[%swap3A_730] {strides = array<i32>} : memref<2064xf32, #tpu.memory_space<vmem>>, vector<16xf32>,
    tpu.vector_store %arg7[%swap3A_730], %broadcast_in_dim3A_516 {strides = array<i32>} : memref<2064xf32, #tpu.memory_space<vmem>>, vector<16xf32>,
    %swap3A_732 = arith.constant 1696 : index
    %swap3A_733 = tpu.vector_load %arg7[%swap3A_732] {strides = array<i32>} : memref<2064xf32, #tpu.memory_space<vmem>>, vector<16xf32>,
    tpu.vector_store %arg7[%swap3A_732], %broadcast_in_dim3A_516 {strides = array<i32>} : memref<2064xf32, #tpu.memory_space<vmem>>, vector<16xf32>,
    %swap3A_734 = arith.constant 1712 : index
    %swap3A_735 = tpu.vector_load %arg7[%swap3A_734] {strides = array<i32>} : memref<2064xf32, #tpu.memory_space<vmem>>, vector<16xf32>,
    tpu.vector_store %arg7[%swap3A_734], %broadcast_in_dim3A_516 {strides = array<i32>} : memref<2064xf32, #tpu.memory_space<vmem>>, vector<16xf32>,
    %swap3A_736 = arith.constant 1728 : index
    %swap3A_737 = tpu.vector_load %arg7[%swap3A_736] {strides = array<i32>} : memref<2064xf32, #tpu.memory_space<vmem>>, vector<16xf32>,
    tpu.vector_store %arg7[%swap3A_736], %broadcast_in_dim3A_516 {strides = array<i32>} : memref<2064xf32, #tpu.memory_space<vmem>>, vector<16xf32>,
    %swap3A_738 = arith.constant 1744 : index
    %swap3A_739 = tpu.vector_load %arg7[%swap3A_738] {strides = array<i32>} : memref<2064xf32, #tpu.memory_space<vmem>>, vector<16xf32>,
    tpu.vector_store %arg7[%swap3A_738], %broadcast_in_dim3A_516 {strides = array<i32>} : memref<2064xf32, #tpu.memory_space<vmem>>, vector<16xf32>,
    %swap3A_740 = arith.constant 1760 : index
    %swap3A_741 = tpu.vector_load %arg7[%swap3A_740] {strides = array<i32>} : memref<2064xf32, #tpu.memory_space<vmem>>, vector<16xf32>,
    tpu.vector_store %arg7[%swap3A_740], %broadcast_in_dim3A_516 {strides = array<i32>} : memref<2064xf32, #tpu.memory_space<vmem>>, vector<16xf32>,
    %swap3A_742 = arith.constant 1776 : index
    %swap3A_743 = tpu.vector_load %arg7[%swap3A_742] {strides = array<i32>} : memref<2064xf32, #tpu.memory_space<vmem>>, vector<16xf32>,
    tpu.vector_store %arg7[%swap3A_742], %broadcast_in_dim3A_516 {strides = array<i32>} : memref<2064xf32, #tpu.memory_space<vmem>>, vector<16xf32>,
    %swap3A_744 = arith.constant 1792 : index
    %swap3A_745 = tpu.vector_load %arg7[%swap3A_744] {strides = array<i32>} : memref<2064xf32, #tpu.memory_space<vmem>>, vector<16xf32>,
    tpu.vector_store %arg7[%swap3A_744], %broadcast_in_dim3A_516 {strides = array<i32>} : memref<2064xf32, #tpu.memory_space<vmem>>, vector<16xf32>,
    %swap3A_746 = arith.constant 1808 : index
    %swap3A_747 = tpu.vector_load %arg7[%swap3A_746] {strides = array<i32>} : memref<2064xf32, #tpu.memory_space<vmem>>, vector<16xf32>,
    tpu.vector_store %arg7[%swap3A_746], %broadcast_in_dim3A_516 {strides = array<i32>} : memref<2064xf32, #tpu.memory_space<vmem>>, vector<16xf32>,
    %swap3A_748 = arith.constant 1824 : index
    %swap3A_749 = tpu.vector_load %arg7[%swap3A_748] {strides = array<i32>} : memref<2064xf32, #tpu.memory_space<vmem>>, vector<16xf32>,
    tpu.vector_store %arg7[%swap3A_748], %broadcast_in_dim3A_516 {strides = array<i32>} : memref<2064xf32, #tpu.memory_space<vmem>>, vector<16xf32>,
    %swap3A_750 = arith.constant 1840 : index
    %swap3A_751 = tpu.vector_load %arg7[%swap3A_750] {strides = array<i32>} : memref<2064xf32, #tpu.memory_space<vmem>>, vector<16xf32>,
    tpu.vector_store %arg7[%swap3A_750], %broadcast_in_dim3A_516 {strides = array<i32>} : memref<2064xf32, #tpu.memory_space<vmem>>, vector<16xf32>,
    %swap3A_752 = arith.constant 1856 : index
    %swap3A_753 = tpu.vector_load %arg7[%swap3A_752] {strides = array<i32>} : memref<2064xf32, #tpu.memory_space<vmem>>, vector<16xf32>,
    tpu.vector_store %arg7[%swap3A_752], %broadcast_in_dim3A_516 {strides = array<i32>} : memref<2064xf32, #tpu.memory_space<vmem>>, vector<16xf32>,
    %swap3A_754 = arith.constant 1872 : index
    %swap3A_755 = tpu.vector_load %arg7[%swap3A_754] {strides = array<i32>} : memref<2064xf32, #tpu.memory_space<vmem>>, vector<16xf32>,
    tpu.vector_store %arg7[%swap3A_754], %broadcast_in_dim3A_516 {strides = array<i32>} : memref<2064xf32, #tpu.memory_space<vmem>>, vector<16xf32>,
    %swap3A_756 = arith.constant 1888 : index
    %swap3A_757 = tpu.vector_load %arg7[%swap3A_756] {strides = array<i32>} : memref<2064xf32, #tpu.memory_space<vmem>>, vector<16xf32>,
    tpu.vector_store %arg7[%swap3A_756], %broadcast_in_dim3A_516 {strides = array<i32>} : memref<2064xf32, #tpu.memory_space<vmem>>, vector<16xf32>,
    %swap3A_758 = arith.constant 1904 : index
    %swap3A_759 = tpu.vector_load %arg7[%swap3A_758] {strides = array<i32>} : memref<2064xf32, #tpu.memory_space<vmem>>, vector<16xf32>,
    tpu.vector_store %arg7[%swap3A_758], %broadcast_in_dim3A_516 {strides = array<i32>} : memref<2064xf32, #tpu.memory_space<vmem>>, vector<16xf32>,
    %swap3A_760 = arith.constant 1920 : index
    %swap3A_761 = tpu.vector_load %arg7[%swap3A_760] {strides = array<i32>} : memref<2064xf32, #tpu.memory_space<vmem>>, vector<16xf32>,
    tpu.vector_store %arg7[%swap3A_760], %broadcast_in_dim3A_516 {strides = array<i32>} : memref<2064xf32, #tpu.memory_space<vmem>>, vector<16xf32>,
    %swap3A_762 = arith.constant 1936 : index
    %swap3A_763 = tpu.vector_load %arg7[%swap3A_762] {strides = array<i32>} : memref<2064xf32, #tpu.memory_space<vmem>>, vector<16xf32>,
    tpu.vector_store %arg7[%swap3A_762], %broadcast_in_dim3A_516 {strides = array<i32>} : memref<2064xf32, #tpu.memory_space<vmem>>, vector<16xf32>,
    %swap3A_764 = arith.constant 1952 : index
    %swap3A_765 = tpu.vector_load %arg7[%swap3A_764] {strides = array<i32>} : memref<2064xf32, #tpu.memory_space<vmem>>, vector<16xf32>,
    tpu.vector_store %arg7[%swap3A_764], %broadcast_in_dim3A_516 {strides = array<i32>} : memref<2064xf32, #tpu.memory_space<vmem>>, vector<16xf32>,
    %swap3A_766 = arith.constant 1968 : index
    %swap3A_767 = tpu.vector_load %arg7[%swap3A_766] {strides = array<i32>} : memref<2064xf32, #tpu.memory_space<vmem>>, vector<16xf32>,
    tpu.vector_store %arg7[%swap3A_766], %broadcast_in_dim3A_516 {strides = array<i32>} : memref<2064xf32, #tpu.memory_space<vmem>>, vector<16xf32>,
    %swap3A_768 = arith.constant 1984 : index
    %swap3A_769 = tpu.vector_load %arg7[%swap3A_768] {strides = array<i32>} : memref<2064xf32, #tpu.memory_space<vmem>>, vector<16xf32>,
    tpu.vector_store %arg7[%swap3A_768], %broadcast_in_dim3A_516 {strides = array<i32>} : memref<2064xf32, #tpu.memory_space<vmem>>, vector<16xf32>,
    %swap3A_770 = arith.constant 2000 : index
    %swap3A_771 = tpu.vector_load %arg7[%swap3A_770] {strides = array<i32>} : memref<2064xf32, #tpu.memory_space<vmem>>, vector<16xf32>,
    tpu.vector_store %arg7[%swap3A_770], %broadcast_in_dim3A_516 {strides = array<i32>} : memref<2064xf32, #tpu.memory_space<vmem>>, vector<16xf32>,
    %swap3A_772 = arith.constant 2016 : index
    %swap3A_773 = tpu.vector_load %arg7[%swap3A_772] {strides = array<i32>} : memref<2064xf32, #tpu.memory_space<vmem>>, vector<16xf32>,
    tpu.vector_store %arg7[%swap3A_772], %broadcast_in_dim3A_516 {strides = array<i32>} : memref<2064xf32, #tpu.memory_space<vmem>>, vector<16xf32>,
    %swap3A_774 = arith.constant 2032 : index
    %swap3A_775 = tpu.vector_load %arg7[%swap3A_774] {strides = array<i32>} : memref<2064xf32, #tpu.memory_space<vmem>>, vector<16xf32>,
    tpu.vector_store %arg7[%swap3A_774], %broadcast_in_dim3A_516 {strides = array<i32>} : memref<2064xf32, #tpu.memory_space<vmem>>, vector<16xf32>,
    %broadcast_in_dim3A_776 = arith.constant 0.000000e+00 : f32
    %broadcast_in_dim3A_777 = vector.broadcast %broadcast_in_dim3A_776 : f32 to vector<16xf32>
    %scan3A_778 = arith.constant 0 : i32
    %scan3A_779 = arith.constant 2048 : i32
    %scan3A_780 = arith.addi %scan3A_778, %scan3A_779 : i32
    %scan3A_781 = arith.constant 8 : i32
    %scan3A_782:5 = scf.for %scan3A_1014 = %scan3A_778 to %scan3A_780 step %scan3A_781 iter_args(%scan3A_1015 = %broadcast_in_dim3A_516, %scan3A_1016 = %broadcast_in_dim3A_516, %scan3A_1017 = %broadcast_in_dim3A_516, %scan3A_1018 = %broadcast_in_dim3A_516, %scan3A_1019 = %broadcast_in_dim3A_777) -> (vector<16xf32>, vector<16xf32>, vector<16xf32>, vector<16xf32>, vector<16xf32>)  : i32 {
      %mul3A_1020 = arith.constant 16 : i32
      %mul3A_1021 = arith.muli %scan3A_1014, %mul3A_1020 : i32
      %get3A = arith.index_cast %mul3A_1021 : i32 to index
      %get3A_1022 = tpu.vector_load %arg6[%get3A] {strides = array<i32>} : memref<32768xf32, #tpu.memory_space<vmem>>, vector<16xf32>,
      %mul3A_1023 = arith.mulf %get3A_1022, %get3A_1022 : vector<16xf32>
      %add3A_1024 = arith.addf %scan3A_1019, %mul3A_1023 : vector<16xf32>
      %max3A_1025 = arith.maximumf %scan3A_1015, %get3A_1022 : vector<16xf32>
      %min3A_1026 = arith.minimumf %scan3A_1015, %get3A_1022 : vector<16xf32>
      %max3A_1027 = arith.maximumf %scan3A_1016, %min3A_1026 : vector<16xf32>
      %min3A_1028 = arith.minimumf %scan3A_1016, %min3A_1026 : vector<16xf32>
      %max3A_1029 = arith.maximumf %scan3A_1017, %min3A_1028 : vector<16xf32>
      %min3A_1030 = arith.minimumf %scan3A_1017, %min3A_1028 : vector<16xf32>
      %max3A_1031 = arith.maximumf %scan3A_1018, %min3A_1030 : vector<16xf32>
      %scan3A_1032 = arith.constant 1 : i32
      %scan3A_1033 = arith.addi %scan3A_1014, %scan3A_1032 : i32
      %mul3A_1034 = arith.constant 16 : i32
      %mul3A_1035 = arith.muli %scan3A_1033, %mul3A_1034 : i32
      %get3A_1036 = arith.index_cast %mul3A_1035 : i32 to index
      %get3A_1037 = tpu.vector_load %arg6[%get3A_1036] {strides = array<i32>} : memref<32768xf32, #tpu.memory_space<vmem>>, vector<16xf32>,
      %mul3A_1038 = arith.mulf %get3A_1037, %get3A_1037 : vector<16xf32>
      %add3A_1039 = arith.addf %add3A_1024, %mul3A_1038 : vector<16xf32>
      %max3A_1040 = arith.maximumf %max3A_1025, %get3A_1037 : vector<16xf32>
      %min3A_1041 = arith.minimumf %max3A_1025, %get3A_1037 : vector<16xf32>
      %max3A_1042 = arith.maximumf %max3A_1027, %min3A_1041 : vector<16xf32>
      %min3A_1043 = arith.minimumf %max3A_1027, %min3A_1041 : vector<16xf32>
      %max3A_1044 = arith.maximumf %max3A_1029, %min3A_1043 : vector<16xf32>
      %min3A_1045 = arith.minimumf %max3A_1029, %min3A_1043 : vector<16xf32>
      %max3A_1046 = arith.maximumf %max3A_1031, %min3A_1045 : vector<16xf32>
      %scan3A_1047 = arith.constant 2 : i32
      %scan3A_1048 = arith.addi %scan3A_1014, %scan3A_1047 : i32
      %mul3A_1049 = arith.constant 16 : i32
      %mul3A_1050 = arith.muli %scan3A_1048, %mul3A_1049 : i32
      %get3A_1051 = arith.index_cast %mul3A_1050 : i32 to index
      %get3A_1052 = tpu.vector_load %arg6[%get3A_1051] {strides = array<i32>} : memref<32768xf32, #tpu.memory_space<vmem>>, vector<16xf32>,
      %mul3A_1053 = arith.mulf %get3A_1052, %get3A_1052 : vector<16xf32>
      %add3A_1054 = arith.addf %add3A_1039, %mul3A_1053 : vector<16xf32>
      %max3A_1055 = arith.maximumf %max3A_1040, %get3A_1052 : vector<16xf32>
      %min3A_1056 = arith.minimumf %max3A_1040, %get3A_1052 : vector<16xf32>
      %max3A_1057 = arith.maximumf %max3A_1042, %min3A_1056 : vector<16xf32>
      %min3A_1058 = arith.minimumf %max3A_1042, %min3A_1056 : vector<16xf32>
      %max3A_1059 = arith.maximumf %max3A_1044, %min3A_1058 : vector<16xf32>
      %min3A_1060 = arith.minimumf %max3A_1044, %min3A_1058 : vector<16xf32>
      %max3A_1061 = arith.maximumf %max3A_1046, %min3A_1060 : vector<16xf32>
      %scan3A_1062 = arith.constant 3 : i32
      %scan3A_1063 = arith.addi %scan3A_1014, %scan3A_1062 : i32
      %mul3A_1064 = arith.constant 16 : i32
      %mul3A_1065 = arith.muli %scan3A_1063, %mul3A_1064 : i32
      %get3A_1066 = arith.index_cast %mul3A_1065 : i32 to index
      %get3A_1067 = tpu.vector_load %arg6[%get3A_1066] {strides = array<i32>} : memref<32768xf32, #tpu.memory_space<vmem>>, vector<16xf32>,
      %mul3A_1068 = arith.mulf %get3A_1067, %get3A_1067 : vector<16xf32>
      %add3A_1069 = arith.addf %add3A_1054, %mul3A_1068 : vector<16xf32>
      %max3A_1070 = arith.maximumf %max3A_1055, %get3A_1067 : vector<16xf32>
      %min3A_1071 = arith.minimumf %max3A_1055, %get3A_1067 : vector<16xf32>
      %max3A_1072 = arith.maximumf %max3A_1057, %min3A_1071 : vector<16xf32>
      %min3A_1073 = arith.minimumf %max3A_1057, %min3A_1071 : vector<16xf32>
      %max3A_1074 = arith.maximumf %max3A_1059, %min3A_1073 : vector<16xf32>
      %min3A_1075 = arith.minimumf %max3A_1059, %min3A_1073 : vector<16xf32>
      %max3A_1076 = arith.maximumf %max3A_1061, %min3A_1075 : vector<16xf32>
      %scan3A_1077 = arith.constant 4 : i32
      %scan3A_1078 = arith.addi %scan3A_1014, %scan3A_1077 : i32
      %mul3A_1079 = arith.constant 16 : i32
      %mul3A_1080 = arith.muli %scan3A_1078, %mul3A_1079 : i32
      %get3A_1081 = arith.index_cast %mul3A_1080 : i32 to index
      %get3A_1082 = tpu.vector_load %arg6[%get3A_1081] {strides = array<i32>} : memref<32768xf32, #tpu.memory_space<vmem>>, vector<16xf32>,
      %mul3A_1083 = arith.mulf %get3A_1082, %get3A_1082 : vector<16xf32>
      %add3A_1084 = arith.addf %add3A_1069, %mul3A_1083 : vector<16xf32>
      %max3A_1085 = arith.maximumf %max3A_1070, %get3A_1082 : vector<16xf32>
      %min3A_1086 = arith.minimumf %max3A_1070, %get3A_1082 : vector<16xf32>
      %max3A_1087 = arith.maximumf %max3A_1072, %min3A_1086 : vector<16xf32>
      %min3A_1088 = arith.minimumf %max3A_1072, %min3A_1086 : vector<16xf32>
      %max3A_1089 = arith.maximumf %max3A_1074, %min3A_1088 : vector<16xf32>
      %min3A_1090 = arith.minimumf %max3A_1074, %min3A_1088 : vector<16xf32>
      %max3A_1091 = arith.maximumf %max3A_1076, %min3A_1090 : vector<16xf32>
      %scan3A_1092 = arith.constant 5 : i32
      %scan3A_1093 = arith.addi %scan3A_1014, %scan3A_1092 : i32
      %mul3A_1094 = arith.constant 16 : i32
      %mul3A_1095 = arith.muli %scan3A_1093, %mul3A_1094 : i32
      %get3A_1096 = arith.index_cast %mul3A_1095 : i32 to index
      %get3A_1097 = tpu.vector_load %arg6[%get3A_1096] {strides = array<i32>} : memref<32768xf32, #tpu.memory_space<vmem>>, vector<16xf32>,
      %mul3A_1098 = arith.mulf %get3A_1097, %get3A_1097 : vector<16xf32>
      %add3A_1099 = arith.addf %add3A_1084, %mul3A_1098 : vector<16xf32>
      %max3A_1100 = arith.maximumf %max3A_1085, %get3A_1097 : vector<16xf32>
      %min3A_1101 = arith.minimumf %max3A_1085, %get3A_1097 : vector<16xf32>
      %max3A_1102 = arith.maximumf %max3A_1087, %min3A_1101 : vector<16xf32>
      %min3A_1103 = arith.minimumf %max3A_1087, %min3A_1101 : vector<16xf32>
      %max3A_1104 = arith.maximumf %max3A_1089, %min3A_1103 : vector<16xf32>
      %min3A_1105 = arith.minimumf %max3A_1089, %min3A_1103 : vector<16xf32>
      %max3A_1106 = arith.maximumf %max3A_1091, %min3A_1105 : vector<16xf32>
      %scan3A_1107 = arith.constant 6 : i32
      %scan3A_1108 = arith.addi %scan3A_1014, %scan3A_1107 : i32
      %mul3A_1109 = arith.constant 16 : i32
      %mul3A_1110 = arith.muli %scan3A_1108, %mul3A_1109 : i32
      %get3A_1111 = arith.index_cast %mul3A_1110 : i32 to index
      %get3A_1112 = tpu.vector_load %arg6[%get3A_1111] {strides = array<i32>} : memref<32768xf32, #tpu.memory_space<vmem>>, vector<16xf32>,
      %mul3A_1113 = arith.mulf %get3A_1112, %get3A_1112 : vector<16xf32>
      %add3A_1114 = arith.addf %add3A_1099, %mul3A_1113 : vector<16xf32>
      %max3A_1115 = arith.maximumf %max3A_1100, %get3A_1112 : vector<16xf32>
      %min3A_1116 = arith.minimumf %max3A_1100, %get3A_1112 : vector<16xf32>
      %max3A_1117 = arith.maximumf %max3A_1102, %min3A_1116 : vector<16xf32>
      %min3A_1118 = arith.minimumf %max3A_1102, %min3A_1116 : vector<16xf32>
      %max3A_1119 = arith.maximumf %max3A_1104, %min3A_1118 : vector<16xf32>
      %min3A_1120 = arith.minimumf %max3A_1104, %min3A_1118 : vector<16xf32>
      %max3A_1121 = arith.maximumf %max3A_1106, %min3A_1120 : vector<16xf32>
      %scan3A_1122 = arith.constant 7 : i32
      %scan3A_1123 = arith.addi %scan3A_1014, %scan3A_1122 : i32
      %mul3A_1124 = arith.constant 16 : i32
      %mul3A_1125 = arith.muli %scan3A_1123, %mul3A_1124 : i32
      %get3A_1126 = arith.index_cast %mul3A_1125 : i32 to index
      %get3A_1127 = tpu.vector_load %arg6[%get3A_1126] {strides = array<i32>} : memref<32768xf32, #tpu.memory_space<vmem>>, vector<16xf32>,
      %mul3A_1128 = arith.mulf %get3A_1127, %get3A_1127 : vector<16xf32>
      %add3A_1129 = arith.addf %add3A_1114, %mul3A_1128 : vector<16xf32>
      %max3A_1130 = arith.maximumf %max3A_1115, %get3A_1127 : vector<16xf32>
      %min3A_1131 = arith.minimumf %max3A_1115, %get3A_1127 : vector<16xf32>
      %max3A_1132 = arith.maximumf %max3A_1117, %min3A_1131 : vector<16xf32>
      %min3A_1133 = arith.minimumf %max3A_1117, %min3A_1131 : vector<16xf32>
      %max3A_1134 = arith.maximumf %max3A_1119, %min3A_1133 : vector<16xf32>
      %min3A_1135 = arith.minimumf %max3A_1119, %min3A_1133 : vector<16xf32>
      %max3A_1136 = arith.maximumf %max3A_1121, %min3A_1135 : vector<16xf32>
      scf.yield %max3A_1130, %max3A_1132, %max3A_1134, %max3A_1136, %add3A_1129 : vector<16xf32>, vector<16xf32>, vector<16xf32>, vector<16xf32>, vector<16xf32>
    }
    %scan3A_783 = arith.constant 2048 : i32
    %xor3A_784 = arith.constant 1 : i32
    %xor3A_785 = vector.broadcast %xor3A_784 : i32 to vector<16xi32>
    %xor3A_786 = arith.xori %iota3A_514, %xor3A_785 : vector<16xi32>
    %lt3A_787 = arith.constant 0 : i32
    %lt3A_788 = vector.broadcast %lt3A_787 : i32 to vector<16xi32>
    %lt3A_789 = arith.cmpi slt, %xor3A_786, %lt3A_788 : vector<16xi32>
    %add3A_790 = arith.constant 16 : i32
    %add3A_791 = vector.broadcast %add3A_790 : i32 to vector<16xi32>
    %add3A_792 = arith.addi %xor3A_786, %add3A_791 : vector<16xi32>
    %select_n3A_793 = arith.select %lt3A_789, %add3A_792, %xor3A_786 : vector<16xi1>, vector<16xi32>
    %reshape3A_794 = vector.shape_cast %select_n3A_793 : vector<16xi32> to vector<16x1xi32>
    %gather3A_795 = vector.shape_cast %reshape3A_794 : vector<16x1xi32> to vector<16xi32>
    %gather3A_796 = tpu.dynamic_gather %scan3A_782#4[%gather3A_795] in [0] : vector<16xf32>, vector<16xi32> -> vector<16xf32>
    %add3A_797 = arith.addf %scan3A_782#4, %gather3A_796 : vector<16xf32>
    %xor3A_798 = arith.constant 2 : i32
    %xor3A_799 = vector.broadcast %xor3A_798 : i32 to vector<16xi32>
    %xor3A_800 = arith.xori %iota3A_514, %xor3A_799 : vector<16xi32>
    %lt3A_801 = arith.constant 0 : i32
    %lt3A_802 = vector.broadcast %lt3A_801 : i32 to vector<16xi32>
    %lt3A_803 = arith.cmpi slt, %xor3A_800, %lt3A_802 : vector<16xi32>
    %add3A_804 = arith.constant 16 : i32
    %add3A_805 = vector.broadcast %add3A_804 : i32 to vector<16xi32>
    %add3A_806 = arith.addi %xor3A_800, %add3A_805 : vector<16xi32>
    %select_n3A_807 = arith.select %lt3A_803, %add3A_806, %xor3A_800 : vector<16xi1>, vector<16xi32>
    %reshape3A_808 = vector.shape_cast %select_n3A_807 : vector<16xi32> to vector<16x1xi32>
    %gather3A_809 = vector.shape_cast %reshape3A_808 : vector<16x1xi32> to vector<16xi32>
    %gather3A_810 = tpu.dynamic_gather %add3A_797[%gather3A_809] in [0] : vector<16xf32>, vector<16xi32> -> vector<16xf32>
    %add3A_811 = arith.addf %add3A_797, %gather3A_810 : vector<16xf32>
    %xor3A_812 = arith.constant 4 : i32
    %xor3A_813 = vector.broadcast %xor3A_812 : i32 to vector<16xi32>
    %xor3A_814 = arith.xori %iota3A_514, %xor3A_813 : vector<16xi32>
    %lt3A_815 = arith.constant 0 : i32
    %lt3A_816 = vector.broadcast %lt3A_815 : i32 to vector<16xi32>
    %lt3A_817 = arith.cmpi slt, %xor3A_814, %lt3A_816 : vector<16xi32>
    %add3A_818 = arith.constant 16 : i32
    %add3A_819 = vector.broadcast %add3A_818 : i32 to vector<16xi32>
    %add3A_820 = arith.addi %xor3A_814, %add3A_819 : vector<16xi32>
    %select_n3A_821 = arith.select %lt3A_817, %add3A_820, %xor3A_814 : vector<16xi1>, vector<16xi32>
    %reshape3A_822 = vector.shape_cast %select_n3A_821 : vector<16xi32> to vector<16x1xi32>
    %gather3A_823 = vector.shape_cast %reshape3A_822 : vector<16x1xi32> to vector<16xi32>
    %gather3A_824 = tpu.dynamic_gather %add3A_811[%gather3A_823] in [0] : vector<16xf32>, vector<16xi32> -> vector<16xf32>
    %add3A_825 = arith.addf %add3A_811, %gather3A_824 : vector<16xf32>
    %xor3A_826 = arith.constant 8 : i32
    %xor3A_827 = vector.broadcast %xor3A_826 : i32 to vector<16xi32>
    %xor3A_828 = arith.xori %iota3A_514, %xor3A_827 : vector<16xi32>
    %lt3A_829 = arith.constant 0 : i32
    %lt3A_830 = vector.broadcast %lt3A_829 : i32 to vector<16xi32>
    %lt3A_831 = arith.cmpi slt, %xor3A_828, %lt3A_830 : vector<16xi32>
    %add3A_832 = arith.constant 16 : i32
    %add3A_833 = vector.broadcast %add3A_832 : i32 to vector<16xi32>
    %add3A_834 = arith.addi %xor3A_828, %add3A_833 : vector<16xi32>
    %select_n3A_835 = arith.select %lt3A_831, %add3A_834, %xor3A_828 : vector<16xi1>, vector<16xi32>
    %reshape3A_836 = vector.shape_cast %select_n3A_835 : vector<16xi32> to vector<16x1xi32>
    %gather3A_837 = vector.shape_cast %reshape3A_836 : vector<16x1xi32> to vector<16xi32>
    %gather3A_838 = tpu.dynamic_gather %add3A_825[%gather3A_837] in [0] : vector<16xf32>, vector<16xi32> -> vector<16xf32>
    %add3A_839 = arith.addf %add3A_825, %gather3A_838 : vector<16xf32>
    %max3A_840 = arith.constant 9.99999996E-13 : f32
    %max3A_841 = vector.broadcast %max3A_840 : f32 to vector<16xf32>
    %max3A_842 = arith.maximumf %add3A_839, %max3A_841 : vector<16xf32>
    %xor3A_843 = arith.constant 1 : i32
    %xor3A_844 = vector.broadcast %xor3A_843 : i32 to vector<16xi32>
    %xor3A_845 = arith.xori %iota3A_514, %xor3A_844 : vector<16xi32>
    %lt3A_846 = arith.constant 0 : i32
    %lt3A_847 = vector.broadcast %lt3A_846 : i32 to vector<16xi32>
    %lt3A_848 = arith.cmpi slt, %xor3A_845, %lt3A_847 : vector<16xi32>
    %add3A_849 = arith.constant 16 : i32
    %add3A_850 = vector.broadcast %add3A_849 : i32 to vector<16xi32>
    %add3A_851 = arith.addi %xor3A_845, %add3A_850 : vector<16xi32>
    %select_n3A_852 = arith.select %lt3A_848, %add3A_851, %xor3A_845 : vector<16xi1>, vector<16xi32>
    %reshape3A_853 = vector.shape_cast %select_n3A_852 : vector<16xi32> to vector<16x1xi32>
    %gather3A_854 = vector.shape_cast %reshape3A_853 : vector<16x1xi32> to vector<16xi32>
    %gather3A_855 = tpu.dynamic_gather %scan3A_782#3[%gather3A_854] in [0] : vector<16xf32>, vector<16xi32> -> vector<16xf32>
    %min3A_856 = arith.minimumf %scan3A_782#3, %gather3A_855 : vector<16xf32>
    %xor3A_857 = arith.constant 2 : i32
    %xor3A_858 = vector.broadcast %xor3A_857 : i32 to vector<16xi32>
    %xor3A_859 = arith.xori %iota3A_514, %xor3A_858 : vector<16xi32>
    %lt3A_860 = arith.constant 0 : i32
    %lt3A_861 = vector.broadcast %lt3A_860 : i32 to vector<16xi32>
    %lt3A_862 = arith.cmpi slt, %xor3A_859, %lt3A_861 : vector<16xi32>
    %add3A_863 = arith.constant 16 : i32
    %add3A_864 = vector.broadcast %add3A_863 : i32 to vector<16xi32>
    %add3A_865 = arith.addi %xor3A_859, %add3A_864 : vector<16xi32>
    %select_n3A_866 = arith.select %lt3A_862, %add3A_865, %xor3A_859 : vector<16xi1>, vector<16xi32>
    %reshape3A_867 = vector.shape_cast %select_n3A_866 : vector<16xi32> to vector<16x1xi32>
    %gather3A_868 = vector.shape_cast %reshape3A_867 : vector<16x1xi32> to vector<16xi32>
    %gather3A_869 = tpu.dynamic_gather %min3A_856[%gather3A_868] in [0] : vector<16xf32>, vector<16xi32> -> vector<16xf32>
    %min3A_870 = arith.minimumf %min3A_856, %gather3A_869 : vector<16xf32>
    %xor3A_871 = arith.constant 4 : i32
    %xor3A_872 = vector.broadcast %xor3A_871 : i32 to vector<16xi32>
    %xor3A_873 = arith.xori %iota3A_514, %xor3A_872 : vector<16xi32>
    %lt3A_874 = arith.constant 0 : i32
    %lt3A_875 = vector.broadcast %lt3A_874 : i32 to vector<16xi32>
    %lt3A_876 = arith.cmpi slt, %xor3A_873, %lt3A_875 : vector<16xi32>
    %add3A_877 = arith.constant 16 : i32
    %add3A_878 = vector.broadcast %add3A_877 : i32 to vector<16xi32>
    %add3A_879 = arith.addi %xor3A_873, %add3A_878 : vector<16xi32>
    %select_n3A_880 = arith.select %lt3A_876, %add3A_879, %xor3A_873 : vector<16xi1>, vector<16xi32>
    %reshape3A_881 = vector.shape_cast %select_n3A_880 : vector<16xi32> to vector<16x1xi32>
    %gather3A_882 = vector.shape_cast %reshape3A_881 : vector<16x1xi32> to vector<16xi32>
    %gather3A_883 = tpu.dynamic_gather %min3A_870[%gather3A_882] in [0] : vector<16xf32>, vector<16xi32> -> vector<16xf32>
    %min3A_884 = arith.minimumf %min3A_870, %gather3A_883 : vector<16xf32>
    %xor3A_885 = arith.constant 8 : i32
    %xor3A_886 = vector.broadcast %xor3A_885 : i32 to vector<16xi32>
    %xor3A_887 = arith.xori %iota3A_514, %xor3A_886 : vector<16xi32>
    %lt3A_888 = arith.constant 0 : i32
    %lt3A_889 = vector.broadcast %lt3A_888 : i32 to vector<16xi32>
    %lt3A_890 = arith.cmpi slt, %xor3A_887, %lt3A_889 : vector<16xi32>
    %add3A_891 = arith.constant 16 : i32
    %add3A_892 = vector.broadcast %add3A_891 : i32 to vector<16xi32>
    %add3A_893 = arith.addi %xor3A_887, %add3A_892 : vector<16xi32>
    %select_n3A_894 = arith.select %lt3A_890, %add3A_893, %xor3A_887 : vector<16xi1>, vector<16xi32>
    %reshape3A_895 = vector.shape_cast %select_n3A_894 : vector<16xi32> to vector<16x1xi32>
    %gather3A_896 = vector.shape_cast %reshape3A_895 : vector<16x1xi32> to vector<16xi32>
    %gather3A_897 = tpu.dynamic_gather %min3A_884[%gather3A_896] in [0] : vector<16xf32>, vector<16xi32> -> vector<16xf32>
    %min3A_898 = arith.minimumf %min3A_884, %gather3A_897 : vector<16xf32>
    %bitcast_convert_type3A_899 = tpu.bitcast %max3A_842 : vector<16xf32> -> vector<16xi32>
    %shift_right_arithmetic3A_900 = arith.constant 1 : i32
    %shift_right_arithmetic3A_901 = vector.broadcast %shift_right_arithmetic3A_900 : i32 to vector<16xi32>
    %shift_right_arithmetic3A_902 = arith.shrsi %bitcast_convert_type3A_899, %shift_right_arithmetic3A_901 : vector<16xi32>
    %sub3A_903 = arith.constant 1597463007 : i32
    %sub3A_904 = vector.broadcast %sub3A_903 : i32 to vector<16xi32>
    %sub3A_905 = arith.subi %sub3A_904, %shift_right_arithmetic3A_902 : vector<16xi32>
    %bitcast_convert_type3A_906 = tpu.bitcast %sub3A_905 : vector<16xi32> -> vector<16xf32>
    %mul3A_907 = arith.constant 5.000000e-01 : f32
    %mul3A_908 = vector.broadcast %mul3A_907 : f32 to vector<16xf32>
    %mul3A_909 = arith.mulf %mul3A_908, %max3A_842 : vector<16xf32>
    %mul3A_910 = arith.mulf %mul3A_909, %bitcast_convert_type3A_906 : vector<16xf32>
    %mul3A_911 = arith.mulf %mul3A_910, %bitcast_convert_type3A_906 : vector<16xf32>
    %sub3A_912 = arith.constant 1.500000e+00 : f32
    %sub3A_913 = vector.broadcast %sub3A_912 : f32 to vector<16xf32>
    %sub3A_914 = arith.subf %sub3A_913, %mul3A_911 : vector<16xf32>
    %mul3A_915 = arith.mulf %bitcast_convert_type3A_906, %sub3A_914 : vector<16xf32>
    %mul3A_916 = arith.mulf %mul3A_909, %mul3A_915 : vector<16xf32>
    %mul3A_917 = arith.mulf %mul3A_916, %mul3A_915 : vector<16xf32>
    %sub3A_918 = arith.constant 1.500000e+00 : f32
    %sub3A_919 = vector.broadcast %sub3A_918 : f32 to vector<16xf32>
    %sub3A_920 = arith.subf %sub3A_919, %mul3A_917 : vector<16xf32>
    %mul3A_921 = arith.mulf %mul3A_915, %sub3A_920 : vector<16xf32>
    %mul3A_922 = arith.mulf %mul3A_909, %mul3A_921 : vector<16xf32>
    %mul3A_923 = arith.mulf %mul3A_922, %mul3A_921 : vector<16xf32>
    %sub3A_924 = arith.constant 1.500000e+00 : f32
    %sub3A_925 = vector.broadcast %sub3A_924 : f32 to vector<16xf32>
    %sub3A_926 = arith.subf %sub3A_925, %mul3A_923 : vector<16xf32>
    %mul3A_927 = arith.mulf %mul3A_921, %sub3A_926 : vector<16xf32>
    %broadcast_in_dim3A_928 = arith.constant 1 : i32
    %broadcast_in_dim3A_929 = vector.broadcast %broadcast_in_dim3A_928 : i32 to vector<16xi32>
    %broadcast_in_dim3A_930 = arith.constant 0 : i32
    %broadcast_in_dim3A_931 = vector.broadcast %broadcast_in_dim3A_930 : i32 to vector<16xi32>
    %broadcast_in_dim3A_932 = arith.constant 128 : i32
    %broadcast_in_dim3A_933 = vector.broadcast %broadcast_in_dim3A_932 : i32 to vector<16xi32>
    %scan3A_934 = arith.constant 0 : i32
    %scan3A_935 = arith.constant 512 : i32
    %scan3A_936 = arith.addi %scan3A_934, %scan3A_935 : i32
    %scan3A_937 = arith.constant 2 : i32
    %scan3A_938 = scf.for %scan3A_1014 = %scan3A_934 to %scan3A_936 step %scan3A_937 iter_args(%scan3A_1015 = %broadcast_in_dim3A_931) -> (vector<16xi32>)  : i32 {
      %mul3A_1016 = arith.constant 64 : i32
      %mul3A_1017 = arith.muli %scan3A_1014, %mul3A_1016 : i32
      %add3A_1018 = arith.constant 0 : i32
      %add3A_1019 = arith.addi %mul3A_1017, %add3A_1018 : i32
      %get3A = arith.index_cast %add3A_1019 : i32 to index
      %get3A_1020 = tpu.vector_load %arg6[%get3A] {strides = array<i32>} : memref<32768xf32, #tpu.memory_space<vmem>>, vector<16xf32>,
      %add3A_1021 = arith.constant 16 : i32
      %add3A_1022 = arith.addi %mul3A_1017, %add3A_1021 : i32
      %get3A_1023 = arith.index_cast %add3A_1022 : i32 to index
      %get3A_1024 = tpu.vector_load %arg6[%get3A_1023] {strides = array<i32>} : memref<32768xf32, #tpu.memory_space<vmem>>, vector<16xf32>,
      %add3A_1025 = arith.constant 32 : i32
      %add3A_1026 = arith.addi %mul3A_1017, %add3A_1025 : i32
      %get3A_1027 = arith.index_cast %add3A_1026 : i32 to index
      %get3A_1028 = tpu.vector_load %arg6[%get3A_1027] {strides = array<i32>} : memref<32768xf32, #tpu.memory_space<vmem>>, vector<16xf32>,
      %add3A_1029 = arith.constant 48 : i32
      %add3A_1030 = arith.addi %mul3A_1017, %add3A_1029 : i32
      %get3A_1031 = arith.index_cast %add3A_1030 : i32 to index
      %get3A_1032 = tpu.vector_load %arg6[%get3A_1031] {strides = array<i32>} : memref<32768xf32, #tpu.memory_space<vmem>>, vector<16xf32>,
      %ge3A = arith.cmpf oge, %get3A_1020, %min3A_898 : vector<16xf32>
      %ge3A_1033 = arith.cmpf oge, %get3A_1024, %min3A_898 : vector<16xf32>
      %ge3A_1034 = arith.cmpf oge, %get3A_1028, %min3A_898 : vector<16xf32>
      %ge3A_1035 = arith.cmpf oge, %get3A_1032, %min3A_898 : vector<16xf32>
      %select_n3A_1036 = arith.select %ge3A, %broadcast_in_dim3A_929, %broadcast_in_dim3A_931 : vector<16xi1>, vector<16xi32>
      %select_n3A_1037 = arith.select %ge3A_1033, %broadcast_in_dim3A_929, %broadcast_in_dim3A_931 : vector<16xi1>, vector<16xi32>
      %select_n3A_1038 = arith.select %ge3A_1034, %broadcast_in_dim3A_929, %broadcast_in_dim3A_931 : vector<16xi1>, vector<16xi32>
      %select_n3A_1039 = arith.select %ge3A_1035, %broadcast_in_dim3A_929, %broadcast_in_dim3A_931 : vector<16xi1>, vector<16xi32>
      %add3A_1040 = arith.addi %scan3A_1015, %select_n3A_1036 : vector<16xi32>
      %add3A_1041 = arith.addi %select_n3A_1036, %select_n3A_1037 : vector<16xi32>
      %add3A_1042 = arith.addi %scan3A_1015, %add3A_1041 : vector<16xi32>
      %add3A_1043 = arith.addi %add3A_1041, %select_n3A_1038 : vector<16xi32>
      %add3A_1044 = arith.addi %scan3A_1015, %add3A_1043 : vector<16xi32>
      %add3A_1045 = arith.addi %add3A_1043, %select_n3A_1039 : vector<16xi32>
      %lt3A_1046 = arith.cmpi slt, %scan3A_1015, %broadcast_in_dim3A_933 : vector<16xi32>
      %and3A = arith.andi %ge3A, %lt3A_1046 : vector<16xi1>
      %mul3A_1047 = arith.constant 16 : i32
      %mul3A_1048 = vector.broadcast %mul3A_1047 : i32 to vector<16xi32>
      %mul3A_1049 = arith.muli %scan3A_1015, %mul3A_1048 : vector<16xi32>
      %add3A_1050 = arith.addi %mul3A_1049, %iota3A_514 : vector<16xi32>
      %select_n3A_1051 = arith.select %and3A, %add3A_1050, %add3A_519 : vector<16xi1>, vector<16xi32>
      %mul3A_1052 = arith.mulf %get3A_1020, %mul3A_927 : vector<16xf32>
      tpu.vector_store_idx %arg7[%select_n3A_1051], %mul3A_1052 : memref<2064xf32, #tpu.memory_space<vmem>>[vector<16xi32>], vector<16xf32>,
      %add3A_1053 = arith.constant 0 : i32
      %add3A_1054 = arith.addi %mul3A_1017, %add3A_1053 : i32
      %add3A_1055 = vector.broadcast %add3A_1054 : i32 to vector<16xi32>
      %add3A_1056 = arith.addi %iota3A_514, %add3A_1055 : vector<16xi32>
      tpu.vector_store_idx %arg8[%select_n3A_1051], %add3A_1056 : memref<2064xi32, #tpu.memory_space<vmem>>[vector<16xi32>], vector<16xi32>,
      %lt3A_1057 = arith.cmpi slt, %add3A_1040, %broadcast_in_dim3A_933 : vector<16xi32>
      %and3A_1058 = arith.andi %ge3A_1033, %lt3A_1057 : vector<16xi1>
      %mul3A_1059 = arith.constant 16 : i32
      %mul3A_1060 = vector.broadcast %mul3A_1059 : i32 to vector<16xi32>
      %mul3A_1061 = arith.muli %add3A_1040, %mul3A_1060 : vector<16xi32>
      %add3A_1062 = arith.addi %mul3A_1061, %iota3A_514 : vector<16xi32>
      %select_n3A_1063 = arith.select %and3A_1058, %add3A_1062, %add3A_519 : vector<16xi1>, vector<16xi32>
      %mul3A_1064 = arith.mulf %get3A_1024, %mul3A_927 : vector<16xf32>
      tpu.vector_store_idx %arg7[%select_n3A_1063], %mul3A_1064 : memref<2064xf32, #tpu.memory_space<vmem>>[vector<16xi32>], vector<16xf32>,
      %add3A_1065 = arith.constant 16 : i32
      %add3A_1066 = arith.addi %mul3A_1017, %add3A_1065 : i32
      %add3A_1067 = vector.broadcast %add3A_1066 : i32 to vector<16xi32>
      %add3A_1068 = arith.addi %iota3A_514, %add3A_1067 : vector<16xi32>
      tpu.vector_store_idx %arg8[%select_n3A_1063], %add3A_1068 : memref<2064xi32, #tpu.memory_space<vmem>>[vector<16xi32>], vector<16xi32>,
      %lt3A_1069 = arith.cmpi slt, %add3A_1042, %broadcast_in_dim3A_933 : vector<16xi32>
      %and3A_1070 = arith.andi %ge3A_1034, %lt3A_1069 : vector<16xi1>
      %mul3A_1071 = arith.constant 16 : i32
      %mul3A_1072 = vector.broadcast %mul3A_1071 : i32 to vector<16xi32>
      %mul3A_1073 = arith.muli %add3A_1042, %mul3A_1072 : vector<16xi32>
      %add3A_1074 = arith.addi %mul3A_1073, %iota3A_514 : vector<16xi32>
      %select_n3A_1075 = arith.select %and3A_1070, %add3A_1074, %add3A_519 : vector<16xi1>, vector<16xi32>
      %mul3A_1076 = arith.mulf %get3A_1028, %mul3A_927 : vector<16xf32>
      tpu.vector_store_idx %arg7[%select_n3A_1075], %mul3A_1076 : memref<2064xf32, #tpu.memory_space<vmem>>[vector<16xi32>], vector<16xf32>,
      %add3A_1077 = arith.constant 32 : i32
      %add3A_1078 = arith.addi %mul3A_1017, %add3A_1077 : i32
      %add3A_1079 = vector.broadcast %add3A_1078 : i32 to vector<16xi32>
      %add3A_1080 = arith.addi %iota3A_514, %add3A_1079 : vector<16xi32>
      tpu.vector_store_idx %arg8[%select_n3A_1075], %add3A_1080 : memref<2064xi32, #tpu.memory_space<vmem>>[vector<16xi32>], vector<16xi32>,
      %lt3A_1081 = arith.cmpi slt, %add3A_1044, %broadcast_in_dim3A_933 : vector<16xi32>
      %and3A_1082 = arith.andi %ge3A_1035, %lt3A_1081 : vector<16xi1>
      %mul3A_1083 = arith.constant 16 : i32
      %mul3A_1084 = vector.broadcast %mul3A_1083 : i32 to vector<16xi32>
      %mul3A_1085 = arith.muli %add3A_1044, %mul3A_1084 : vector<16xi32>
      %add3A_1086 = arith.addi %mul3A_1085, %iota3A_514 : vector<16xi32>
      %select_n3A_1087 = arith.select %and3A_1082, %add3A_1086, %add3A_519 : vector<16xi1>, vector<16xi32>
      %mul3A_1088 = arith.mulf %get3A_1032, %mul3A_927 : vector<16xf32>
      tpu.vector_store_idx %arg7[%select_n3A_1087], %mul3A_1088 : memref<2064xf32, #tpu.memory_space<vmem>>[vector<16xi32>], vector<16xf32>,
      %add3A_1089 = arith.constant 48 : i32
      %add3A_1090 = arith.addi %mul3A_1017, %add3A_1089 : i32
      %add3A_1091 = vector.broadcast %add3A_1090 : i32 to vector<16xi32>
      %add3A_1092 = arith.addi %iota3A_514, %add3A_1091 : vector<16xi32>
      tpu.vector_store_idx %arg8[%select_n3A_1087], %add3A_1092 : memref<2064xi32, #tpu.memory_space<vmem>>[vector<16xi32>], vector<16xi32>,
      %add3A_1093 = arith.addi %scan3A_1015, %add3A_1045 : vector<16xi32>
      %scan3A_1094 = arith.constant 1 : i32
      %scan3A_1095 = arith.addi %scan3A_1014, %scan3A_1094 : i32
      %mul3A_1096 = arith.constant 64 : i32
      %mul3A_1097 = arith.muli %scan3A_1095, %mul3A_1096 : i32
      %add3A_1098 = arith.constant 0 : i32
      %add3A_1099 = arith.addi %mul3A_1097, %add3A_1098 : i32
      %get3A_1100 = arith.index_cast %add3A_1099 : i32 to index
      %get3A_1101 = tpu.vector_load %arg6[%get3A_1100] {strides = array<i32>} : memref<32768xf32, #tpu.memory_space<vmem>>, vector<16xf32>,
      %add3A_1102 = arith.constant 16 : i32
      %add3A_1103 = arith.addi %mul3A_1097, %add3A_1102 : i32
      %get3A_1104 = arith.index_cast %add3A_1103 : i32 to index
      %get3A_1105 = tpu.vector_load %arg6[%get3A_1104] {strides = array<i32>} : memref<32768xf32, #tpu.memory_space<vmem>>, vector<16xf32>,
      %add3A_1106 = arith.constant 32 : i32
      %add3A_1107 = arith.addi %mul3A_1097, %add3A_1106 : i32
      %get3A_1108 = arith.index_cast %add3A_1107 : i32 to index
      %get3A_1109 = tpu.vector_load %arg6[%get3A_1108] {strides = array<i32>} : memref<32768xf32, #tpu.memory_space<vmem>>, vector<16xf32>,
      %add3A_1110 = arith.constant 48 : i32
      %add3A_1111 = arith.addi %mul3A_1097, %add3A_1110 : i32
      %get3A_1112 = arith.index_cast %add3A_1111 : i32 to index
      %get3A_1113 = tpu.vector_load %arg6[%get3A_1112] {strides = array<i32>} : memref<32768xf32, #tpu.memory_space<vmem>>, vector<16xf32>,
      %ge3A_1114 = arith.cmpf oge, %get3A_1101, %min3A_898 : vector<16xf32>
      %ge3A_1115 = arith.cmpf oge, %get3A_1105, %min3A_898 : vector<16xf32>
      %ge3A_1116 = arith.cmpf oge, %get3A_1109, %min3A_898 : vector<16xf32>
      %ge3A_1117 = arith.cmpf oge, %get3A_1113, %min3A_898 : vector<16xf32>
      %select_n3A_1118 = arith.select %ge3A_1114, %broadcast_in_dim3A_929, %broadcast_in_dim3A_931 : vector<16xi1>, vector<16xi32>
      %select_n3A_1119 = arith.select %ge3A_1115, %broadcast_in_dim3A_929, %broadcast_in_dim3A_931 : vector<16xi1>, vector<16xi32>
      %select_n3A_1120 = arith.select %ge3A_1116, %broadcast_in_dim3A_929, %broadcast_in_dim3A_931 : vector<16xi1>, vector<16xi32>
      %select_n3A_1121 = arith.select %ge3A_1117, %broadcast_in_dim3A_929, %broadcast_in_dim3A_931 : vector<16xi1>, vector<16xi32>
      %add3A_1122 = arith.addi %add3A_1093, %select_n3A_1118 : vector<16xi32>
      %add3A_1123 = arith.addi %select_n3A_1118, %select_n3A_1119 : vector<16xi32>
      %add3A_1124 = arith.addi %add3A_1093, %add3A_1123 : vector<16xi32>
      %add3A_1125 = arith.addi %add3A_1123, %select_n3A_1120 : vector<16xi32>
      %add3A_1126 = arith.addi %add3A_1093, %add3A_1125 : vector<16xi32>
      %add3A_1127 = arith.addi %add3A_1125, %select_n3A_1121 : vector<16xi32>
      %lt3A_1128 = arith.cmpi slt, %add3A_1093, %broadcast_in_dim3A_933 : vector<16xi32>
      %and3A_1129 = arith.andi %ge3A_1114, %lt3A_1128 : vector<16xi1>
      %mul3A_1130 = arith.constant 16 : i32
      %mul3A_1131 = vector.broadcast %mul3A_1130 : i32 to vector<16xi32>
      %mul3A_1132 = arith.muli %add3A_1093, %mul3A_1131 : vector<16xi32>
      %add3A_1133 = arith.addi %mul3A_1132, %iota3A_514 : vector<16xi32>
      %select_n3A_1134 = arith.select %and3A_1129, %add3A_1133, %add3A_519 : vector<16xi1>, vector<16xi32>
      %mul3A_1135 = arith.mulf %get3A_1101, %mul3A_927 : vector<16xf32>
      tpu.vector_store_idx %arg7[%select_n3A_1134], %mul3A_1135 : memref<2064xf32, #tpu.memory_space<vmem>>[vector<16xi32>], vector<16xf32>,
      %add3A_1136 = arith.constant 0 : i32
      %add3A_1137 = arith.addi %mul3A_1097, %add3A_1136 : i32
      %add3A_1138 = vector.broadcast %add3A_1137 : i32 to vector<16xi32>
      %add3A_1139 = arith.addi %iota3A_514, %add3A_1138 : vector<16xi32>
      tpu.vector_store_idx %arg8[%select_n3A_1134], %add3A_1139 : memref<2064xi32, #tpu.memory_space<vmem>>[vector<16xi32>], vector<16xi32>,
      %lt3A_1140 = arith.cmpi slt, %add3A_1122, %broadcast_in_dim3A_933 : vector<16xi32>
      %and3A_1141 = arith.andi %ge3A_1115, %lt3A_1140 : vector<16xi1>
      %mul3A_1142 = arith.constant 16 : i32
      %mul3A_1143 = vector.broadcast %mul3A_1142 : i32 to vector<16xi32>
      %mul3A_1144 = arith.muli %add3A_1122, %mul3A_1143 : vector<16xi32>
      %add3A_1145 = arith.addi %mul3A_1144, %iota3A_514 : vector<16xi32>
      %select_n3A_1146 = arith.select %and3A_1141, %add3A_1145, %add3A_519 : vector<16xi1>, vector<16xi32>
      %mul3A_1147 = arith.mulf %get3A_1105, %mul3A_927 : vector<16xf32>
      tpu.vector_store_idx %arg7[%select_n3A_1146], %mul3A_1147 : memref<2064xf32, #tpu.memory_space<vmem>>[vector<16xi32>], vector<16xf32>,
      %add3A_1148 = arith.constant 16 : i32
      %add3A_1149 = arith.addi %mul3A_1097, %add3A_1148 : i32
      %add3A_1150 = vector.broadcast %add3A_1149 : i32 to vector<16xi32>
      %add3A_1151 = arith.addi %iota3A_514, %add3A_1150 : vector<16xi32>
      tpu.vector_store_idx %arg8[%select_n3A_1146], %add3A_1151 : memref<2064xi32, #tpu.memory_space<vmem>>[vector<16xi32>], vector<16xi32>,
      %lt3A_1152 = arith.cmpi slt, %add3A_1124, %broadcast_in_dim3A_933 : vector<16xi32>
      %and3A_1153 = arith.andi %ge3A_1116, %lt3A_1152 : vector<16xi1>
      %mul3A_1154 = arith.constant 16 : i32
      %mul3A_1155 = vector.broadcast %mul3A_1154 : i32 to vector<16xi32>
      %mul3A_1156 = arith.muli %add3A_1124, %mul3A_1155 : vector<16xi32>
      %add3A_1157 = arith.addi %mul3A_1156, %iota3A_514 : vector<16xi32>
      %select_n3A_1158 = arith.select %and3A_1153, %add3A_1157, %add3A_519 : vector<16xi1>, vector<16xi32>
      %mul3A_1159 = arith.mulf %get3A_1109, %mul3A_927 : vector<16xf32>
      tpu.vector_store_idx %arg7[%select_n3A_1158], %mul3A_1159 : memref<2064xf32, #tpu.memory_space<vmem>>[vector<16xi32>], vector<16xf32>,
      %add3A_1160 = arith.constant 32 : i32
      %add3A_1161 = arith.addi %mul3A_1097, %add3A_1160 : i32
      %add3A_1162 = vector.broadcast %add3A_1161 : i32 to vector<16xi32>
      %add3A_1163 = arith.addi %iota3A_514, %add3A_1162 : vector<16xi32>
      tpu.vector_store_idx %arg8[%select_n3A_1158], %add3A_1163 : memref<2064xi32, #tpu.memory_space<vmem>>[vector<16xi32>], vector<16xi32>,
      %lt3A_1164 = arith.cmpi slt, %add3A_1126, %broadcast_in_dim3A_933 : vector<16xi32>
      %and3A_1165 = arith.andi %ge3A_1117, %lt3A_1164 : vector<16xi1>
      %mul3A_1166 = arith.constant 16 : i32
      %mul3A_1167 = vector.broadcast %mul3A_1166 : i32 to vector<16xi32>
      %mul3A_1168 = arith.muli %add3A_1126, %mul3A_1167 : vector<16xi32>
      %add3A_1169 = arith.addi %mul3A_1168, %iota3A_514 : vector<16xi32>
      %select_n3A_1170 = arith.select %and3A_1165, %add3A_1169, %add3A_519 : vector<16xi1>, vector<16xi32>
      %mul3A_1171 = arith.mulf %get3A_1113, %mul3A_927 : vector<16xf32>
      tpu.vector_store_idx %arg7[%select_n3A_1170], %mul3A_1171 : memref<2064xf32, #tpu.memory_space<vmem>>[vector<16xi32>], vector<16xf32>,
      %add3A_1172 = arith.constant 48 : i32
      %add3A_1173 = arith.addi %mul3A_1097, %add3A_1172 : i32
      %add3A_1174 = vector.broadcast %add3A_1173 : i32 to vector<16xi32>
      %add3A_1175 = arith.addi %iota3A_514, %add3A_1174 : vector<16xi32>
      tpu.vector_store_idx %arg8[%select_n3A_1170], %add3A_1175 : memref<2064xi32, #tpu.memory_space<vmem>>[vector<16xi32>], vector<16xi32>,
      %add3A_1176 = arith.addi %add3A_1093, %add3A_1127 : vector<16xi32>
      scf.yield %add3A_1176 : vector<16xi32>
    }
    %scan3A_939 = arith.constant 512 : i32
    %xor3A_940 = arith.constant 1 : i32
    %xor3A_941 = vector.broadcast %xor3A_940 : i32 to vector<16xi32>
    %xor3A_942 = arith.xori %iota3A_514, %xor3A_941 : vector<16xi32>
    %lt3A_943 = arith.constant 0 : i32
    %lt3A_944 = vector.broadcast %lt3A_943 : i32 to vector<16xi32>
    %lt3A_945 = arith.cmpi slt, %xor3A_942, %lt3A_944 : vector<16xi32>
    %add3A_946 = arith.constant 16 : i32
    %add3A_947 = vector.broadcast %add3A_946 : i32 to vector<16xi32>
    %add3A_948 = arith.addi %xor3A_942, %add3A_947 : vector<16xi32>
    %select_n3A_949 = arith.select %lt3A_945, %add3A_948, %xor3A_942 : vector<16xi1>, vector<16xi32>
    %reshape3A_950 = vector.shape_cast %select_n3A_949 : vector<16xi32> to vector<16x1xi32>
    %gather3A_951 = vector.shape_cast %reshape3A_950 : vector<16x1xi32> to vector<16xi32>
    %gather3A_952 = tpu.dynamic_gather %scan3A_938[%gather3A_951] in [0] : vector<16xi32>, vector<16xi32> -> vector<16xi32>
    %max3A_953 = arith.maxsi %scan3A_938, %gather3A_952 : vector<16xi32>
    %xor3A_954 = arith.constant 2 : i32
    %xor3A_955 = vector.broadcast %xor3A_954 : i32 to vector<16xi32>
    %xor3A_956 = arith.xori %iota3A_514, %xor3A_955 : vector<16xi32>
    %lt3A_957 = arith.constant 0 : i32
    %lt3A_958 = vector.broadcast %lt3A_957 : i32 to vector<16xi32>
    %lt3A_959 = arith.cmpi slt, %xor3A_956, %lt3A_958 : vector<16xi32>
    %add3A_960 = arith.constant 16 : i32
    %add3A_961 = vector.broadcast %add3A_960 : i32 to vector<16xi32>
    %add3A_962 = arith.addi %xor3A_956, %add3A_961 : vector<16xi32>
    %select_n3A_963 = arith.select %lt3A_959, %add3A_962, %xor3A_956 : vector<16xi1>, vector<16xi32>
    %reshape3A_964 = vector.shape_cast %select_n3A_963 : vector<16xi32> to vector<16x1xi32>
    %gather3A_965 = vector.shape_cast %reshape3A_964 : vector<16x1xi32> to vector<16xi32>
    %gather3A_966 = tpu.dynamic_gather %max3A_953[%gather3A_965] in [0] : vector<16xi32>, vector<16xi32> -> vector<16xi32>
    %max3A_967 = arith.maxsi %max3A_953, %gather3A_966 : vector<16xi32>
    %xor3A_968 = arith.constant 4 : i32
    %xor3A_969 = vector.broadcast %xor3A_968 : i32 to vector<16xi32>
    %xor3A_970 = arith.xori %iota3A_514, %xor3A_969 : vector<16xi32>
    %lt3A_971 = arith.constant 0 : i32
    %lt3A_972 = vector.broadcast %lt3A_971 : i32 to vector<16xi32>
    %lt3A_973 = arith.cmpi slt, %xor3A_970, %lt3A_972 : vector<16xi32>
    %add3A_974 = arith.constant 16 : i32
    %add3A_975 = vector.broadcast %add3A_974 : i32 to vector<16xi32>
    %add3A_976 = arith.addi %xor3A_970, %add3A_975 : vector<16xi32>
    %select_n3A_977 = arith.select %lt3A_973, %add3A_976, %xor3A_970 : vector<16xi1>, vector<16xi32>
    %reshape3A_978 = vector.shape_cast %select_n3A_977 : vector<16xi32> to vector<16x1xi32>
    %gather3A_979 = vector.shape_cast %reshape3A_978 : vector<16x1xi32> to vector<16xi32>
    %gather3A_980 = tpu.dynamic_gather %max3A_967[%gather3A_979] in [0] : vector<16xi32>, vector<16xi32> -> vector<16xi32>
    %max3A_981 = arith.maxsi %max3A_967, %gather3A_980 : vector<16xi32>
    %xor3A_982 = arith.constant 8 : i32
    %xor3A_983 = vector.broadcast %xor3A_982 : i32 to vector<16xi32>
    %xor3A_984 = arith.xori %iota3A_514, %xor3A_983 : vector<16xi32>
    %lt3A_985 = arith.constant 0 : i32
    %lt3A_986 = vector.broadcast %lt3A_985 : i32 to vector<16xi32>
    %lt3A_987 = arith.cmpi slt, %xor3A_984, %lt3A_986 : vector<16xi32>
    %add3A_988 = arith.constant 16 : i32
    %add3A_989 = vector.broadcast %add3A_988 : i32 to vector<16xi32>
    %add3A_990 = arith.addi %xor3A_984, %add3A_989 : vector<16xi32>
    %select_n3A_991 = arith.select %lt3A_987, %add3A_990, %xor3A_984 : vector<16xi1>, vector<16xi32>
    %reshape3A_992 = vector.shape_cast %select_n3A_991 : vector<16xi32> to vector<16x1xi32>
    %gather3A_993 = vector.shape_cast %reshape3A_992 : vector<16x1xi32> to vector<16xi32>
    %gather3A_994 = tpu.dynamic_gather %max3A_981[%gather3A_993] in [0] : vector<16xi32>, vector<16xi32> -> vector<16xi32>
    %max3A_995 = arith.maxsi %max3A_981, %gather3A_994 : vector<16xi32>
    %slice3A_996 = vector.extract_strided_slice %max3A_995 {offsets = [0], sizes = [1], strides = [1]} : vector<16xi32> to vector<1xi32>
    %squeeze3A_997 = vector.extract %slice3A_996[0] : i32 from vector<1xi32>
    %eq3A_998 = arith.constant 0 : i32
    %eq3A_999 = vector.broadcast %eq3A_998 : i32 to vector<16xi32>
    %eq3A_1000 = arith.cmpi eq, %iota3A_514, %eq3A_999 : vector<16xi32>
    %broadcast_in_dim3A_1001 = arith.constant 32768 : i32
    %broadcast_in_dim3A_1002 = vector.broadcast %broadcast_in_dim3A_1001 : i32 to vector<16xi32>
    %scan3A_1003 = arith.constant 0 : i32
    %scan3A_1004 = arith.constant 0 : i32
    %scan3A_1005 = arith.constant 64 : i32
    %scan3A_1006 = arith.addi %scan3A_1004, %scan3A_1005 : i32
    %scan3A_1007 = arith.constant 1 : i32
    %scan3A_1008 = scf.for %scan3A_1014 = %scan3A_1004 to %scan3A_1006 step %scan3A_1007 iter_args(%scan3A_1015 = %scan3A_1003) -> (i32)  : i32 {
      %broadcast_in_dim3A_1016 = arith.constant 0 : i32
      %broadcast_in_dim3A_1017 = vector.broadcast %broadcast_in_dim3A_1016 : i32 to vector<16xi32>
      %while3A = arith.constant 0 : i32
      %while3A_1018 = arith.subi %squeeze3A_997, %while3A : i32
      %while3A_1019 = arith.addi %while3A, %while3A_1018 : i32
      %while3A_1020 = arith.constant 1 : i32
      %while3A_1021 = arith.divsi %while3A_1018, %while3A_1020 : i32
      %while3A_1022 = arith.muli %while3A_1021, %while3A_1020 : i32
      %while3A_1023 = arith.addi %while3A, %while3A_1022 : i32
      %while3A_1024 = arith.constant 1 : i32
      %while3A_1025:2 = scf.for %while3A_1199 = %while3A to %while3A_1023 step %while3A_1024 iter_args(%while3A_1200 = %broadcast_in_dim3A_516, %while3A_1201 = %broadcast_in_dim3A_1017) -> (vector<16xf32>, vector<16xi32>)  : i32 {
        %mul3A_1202 = arith.constant 16 : i32
        %mul3A_1203 = arith.muli %while3A_1199, %mul3A_1202 : i32
        %get3A = arith.index_cast %mul3A_1203 : i32 to index
        %get3A_1204 = tpu.vector_load %arg7[%get3A] {strides = array<i32>} : memref<2064xf32, #tpu.memory_space<vmem>>, vector<16xf32>,
        %mul3A_1205 = arith.constant 16 : i32
        %mul3A_1206 = arith.muli %while3A_1199, %mul3A_1205 : i32
        %add3A_1207 = vector.broadcast %mul3A_1206 : i32 to vector<16xi32>
        %add3A_1208 = arith.addi %iota3A_514, %add3A_1207 : vector<16xi32>
        %gt3A_1209 = arith.cmpf ogt, %get3A_1204, %while3A_1200 : vector<16xf32>
        %select_n3A_1210 = arith.select %gt3A_1209, %get3A_1204, %while3A_1200 : vector<16xi1>, vector<16xf32>
        %select_n3A_1211 = arith.select %gt3A_1209, %add3A_1208, %while3A_1201 : vector<16xi1>, vector<16xi32>
        scf.yield %select_n3A_1210, %select_n3A_1211 : vector<16xf32>, vector<16xi32>
      }
      %while3A_1026 = arith.constant 1 : i32
      %while3A_1027:2 = scf.for %while3A_1199 = %while3A_1023 to %while3A_1019 step %while3A_1026 iter_args(%while3A_1200 = %while3A_1025#0, %while3A_1201 = %while3A_1025#1) -> (vector<16xf32>, vector<16xi32>)  : i32 {
        %mul3A_1202 = arith.constant 16 : i32
        %mul3A_1203 = arith.muli %while3A_1199, %mul3A_1202 : i32
        %get3A = arith.index_cast %mul3A_1203 : i32 to index
        %get3A_1204 = tpu.vector_load %arg7[%get3A] {strides = array<i32>} : memref<2064xf32, #tpu.memory_space<vmem>>, vector<16xf32>,
        %mul3A_1205 = arith.constant 16 : i32
        %mul3A_1206 = arith.muli %while3A_1199, %mul3A_1205 : i32
        %add3A_1207 = vector.broadcast %mul3A_1206 : i32 to vector<16xi32>
        %add3A_1208 = arith.addi %iota3A_514, %add3A_1207 : vector<16xi32>
        %gt3A_1209 = arith.cmpf ogt, %get3A_1204, %while3A_1200 : vector<16xf32>
        %select_n3A_1210 = arith.select %gt3A_1209, %get3A_1204, %while3A_1200 : vector<16xi1>, vector<16xf32>
        %select_n3A_1211 = arith.select %gt3A_1209, %add3A_1208, %while3A_1201 : vector<16xi1>, vector<16xi32>
        scf.yield %select_n3A_1210, %select_n3A_1211 : vector<16xf32>, vector<16xi32>
      }
      %gather3A_1028 = tpu.vector_load_idx %arg8[%while3A_1027#1] : memref<2064xi32, #tpu.memory_space<vmem>>[vector<16xi32>], vector<16xi32>,
      %gt3A = arith.cmpf ogt, %while3A_1027#0, %broadcast_in_dim3A_516 : vector<16xf32>
      %select_n3A_1029 = arith.select %gt3A, %gather3A_1028, %broadcast_in_dim3A_1002 : vector<16xi1>, vector<16xi32>
      %xor3A_1030 = arith.constant 1 : i32
      %xor3A_1031 = vector.broadcast %xor3A_1030 : i32 to vector<16xi32>
      %xor3A_1032 = arith.xori %iota3A_514, %xor3A_1031 : vector<16xi32>
      %lt3A_1033 = arith.constant 0 : i32
      %lt3A_1034 = vector.broadcast %lt3A_1033 : i32 to vector<16xi32>
      %lt3A_1035 = arith.cmpi slt, %xor3A_1032, %lt3A_1034 : vector<16xi32>
      %add3A_1036 = arith.constant 16 : i32
      %add3A_1037 = vector.broadcast %add3A_1036 : i32 to vector<16xi32>
      %add3A_1038 = arith.addi %xor3A_1032, %add3A_1037 : vector<16xi32>
      %select_n3A_1039 = arith.select %lt3A_1035, %add3A_1038, %xor3A_1032 : vector<16xi1>, vector<16xi32>
      %reshape3A_1040 = vector.shape_cast %select_n3A_1039 : vector<16xi32> to vector<16x1xi32>
      %gather3A_1041 = vector.shape_cast %reshape3A_1040 : vector<16x1xi32> to vector<16xi32>
      %gather3A_1042 = tpu.dynamic_gather %while3A_1027#0[%gather3A_1041] in [0] : vector<16xf32>, vector<16xi32> -> vector<16xf32>
      %lt3A_1043 = arith.constant 0 : i32
      %lt3A_1044 = vector.broadcast %lt3A_1043 : i32 to vector<16xi32>
      %lt3A_1045 = arith.cmpi slt, %xor3A_1032, %lt3A_1044 : vector<16xi32>
      %add3A_1046 = arith.constant 16 : i32
      %add3A_1047 = vector.broadcast %add3A_1046 : i32 to vector<16xi32>
      %add3A_1048 = arith.addi %xor3A_1032, %add3A_1047 : vector<16xi32>
      %select_n3A_1049 = arith.select %lt3A_1045, %add3A_1048, %xor3A_1032 : vector<16xi1>, vector<16xi32>
      %reshape3A_1050 = vector.shape_cast %select_n3A_1049 : vector<16xi32> to vector<16x1xi32>
      %gather3A_1051 = vector.shape_cast %reshape3A_1050 : vector<16x1xi32> to vector<16xi32>
      %gather3A_1052 = tpu.dynamic_gather %select_n3A_1029[%gather3A_1051] in [0] : vector<16xi32>, vector<16xi32> -> vector<16xi32>
      %lt3A_1053 = arith.constant 0 : i32
      %lt3A_1054 = vector.broadcast %lt3A_1053 : i32 to vector<16xi32>
      %lt3A_1055 = arith.cmpi slt, %xor3A_1032, %lt3A_1054 : vector<16xi32>
      %add3A_1056 = arith.constant 16 : i32
      %add3A_1057 = vector.broadcast %add3A_1056 : i32 to vector<16xi32>
      %add3A_1058 = arith.addi %xor3A_1032, %add3A_1057 : vector<16xi32>
      %select_n3A_1059 = arith.select %lt3A_1055, %add3A_1058, %xor3A_1032 : vector<16xi1>, vector<16xi32>
      %reshape3A_1060 = vector.shape_cast %select_n3A_1059 : vector<16xi32> to vector<16x1xi32>
      %gather3A_1061 = vector.shape_cast %reshape3A_1060 : vector<16x1xi32> to vector<16xi32>
      %gather3A_1062 = tpu.dynamic_gather %while3A_1027#1[%gather3A_1061] in [0] : vector<16xi32>, vector<16xi32> -> vector<16xi32>
      %gt3A_1063 = arith.cmpf ogt, %gather3A_1042, %while3A_1027#0 : vector<16xf32>
      %eq3A_1064 = arith.cmpf oeq, %gather3A_1042, %while3A_1027#0 : vector<16xf32>
      %lt3A_1065 = arith.cmpi slt, %gather3A_1052, %select_n3A_1029 : vector<16xi32>
      %and3A = arith.andi %eq3A_1064, %lt3A_1065 : vector<16xi1>
      %or3A = arith.ori %gt3A_1063, %and3A : vector<16xi1>
      %select_n3A_1066 = arith.select %or3A, %gather3A_1042, %while3A_1027#0 : vector<16xi1>, vector<16xf32>
      %select_n3A_1067 = arith.select %or3A, %gather3A_1052, %select_n3A_1029 : vector<16xi1>, vector<16xi32>
      %select_n3A_1068 = arith.select %or3A, %gather3A_1062, %while3A_1027#1 : vector<16xi1>, vector<16xi32>
      %xor3A_1069 = arith.constant 2 : i32
      %xor3A_1070 = vector.broadcast %xor3A_1069 : i32 to vector<16xi32>
      %xor3A_1071 = arith.xori %iota3A_514, %xor3A_1070 : vector<16xi32>
      %lt3A_1072 = arith.constant 0 : i32
      %lt3A_1073 = vector.broadcast %lt3A_1072 : i32 to vector<16xi32>
      %lt3A_1074 = arith.cmpi slt, %xor3A_1071, %lt3A_1073 : vector<16xi32>
      %add3A_1075 = arith.constant 16 : i32
      %add3A_1076 = vector.broadcast %add3A_1075 : i32 to vector<16xi32>
      %add3A_1077 = arith.addi %xor3A_1071, %add3A_1076 : vector<16xi32>
      %select_n3A_1078 = arith.select %lt3A_1074, %add3A_1077, %xor3A_1071 : vector<16xi1>, vector<16xi32>
      %reshape3A_1079 = vector.shape_cast %select_n3A_1078 : vector<16xi32> to vector<16x1xi32>
      %gather3A_1080 = vector.shape_cast %reshape3A_1079 : vector<16x1xi32> to vector<16xi32>
      %gather3A_1081 = tpu.dynamic_gather %select_n3A_1066[%gather3A_1080] in [0] : vector<16xf32>, vector<16xi32> -> vector<16xf32>
      %lt3A_1082 = arith.constant 0 : i32
      %lt3A_1083 = vector.broadcast %lt3A_1082 : i32 to vector<16xi32>
      %lt3A_1084 = arith.cmpi slt, %xor3A_1071, %lt3A_1083 : vector<16xi32>
      %add3A_1085 = arith.constant 16 : i32
      %add3A_1086 = vector.broadcast %add3A_1085 : i32 to vector<16xi32>
      %add3A_1087 = arith.addi %xor3A_1071, %add3A_1086 : vector<16xi32>
      %select_n3A_1088 = arith.select %lt3A_1084, %add3A_1087, %xor3A_1071 : vector<16xi1>, vector<16xi32>
      %reshape3A_1089 = vector.shape_cast %select_n3A_1088 : vector<16xi32> to vector<16x1xi32>
      %gather3A_1090 = vector.shape_cast %reshape3A_1089 : vector<16x1xi32> to vector<16xi32>
      %gather3A_1091 = tpu.dynamic_gather %select_n3A_1067[%gather3A_1090] in [0] : vector<16xi32>, vector<16xi32> -> vector<16xi32>
      %lt3A_1092 = arith.constant 0 : i32
      %lt3A_1093 = vector.broadcast %lt3A_1092 : i32 to vector<16xi32>
      %lt3A_1094 = arith.cmpi slt, %xor3A_1071, %lt3A_1093 : vector<16xi32>
      %add3A_1095 = arith.constant 16 : i32
      %add3A_1096 = vector.broadcast %add3A_1095 : i32 to vector<16xi32>
      %add3A_1097 = arith.addi %xor3A_1071, %add3A_1096 : vector<16xi32>
      %select_n3A_1098 = arith.select %lt3A_1094, %add3A_1097, %xor3A_1071 : vector<16xi1>, vector<16xi32>
      %reshape3A_1099 = vector.shape_cast %select_n3A_1098 : vector<16xi32> to vector<16x1xi32>
      %gather3A_1100 = vector.shape_cast %reshape3A_1099 : vector<16x1xi32> to vector<16xi32>
      %gather3A_1101 = tpu.dynamic_gather %select_n3A_1068[%gather3A_1100] in [0] : vector<16xi32>, vector<16xi32> -> vector<16xi32>
      %gt3A_1102 = arith.cmpf ogt, %gather3A_1081, %select_n3A_1066 : vector<16xf32>
      %eq3A_1103 = arith.cmpf oeq, %gather3A_1081, %select_n3A_1066 : vector<16xf32>
      %lt3A_1104 = arith.cmpi slt, %gather3A_1091, %select_n3A_1067 : vector<16xi32>
      %and3A_1105 = arith.andi %eq3A_1103, %lt3A_1104 : vector<16xi1>
      %or3A_1106 = arith.ori %gt3A_1102, %and3A_1105 : vector<16xi1>
      %select_n3A_1107 = arith.select %or3A_1106, %gather3A_1081, %select_n3A_1066 : vector<16xi1>, vector<16xf32>
      %select_n3A_1108 = arith.select %or3A_1106, %gather3A_1091, %select_n3A_1067 : vector<16xi1>, vector<16xi32>
      %select_n3A_1109 = arith.select %or3A_1106, %gather3A_1101, %select_n3A_1068 : vector<16xi1>, vector<16xi32>
      %xor3A_1110 = arith.constant 4 : i32
      %xor3A_1111 = vector.broadcast %xor3A_1110 : i32 to vector<16xi32>
      %xor3A_1112 = arith.xori %iota3A_514, %xor3A_1111 : vector<16xi32>
      %lt3A_1113 = arith.constant 0 : i32
      %lt3A_1114 = vector.broadcast %lt3A_1113 : i32 to vector<16xi32>
      %lt3A_1115 = arith.cmpi slt, %xor3A_1112, %lt3A_1114 : vector<16xi32>
      %add3A_1116 = arith.constant 16 : i32
      %add3A_1117 = vector.broadcast %add3A_1116 : i32 to vector<16xi32>
      %add3A_1118 = arith.addi %xor3A_1112, %add3A_1117 : vector<16xi32>
      %select_n3A_1119 = arith.select %lt3A_1115, %add3A_1118, %xor3A_1112 : vector<16xi1>, vector<16xi32>
      %reshape3A_1120 = vector.shape_cast %select_n3A_1119 : vector<16xi32> to vector<16x1xi32>
      %gather3A_1121 = vector.shape_cast %reshape3A_1120 : vector<16x1xi32> to vector<16xi32>
      %gather3A_1122 = tpu.dynamic_gather %select_n3A_1107[%gather3A_1121] in [0] : vector<16xf32>, vector<16xi32> -> vector<16xf32>
      %lt3A_1123 = arith.constant 0 : i32
      %lt3A_1124 = vector.broadcast %lt3A_1123 : i32 to vector<16xi32>
      %lt3A_1125 = arith.cmpi slt, %xor3A_1112, %lt3A_1124 : vector<16xi32>
      %add3A_1126 = arith.constant 16 : i32
      %add3A_1127 = vector.broadcast %add3A_1126 : i32 to vector<16xi32>
      %add3A_1128 = arith.addi %xor3A_1112, %add3A_1127 : vector<16xi32>
      %select_n3A_1129 = arith.select %lt3A_1125, %add3A_1128, %xor3A_1112 : vector<16xi1>, vector<16xi32>
      %reshape3A_1130 = vector.shape_cast %select_n3A_1129 : vector<16xi32> to vector<16x1xi32>
      %gather3A_1131 = vector.shape_cast %reshape3A_1130 : vector<16x1xi32> to vector<16xi32>
      %gather3A_1132 = tpu.dynamic_gather %select_n3A_1108[%gather3A_1131] in [0] : vector<16xi32>, vector<16xi32> -> vector<16xi32>
      %lt3A_1133 = arith.constant 0 : i32
      %lt3A_1134 = vector.broadcast %lt3A_1133 : i32 to vector<16xi32>
      %lt3A_1135 = arith.cmpi slt, %xor3A_1112, %lt3A_1134 : vector<16xi32>
      %add3A_1136 = arith.constant 16 : i32
      %add3A_1137 = vector.broadcast %add3A_1136 : i32 to vector<16xi32>
      %add3A_1138 = arith.addi %xor3A_1112, %add3A_1137 : vector<16xi32>
      %select_n3A_1139 = arith.select %lt3A_1135, %add3A_1138, %xor3A_1112 : vector<16xi1>, vector<16xi32>
      %reshape3A_1140 = vector.shape_cast %select_n3A_1139 : vector<16xi32> to vector<16x1xi32>
      %gather3A_1141 = vector.shape_cast %reshape3A_1140 : vector<16x1xi32> to vector<16xi32>
      %gather3A_1142 = tpu.dynamic_gather %select_n3A_1109[%gather3A_1141] in [0] : vector<16xi32>, vector<16xi32> -> vector<16xi32>
      %gt3A_1143 = arith.cmpf ogt, %gather3A_1122, %select_n3A_1107 : vector<16xf32>
      %eq3A_1144 = arith.cmpf oeq, %gather3A_1122, %select_n3A_1107 : vector<16xf32>
      %lt3A_1145 = arith.cmpi slt, %gather3A_1132, %select_n3A_1108 : vector<16xi32>
      %and3A_1146 = arith.andi %eq3A_1144, %lt3A_1145 : vector<16xi1>
      %or3A_1147 = arith.ori %gt3A_1143, %and3A_1146 : vector<16xi1>
      %select_n3A_1148 = arith.select %or3A_1147, %gather3A_1122, %select_n3A_1107 : vector<16xi1>, vector<16xf32>
      %select_n3A_1149 = arith.select %or3A_1147, %gather3A_1132, %select_n3A_1108 : vector<16xi1>, vector<16xi32>
      %select_n3A_1150 = arith.select %or3A_1147, %gather3A_1142, %select_n3A_1109 : vector<16xi1>, vector<16xi32>
      %xor3A_1151 = arith.constant 8 : i32
      %xor3A_1152 = vector.broadcast %xor3A_1151 : i32 to vector<16xi32>
      %xor3A_1153 = arith.xori %iota3A_514, %xor3A_1152 : vector<16xi32>
      %lt3A_1154 = arith.constant 0 : i32
      %lt3A_1155 = vector.broadcast %lt3A_1154 : i32 to vector<16xi32>
      %lt3A_1156 = arith.cmpi slt, %xor3A_1153, %lt3A_1155 : vector<16xi32>
      %add3A_1157 = arith.constant 16 : i32
      %add3A_1158 = vector.broadcast %add3A_1157 : i32 to vector<16xi32>
      %add3A_1159 = arith.addi %xor3A_1153, %add3A_1158 : vector<16xi32>
      %select_n3A_1160 = arith.select %lt3A_1156, %add3A_1159, %xor3A_1153 : vector<16xi1>, vector<16xi32>
      %reshape3A_1161 = vector.shape_cast %select_n3A_1160 : vector<16xi32> to vector<16x1xi32>
      %gather3A_1162 = vector.shape_cast %reshape3A_1161 : vector<16x1xi32> to vector<16xi32>
      %gather3A_1163 = tpu.dynamic_gather %select_n3A_1148[%gather3A_1162] in [0] : vector<16xf32>, vector<16xi32> -> vector<16xf32>
      %lt3A_1164 = arith.constant 0 : i32
      %lt3A_1165 = vector.broadcast %lt3A_1164 : i32 to vector<16xi32>
      %lt3A_1166 = arith.cmpi slt, %xor3A_1153, %lt3A_1165 : vector<16xi32>
      %add3A_1167 = arith.constant 16 : i32
      %add3A_1168 = vector.broadcast %add3A_1167 : i32 to vector<16xi32>
      %add3A_1169 = arith.addi %xor3A_1153, %add3A_1168 : vector<16xi32>
      %select_n3A_1170 = arith.select %lt3A_1166, %add3A_1169, %xor3A_1153 : vector<16xi1>, vector<16xi32>
      %reshape3A_1171 = vector.shape_cast %select_n3A_1170 : vector<16xi32> to vector<16x1xi32>
      %gather3A_1172 = vector.shape_cast %reshape3A_1171 : vector<16x1xi32> to vector<16xi32>
      %gather3A_1173 = tpu.dynamic_gather %select_n3A_1149[%gather3A_1172] in [0] : vector<16xi32>, vector<16xi32> -> vector<16xi32>
      %lt3A_1174 = arith.constant 0 : i32
      %lt3A_1175 = vector.broadcast %lt3A_1174 : i32 to vector<16xi32>
      %lt3A_1176 = arith.cmpi slt, %xor3A_1153, %lt3A_1175 : vector<16xi32>
      %add3A_1177 = arith.constant 16 : i32
      %add3A_1178 = vector.broadcast %add3A_1177 : i32 to vector<16xi32>
      %add3A_1179 = arith.addi %xor3A_1153, %add3A_1178 : vector<16xi32>
      %select_n3A_1180 = arith.select %lt3A_1176, %add3A_1179, %xor3A_1153 : vector<16xi1>, vector<16xi32>
      %reshape3A_1181 = vector.shape_cast %select_n3A_1180 : vector<16xi32> to vector<16x1xi32>
      %gather3A_1182 = vector.shape_cast %reshape3A_1181 : vector<16x1xi32> to vector<16xi32>
      %gather3A_1183 = tpu.dynamic_gather %select_n3A_1150[%gather3A_1182] in [0] : vector<16xi32>, vector<16xi32> -> vector<16xi32>
      %gt3A_1184 = arith.cmpf ogt, %gather3A_1163, %select_n3A_1148 : vector<16xf32>
      %eq3A_1185 = arith.cmpf oeq, %gather3A_1163, %select_n3A_1148 : vector<16xf32>
      %lt3A_1186 = arith.cmpi slt, %gather3A_1173, %select_n3A_1149 : vector<16xi32>
      %and3A_1187 = arith.andi %eq3A_1185, %lt3A_1186 : vector<16xi1>
      %or3A_1188 = arith.ori %gt3A_1184, %and3A_1187 : vector<16xi1>
      %select_n3A_1189 = arith.select %or3A_1188, %gather3A_1163, %select_n3A_1148 : vector<16xi1>, vector<16xf32>
      %select_n3A_1190 = arith.select %or3A_1188, %gather3A_1173, %select_n3A_1149 : vector<16xi1>, vector<16xi32>
      %select_n3A_1191 = arith.select %or3A_1188, %gather3A_1183, %select_n3A_1150 : vector<16xi1>, vector<16xi32>
      %broadcast_in_dim3A_1192 = vector.broadcast %scan3A_1014 : i32 to vector<16xi32>
      %add3A_1193 = arith.constant 64 : i32
      %add3A_1194 = vector.broadcast %add3A_1193 : i32 to vector<16xi32>
      %add3A_1195 = arith.addi %add3A_1194, %iota3A_514 : vector<16xi32>
      %select_n3A_1196 = arith.select %eq3A_1000, %broadcast_in_dim3A_1192, %add3A_1195 : vector<16xi1>, vector<16xi32>
      tpu.vector_store_idx %arg9[%select_n3A_1196], %select_n3A_1189 : memref<80xf32, #tpu.memory_space<vmem>>[vector<16xi32>], vector<16xf32>,
      tpu.vector_store_idx %arg10[%select_n3A_1196], %select_n3A_1190 : memref<80xi32, #tpu.memory_space<vmem>>[vector<16xi32>], vector<16xi32>,
      %select_n3A_1197 = arith.select %eq3A_1000, %select_n3A_1191, %add3A_519 : vector<16xi1>, vector<16xi32>
      tpu.vector_store_idx %arg7[%select_n3A_1197], %broadcast_in_dim3A_516 : memref<2064xf32, #tpu.memory_space<vmem>>[vector<16xi32>], vector<16xf32>,
      %scan3A_1198 = arith.constant 0 : i32
      scf.yield %scan3A_1198 : i32
    }
    %scan3A_1009 = arith.constant 64 : i32
    %mul3A_1010 = arith.constant 64 : i32
    %mul3A_1011 = arith.muli %add3A_507, %mul3A_1010 : i32
    "tpu.region"() ({
      %run_scoped3A = tpu.sem_alloc : memref<!tpu.dma_semaphore, #tpu.memory_space<semaphore_mem>>
      %dma_start3A_1014 = arith.constant 0 : i32
      %dma_start3A_1015 = tpu.memref_slice %arg9[%dma_start3A_1014] : memref<80xf32, #tpu.memory_space<vmem>> -> memref<64xf32, #tpu.memory_space<vmem>>
      %dma_start3A_1016 = tpu.memref_slice %arg4[%mul3A_1011] : memref<4096xf32, #tpu.memory_space<hbm>> -> memref<64xf32, #tpu.memory_space<hbm>>
      %dma_start3A_1017 = tpu.memref_slice %arg4[%mul3A_1011] : memref<4096xf32, #tpu.memory_space<hbm>> -> memref<64xf32, #tpu.memory_space<hbm>>
      %dma_start3A_1018 = arith.constant 0 : i32
      %dma_start3A_1019 = tpu.memref_slice %arg9[%dma_start3A_1018] : memref<80xf32, #tpu.memory_space<vmem>> -> memref<64xf32, #tpu.memory_space<vmem>>
      tpu.enqueue_dma source(%dma_start3A_1019 : memref<64xf32, #tpu.memory_space<vmem>>) target(%dma_start3A_1017 : memref<64xf32, #tpu.memory_space<hbm>>) target_semaphore(%run_scoped3A : memref<!tpu.dma_semaphore, #tpu.memory_space<semaphore_mem>>)
      %dma_wait3A_1020 = arith.constant 0 : i32
      %dma_wait3A_1021 = tpu.memref_slice %arg9[%dma_wait3A_1020] : memref<80xf32, #tpu.memory_space<vmem>> -> memref<64xf32, #tpu.memory_space<vmem>>
      %dma_wait3A_1022 = tpu.memref_slice %arg4[%mul3A_1011] : memref<4096xf32, #tpu.memory_space<hbm>> -> memref<64xf32, #tpu.memory_space<hbm>>
      %dma_wait3A_1023 = tpu.memref_slice %arg4[%mul3A_1011] : memref<4096xf32, #tpu.memory_space<hbm>> -> memref<64xf32, #tpu.memory_space<hbm>>
      %dma_wait3A_1024 = arith.constant 0 : i32
      %dma_wait3A_1025 = tpu.memref_slice %arg9[%dma_wait3A_1024] : memref<80xf32, #tpu.memory_space<vmem>> -> memref<64xf32, #tpu.memory_space<vmem>>
      tpu.wait_dma2 semaphore(%run_scoped3A : memref<!tpu.dma_semaphore, #tpu.memory_space<semaphore_mem>>) src(%dma_wait3A_1025 : memref<64xf32, #tpu.memory_space<vmem>>) dst(%dma_wait3A_1023 : memref<64xf32, #tpu.memory_space<hbm>>)
      tpu.yield
    }) : () -> ()
    %mul3A_1012 = arith.constant 64 : i32
    %mul3A_1013 = arith.muli %add3A_507, %mul3A_1012 : i32
    "tpu.region"() ({
      %run_scoped3A = tpu.sem_alloc : memref<!tpu.dma_semaphore, #tpu.memory_space<semaphore_mem>>
      %dma_start3A_1014 = arith.constant 0 : i32
      %dma_start3A_1015 = tpu.memref_slice %arg10[%dma_start3A_1014] : memref<80xi32, #tpu.memory_space<vmem>> -> memref<64xi32, #tpu.memory_space<vmem>>
      %dma_start3A_1016 = tpu.memref_slice %arg3[%mul3A_1013] : memref<4096xi32, #tpu.memory_space<hbm>> -> memref<64xi32, #tpu.memory_space<hbm>>
      %dma_start3A_1017 = tpu.memref_slice %arg3[%mul3A_1013] : memref<4096xi32, #tpu.memory_space<hbm>> -> memref<64xi32, #tpu.memory_space<hbm>>
      %dma_start3A_1018 = arith.constant 0 : i32
      %dma_start3A_1019 = tpu.memref_slice %arg10[%dma_start3A_1018] : memref<80xi32, #tpu.memory_space<vmem>> -> memref<64xi32, #tpu.memory_space<vmem>>
      tpu.enqueue_dma source(%dma_start3A_1019 : memref<64xi32, #tpu.memory_space<vmem>>) target(%dma_start3A_1017 : memref<64xi32, #tpu.memory_space<hbm>>) target_semaphore(%run_scoped3A : memref<!tpu.dma_semaphore, #tpu.memory_space<semaphore_mem>>)
      %dma_wait3A_1020 = arith.constant 0 : i32
      %dma_wait3A_1021 = tpu.memref_slice %arg10[%dma_wait3A_1020] : memref<80xi32, #tpu.memory_space<vmem>> -> memref<64xi32, #tpu.memory_space<vmem>>
      %dma_wait3A_1022 = tpu.memref_slice %arg3[%mul3A_1013] : memref<4096xi32, #tpu.memory_space<hbm>> -> memref<64xi32, #tpu.memory_space<hbm>>
      %dma_wait3A_1023 = tpu.memref_slice %arg3[%mul3A_1013] : memref<4096xi32, #tpu.memory_space<hbm>> -> memref<64xi32, #tpu.memory_space<hbm>>
      %dma_wait3A_1024 = arith.constant 0 : i32
      %dma_wait3A_1025 = tpu.memref_slice %arg10[%dma_wait3A_1024] : memref<80xi32, #tpu.memory_space<vmem>> -> memref<64xi32, #tpu.memory_space<vmem>>
      tpu.wait_dma2 semaphore(%run_scoped3A : memref<!tpu.dma_semaphore, #tpu.memory_space<semaphore_mem>>) src(%dma_wait3A_1025 : memref<64xi32, #tpu.memory_space<vmem>>) dst(%dma_wait3A_1023 : memref<64xi32, #tpu.memory_space<hbm>>)
      tpu.yield
    }) : () -> ()
    return
  }
}

</mosaic_0001>

<sc_bundles>
// kernel: kernel.3.cloned.1.call-start
scs
__scs_entry_jumppad:
0x0: {  	(pc) =	sbr.rel $0x88, $3  }
0x1: {  	(tag) =	ssettag $0x0;
	lr =	simm.s32 $0x1  }
0x2: {  	[smem:$0x3FA0] =	sst lr;
	_ =	strace $0xD0000000  }
0x3: {  	_ = 	snop  }
0x4: {  	_ = 	snop  }
0x5: {  	_ = 	snop  }
0x6: {  	_ = 	snop  }
0x7: {  	_ = 	snop  }
__scs_overlays_trampoline_lowered:
0x8: {  	[smem:$0x3FAF] =	sst s0  }
0x9: {  	[smem:$0x3FB0] =	sst s1  }
0xa: {  	[smem:$0x3FB1] =	sst s2  }
0xb: {  	[smem:$0x3FB2] =	sst s3  }
0xc: {  	[smem:$0x3FB3] =	sst s4  }
0xd: {  	[smem:$0x3FB4] =	sst s5  }
0xe: {  	[smem:$0x3FB5] =	sst s6  }
0xf: {  	[smem:$0x3FB6] =	sst s7  }
0x10: {  	[smem:$0x3FB7] =	sst s8  }
0x11: {  	[smem:$0x3FB8] =	sst s9;
	s0 =	simm.s32 @!p0 $0x0  }
0x12: {  	s1 =	sld [smem:$0x3F9E];
	s0 =	simm.s32 @p0 $0x1  }
0x13: {  	[smem:$0x3FB9] =	sst s0;
	s0 =	simm.s32 @!p1 $0x0  }
0x14: {  	s2 =	sld [smem:$0x3F9D];
	s0 =	simm.s32 @p1 $0x1  }
0x15: {  	[smem:$0x3FBA] =	sst s0;
	s0 =	simm.s32 @!p2 $0x0  }
0x16: {  	s3 =	sld [smem:$0x3FDB];
	s0 =	simm.s32 @p2 $0x1  }
0x17: {  	s4 =	simm.s32 $0x1BF5;
	[smem:$0x3FBC] =	sst s0  }
0x18: {  	s0 =	sld [smem:$0x3F9F];
	_ =	swait.ge [sflag:s4], $0x0  }
0x19: {  	s7 =	sld [smem:$0x3FA0]  }
0x1a: {  	s8 =	sadd.s32 $0xFFFFE003, lr  }
0x1b: {  	s9 =	sadd.s32 $0xFFFFFEF7, lr;
	s5 =	simm.s32 $0xFFFFFFFF;
	p2 =	slt.u32 s8, $0xFFFFF086  }
0x1c: {  	p1 =	slt.u32 s9, $0xF7A;
	s5 =	simm.s32 @!p2 $0x0  }
0x1d: {  	s5 =	simm.s32 @p1 $0x1;
	p0 =	seq.s32 s7, s2  }
0x1e: {  	s7 =	smul.u32 @!p0 $0xF7A, s2;
	p2 =	seq.s32 @!p0 s5, $0x0  }
0x1f: {  	s9 =	smul.u32 $0xF7A, s1;
	s8 =	simm.s32 @!p0 $0x1BF5;
	p2 =	por !p2, p0  }
0x20: {  	[sflag:s8] =	ssyncset.s32 @!p0 $0xFFFFF086;
	s6 =	sadd.s32 @!p0 s3, s7;
	s7 =	simm.s32 @!p0 $0x108  }
0x21: {  	s3 =	sadd.s32 s3, s9;
	s6 =	sadd.s32 @!p0 $0x88, s6;
	s7 =	simm.s32 @p2 $0x1082  }
0x22: {  	[simem:s7], [sflag:s8] =	dma.local @!p0 [hbm:s6], $0xF7A  }
0x23: {  	s9 =	sor.u32 $0xD0000000, s2;
	s6 =	simm.s32 $0x108;
	_ =	swait.ge @!p0 [sflag:s8], $0x0  }
0x24: {  	s3 =	sadd.s32 $0x88, s3;
	s6 =	simm.s32 @!p1 $0x1082;
	[sflag:s4] =	ssyncset.s32 $0xFFFFF086  }
0x25: {  	[simem:s6], [sflag:s4] =	dma.local [hbm:s3], $0xF7A  }
0x26: {  	[smem:$0x3FA0] =	sst s1;
	(tag) =	ssettag s2;
	_ =	strace s9  }
0x27: {  	s1 =	sld [smem:$0x3FB0]  }
0x28: {  	s2 =	sld [smem:$0x3FB1]  }
0x29: {  	s4 =	sld [smem:$0x3FB3]  }
0x2a: {  	p0 =	seq.s32 s5, $0x0;
	s5 =	sld [smem:$0x3FB4]  }
0x2b: {  	s6 =	sld [smem:$0x3FB5]  }
0x2c: {  	s7 =	sld [smem:$0x3FB6]  }
0x2d: {  	s3 =	simm.s32 $0x108;
	s8 =	sld [smem:$0x3FB7]  }
0x2e: {  	s3 =	simm.s32 @!p0 $0x1082;
	s9 =	sld [smem:$0x3FB8]  }
0x2f: {  	lr =	sadd.s32 s0, s3;
	s0 =	sld [smem:$0x3FAF]  }
0x30: {  	s3 =	sld [smem:$0x3FB2]  }
0x31: {  	[smem:$0x3FBB] =	sst s10  }
0x32: {  	s10 =	sld [smem:$0x3FB9];
	_ =	sdelay $0x3  }
0x33: {  	p0 =	seq.s32 s10, $0x1;
	s10 =	sld [smem:$0x3FBB];
	_ =	sdelay $0x3  }
0x34: {  	[smem:$0x3FBB] =	sst s10  }
0x35: {  	s10 =	sld [smem:$0x3FBA];
	_ =	sdelay $0x3  }
0x36: {  	p1 =	seq.s32 s10, $0x1;
	s10 =	sld [smem:$0x3FBB];
	_ =	sdelay $0x3  }
0x37: {  	[smem:$0x3FBB] =	sst s10  }
0x38: {  	s10 =	sld [smem:$0x3FBC]  }
0x39: {  	_ = 	snop;
	(pc) =	sbr.ind lr, $3  }
0x3a: {  	_ = 	snop  }
0x3b: {  	_ = 	snop  }
0x3c: {  	p2 =	seq.s32 s10, $0x1;
	s10 =	sld [smem:$0x3FBB]  }
0x3d: {  	_ =	shalt  }
0x3e: {  	_ =	shalt  }
0x3f: {  	_ =	shalt  }
0x40: {  	_ =	shalt  }
0x41: {  	_ =	shalt  }
0x42: {  	_ =	shalt  }
0x43: {  	_ =	shalt  }
0x44: {  	_ =	shalt  }
0x45: {  	_ =	shalt  }
0x46: {  	_ =	shalt  }
0x47: {  	_ =	shalt  }
0x48: {  	_ =	shalt  }
0x49: {  	_ =	shalt  }
0x4a: {  	_ =	shalt  }
0x4b: {  	_ =	shalt  }
0x4c: {  	_ =	shalt  }
0x4d: {  	_ =	shalt  }
0x4e: {  	_ =	shalt  }
0x4f: {  	_ =	shalt  }
0x50: {  	_ =	shalt  }
0x51: {  	_ =	shalt  }
0x52: {  	_ =	shalt  }
0x53: {  	_ =	shalt  }
0x54: {  	_ =	shalt  }
0x55: {  	_ =	shalt  }
0x56: {  	_ =	shalt  }
0x57: {  	_ =	shalt  }
0x58: {  	_ =	shalt  }
0x59: {  	_ =	shalt  }
0x5a: {  	_ =	shalt  }
0x5b: {  	_ =	shalt  }
0x5c: {  	_ =	shalt  }
0x5d: {  	_ =	shalt  }
0x5e: {  	_ =	shalt  }
0x5f: {  	_ =	shalt  }
0x60: {  	_ =	shalt  }
0x61: {  	_ =	shalt  }
0x62: {  	_ =	shalt  }
0x63: {  	_ =	shalt  }
0x64: {  	_ =	shalt  }
0x65: {  	_ =	shalt  }
0x66: {  	_ =	shalt  }
0x67: {  	_ =	shalt  }
0x68: {  	_ =	shalt  }
0x69: {  	_ =	shalt  }
0x6a: {  	_ =	shalt  }
0x6b: {  	_ =	shalt  }
0x6c: {  	_ =	shalt  }
0x6d: {  	_ =	shalt  }
0x6e: {  	_ =	shalt  }
0x6f: {  	_ =	shalt  }
0x70: {  	_ =	shalt  }
0x71: {  	_ =	shalt  }
0x72: {  	_ =	shalt  }
0x73: {  	_ =	shalt  }
0x74: {  	_ =	shalt  }
0x75: {  	_ =	shalt  }
0x76: {  	_ =	shalt  }
0x77: {  	_ =	shalt  }
0x78: {  	_ =	shalt  }
0x79: {  	_ =	shalt  }
0x7a: {  	_ =	shalt  }
0x7b: {  	_ =	shalt  }
0x7c: {  	_ =	shalt  }
0x7d: {  	_ =	shalt  }
0x7e: {  	_ =	shalt  }
0x7f: {  	_ =	shalt  }
0x80: {  	_ =	shalt  }
0x81: {  	_ =	shalt  }
0x82: {  	_ =	shalt  }
0x83: {  	_ =	shalt  }
0x84: {  	_ =	shalt  }
0x85: {  	_ =	shalt  }
0x86: {  	_ =	shalt  }
0x87: {  	_ =	shalt  }
.Lfunc_end0:
.L_simem_size_0:
called_computation_lowered:
.L_overlay_start_0:
0x88: {  	s2 =	sld [smem:$0x3FD9]  }
0x89: {  	s3 =	sld [smem:$0x3FFE];
	_ =	sdelay $0x1  }
0x8a: {  	s1 =	srdreg.scid  }
0x8b: {  	s0 =	sand.u32 $0x1, s1  }
0x8c: {  	s14 =	sshll.u32 s0, $0xA;
	s2 =	sadd.s32 s3, s2  }
0x8d: {  	s2 =	sadd.s32 s2, s14  }
0x8e: {  	[smem:$0x3FC7] =	sst s2  }
0x8f: {  	_ = 	snop  }
0x90: {  	s2 =	sld [smem:$0x3FD0];
	_ =	sdelay $0x2  }
0x91: {  	s4 =	simm.s32 $0xA;
	s5 =	simm.s32 $0x10;
	s15 =	sld [smem:$0x3FC9]  }
0x92: {  	[smem:s5], [sflag:s4] =	dma.local [hbm:s2], $0x1  }
0x93: {  	_ =	swait.eq [sflag:s4], $0x1  }
0x94: {  	[sflag:s4] =	ssyncset.done $0x0  }
0x95: {  	[sflag:s4] =	ssyncadd.s32 $0xFFFFFFFF  }
0x96: {  	s16 =	sld [smem:$0x11];
	(tm) =	ssettm $0x1  }
0x97: {  	s17 =	sld [smem:$0x3FFB];
	_ =	sdelay $0x3  }
0x98: {  	_ =	strace s17  }
0x99: {  	s4 =	sld [smem:$0x3FFC];
	_ =	sdelay $0x3  }
0x9a: {  	_ =	strace s4  }
0x9b: {  	s4 =	sld [smem:$0x3FFD];
	_ =	sdelay $0x3  }
0x9c: {  	_ =	strace s4  }
0x9d: {  	_ =	strace $0x8FFFFFFF  }
0x9e: {  	s18 =	sld [smem:$0x3FDB];
	_ =	sdelay $0x1  }
0x9f: {  	s19 =	simm.s32 $_scs_section_size  }
0xa0: {  	s6 =	simm.s32 $_size__tile_overlayer_lowered;
	s7 =	simm.s32 $_tile_overlayer_lowered  }
0xa1: {  	s22 =	simm.s32 $0x1BFF;
	s21 =	sshll.u32 s7, $0x1;
	s4 =	sadd.s32 s19, s18  }
0xa2: {  	s8 =	simm.s32 $0x0;
	s20 =	sshll.u32 s6, $0x1;
	s6 =	sadd.s32 s21, s4  }
0xa3: {  	[timem:s8], [sflag:s22] =	dma.local [hbm:s6], s20  }
0xa4: {  	_ =	swait.ge [sflag:s22], s20  }
0xa5: {  	s5 =	ssub.s32 $0x0, s20;
	[sflag:s22] =	ssyncset.done $0x0  }
0xa6: {  	[sflag:s22] =	ssyncadd.s32 s5;
	_ =	sdelay $0x1  }
0xa7: {  	s23 =	simm.s32 $0x1B8B  }
0xa8: {  	_ =	swait.ge [sflag:s23], $0x1  }
0xa9: {  	[sflag:s23] =	ssyncset.done $0x0  }
0xaa: {  	s25 =	simm.s32 $0x1B8E;
	s24 =	sld [smem:$0x3FFE];
	[sflag:s23] =	ssyncadd.s32 $0xFFFFFFFF  }
0xab: {  	s26 =	simm.s32 $execute0_lowered;
	[smem:$0x3FD2] =	sst s25  }
0xac: {  	s6 =	sshll.u32 s26, $0x1;
	_ =	strace $0x80000046;
	[dreg:$0x1] =	wrdreg $0xFFFFFFFF  }
0xad: {  	s28 =	simm.s32 $_size_execute0_lowered;
	s4 =	sadd.s32 s4, s6;
	[dreg:$0x0] =	wrdreg $0x0  }
0xae: {  	s6 =	sshll.u32 s28, $0x1;
	[dreg:$0x2] =	wrdreg s4  }
0xaf: {  	[dreg:$0x3] =	wrdreg s6  }
0xb0: {  	[dreg:$0x4] =	wrdreg $0xC0  }
0xb1: {  	_ =	task [dreg:s8], $0x5FFFF  }
0xb2: {  	[dreg:$0x1] =	wrdreg $0xFFFFFFFF  }
0xb3: {  	[dreg:$0x0] =	wrdreg $0x60  }
0xb4: {  	[dreg:$0x2] =	wrdreg s15  }
0xb5: {  	[dreg:$0x3] =	wrdreg s16  }
0xb6: {  	[dreg:$0x4] =	wrdreg s24  }
0xb7: {  	[dreg:$0x5] =	wrdreg $0x9  }
0xb8: {  	_ =	task.clear_ibuf [dreg:s8], $0x6FFFF;
	_ =	strace $0x90000046  }
0xb9: {  	s29 =	simm.s32 $0x9;
	_ =	strace $0x80000048  }
0xba: {  	_ =	swait.ge [sflag:s29], $0x1  }
0xbb: {  	[sflag:s29] =	ssyncadd.s32 $0xFFFFFFFF  }
0xbc: {  	_ =	strace $0x90000048  }
0xbd: {  	_ =	sfence  }
0xbe: {  	s30 =	sld [smem:$0x0];
	_ =	sdelay $0x2  }
0xbf: {  	s31 =	sshll.u32 s1, $0xD;
	s1 =	sshrl.u32 s1, $0x2  }
0xc0: {  	s3 =	sand.u32 $0x4000, s31;
	s1 =	sadd.s32 s1, s30  }
0xc1: {  	s0 =	sor.u32 s3, s0;
	s1 =	sshll.u32 s1, $0x11  }
0xc2: {  	s0 =	sor.u32 s1, s0  }
0xc3: {  	s0 =	sadd.s32 $0x8F2B, s0  }
0xc4: {  	[sflag:s0] =	ssyncadd.remote.s32 $0x1  }
0xc5: {  	_ =	sfence.sel $0xFFFF  }
0xc6: {  	[dreg:$0x0] =	wrdreg $0xFFFFFFFF;
	(pc) =	sbr.abs _section_cstart, $3  }
0xc7: {  	[dreg:$0x1] =	wrdreg $0xFFFFFFFF  }
0xc8: {  	_ =	task.clear_ibuf [dreg:s8], $0x2FFFF;
	_ =	strace $0x9FFFFFFF  }
0xc9: {  	(tm) =	ssettm $0x7FFFFFFF  }
tec
execute0_lowered:
.L_overlay_start_1:
0x0: {  	(tag) =	ssettag $0x1  }
0x1: {  	v0 =	vimm.s32 $0xEFCDAB89  }
0x2: {  	v1 =	vimm.s32 $0x67452301;
	v2 =	vimm.s32 $0xDCFE98BA;
	v3 =	vimm.s32 $0x54761032  }
0x3: {  	v4 =	vimm.s32 $0xBA98FEDC;
	v5 =	vimm.s32 $0x32107654;
	v6 =	vimm.s32 $0xFEDCBA98  }
0x4: {  	v7 =	vimm.s32 $0x76543210;
	v8 =	vimm.s32 $0x80F;
	vm0 =	vcmask $0x704  }
0x5: {  	v11 =	vimm.s32 $0x43424144;
	vm1 =	vcmask $0x1B18;
	vm2 =	vcmask $0x2724  }
0x6: {  	vm3 =	vcmask $0x3330;
	vm4 =	vcmask $0x3B38;
	v0 =	vunpack.c.l.s4.s8 v0  }
0x7: {  	v1 =	vunpack.c.l.s4.s8 v1;
	v2 =	vunpack.c.l.s4.s8 v2;
	v3 =	vunpack.c.l.s4.s8 v3  }
0x8: {  	v4 =	vunpack.c.l.s4.s8 v4;
	v5 =	vunpack.c.l.s4.s8 v5;
	v6 =	vunpack.c.l.s4.s8 v6  }
0x9: {  	s4 =	rddreg [dreg:$0x0];
	v7 =	vunpack.c.l.s4.s8 v7;
	v9 =	vsel vm0, $0x801, v8;
	vm0 =	vcmask $0xB08  }
0xa: {  	s8 =	rddreg [dreg:$0x1];
	v8 =	vlaneseq.u32;
	v10 =	vsel vm0, $0x802, v9;
	vm0 =	vcmask $0xF0C  }
0xb: {  	s3 =	rddreg [dreg:$0x2];
	v9 =	vimm.f32 $-Inf;
	v0 =	vunpack.c.0.s8.s32 v0;
	v1 =	vunpack.c.0.s8.s32 v1  }
0xc: {  	s0 =	rddreg [dreg:$0x3];
	s2 =	simm.s32 $0x0;
	v2 =	vunpack.c.0.s8.s32 v2;
	v3 =	vunpack.c.0.s8.s32 v3;
	v4 =	vunpack.c.0.s8.s32 v4  }
0xd: {  	s5 =	srdreg.scid;
	s1 =	stileid.u32;
	s13 =	simm.s32 $0x10000;
	v5 =	vunpack.c.0.s8.s32 v5;
	v10 =	vsel vm0, $0x803, v10;
	vm0 =	vcmask $0x1310  }
0xe: {  	s14 =	simm.s32 $0x10880;
	s15 =	simm.s32 $0x1;
	s16 =	simm.s32 $0x11100;
	v6 =	vunpack.c.0.s8.s32 v6;
	v7 =	vunpack.c.0.s8.s32 v7;
	v12 =	vsel vm0, $0x804, v10  }
0xf: {  	s17 =	simm.s32 $0x11180;
	s18 =	simm.s32 $0x3;
	s19 =	simm.s32 $0x2;
	vm0 =	vcmask $0x1714;
	v10 =	vunpack.c.0.s8.s32 v11;
	v0 =	vcombine.low v1, v0  }
0x10: {  	s20 =	simm.s32 $0x0;
	[smem:$0x7FF] =	sst s2;
	s5 =	sand.u32 $0x1, s5;
	v1 =	vcombine.low v3, v2;
	v2 =	vcombine.low v5, v4;
	v6 =	vand.u32 $0xF, v6  }
0x11: {  	s6 =	sshll.u32 s1, $0x1;
	s7 =	sadd.s32 $0x800, s3;
	s25 =	sshll.u32 s1, $0x11;
	v11 =	vsel vm0, $0x805, v12;
	vm0 =	vcmask $0x1304;
	v12 =	vimm.s32 $0x47464548  }
0x12: {  	_ =	strace $0x80000047;
	s6 =	sor.u32 s5, s6;
	s5 =	ssub.s32 $0x2, s5;
	v6 =	vcombine.low v6, v7;
	v11 =	vsel vm1, $0x806, v11;
	vm1 =	vcmask $0x1F1C  }
0x13: {  	s9 =	sshll.u32 s6, $0x8;
	s10 =	sshllo.u32 s6, $0x1;
	s12 =	sshrl.u32 s5, $0x1;
	v7 =	vimm.s32 $0x0;
	v13 =	vsel vm1, $0x807, v11;
	vm1 =	vcmask $0x2320  }
0x14: {  	s6 =	sshll.u32 s6, $0x4;
	s9 =	sor.u32 s25, s9;
	s11 =	sshll.u32 s10, $0x7;
	v3 =	vand.u32 $0xF, v0;
	v11 =	vunpack.c.0.s8.s32 v12;
	v12 =	vsel vm1, $0x808, v13  }
0x15: {  	s26 =	ssub.s32 s5, s12;
	s5 =	sadd.s32 s7, s6;
	s31 =	sshll.u32 s10, $0x3;
	v4 =	vand.u32 $0xF, v1;
	v12 =	vsel vm2, $0x809, v12;
	vm2 =	vcmask $0x2B28  }
.Ltmp0:
0x16: {  	s6 =	sadd.s32 s8, s6;
	s10 =	simm.s32 $0x80;
	v13 =	vimm.s32 $0x4B4A494C;
	v14 =	vsel vm2, $0x80A, v12;
	vm2 =	vcmask $0x2F2C;
	(pc) =	sbr.rel .LBB2_1-.Ltmp0, $4  }
0x17: {  	s12 =	simm.s32 $0x8000;
	s9 =	sand.u32 $0x1C0300, s9;
	s3 =	sor.u32 s25, s11;
	v5 =	vand.u32 $0xF, v2;
	v12 =	vunpack.c.0.s8.s32 v13;
	v13 =	vsel vm2, $0x80B, v14  }
0x18: {  	s7 =	sadd.s32 s7, s31;
	s8 =	sadd.s32 s8, s31;
	s29 =	sand.u32 $0x1C0380, s3;
	vm1 =	vcmask $0x2314;
	v13 =	vsel vm3, $0x80C, v13;
	vm3 =	vcmask $0x3734  }
0x19: {  	s11 =	simm.s32 $0x400;
	s28 =	sshrl.u32 s9, $0x3;
	s30 =	sshrl.u32 s29, $0x3;
	vm2 =	vcmask $0x3324;
	v14 =	vimm.s32 $0x4F4E4D00;
	v15 =	vsel vm3, $0x80D, v13  }
0x1a: {  	s9 =	smax.u32 s26, $0x1;
	s3 =	sadd.s32 s4, s28;
	s4 =	sadd.s32 s4, s30;
	v13 =	vunpack.c.0.s8.s32 v14;
	vm3 =	vcmask $0x3F34;
	v14 =	vsel vm4, $0x80E, v15  }
.LBB2_21:
0x1b: {  	[hbm4b:s7+s2] =	stream.linear.scatter [tilespmem:s16], [sflag:$0x3], $0x40, $0x38;
	[tilespmem:$0x11200] =	vst v63  }
0x1c: {  	s20 =	sadd.s32 $0x1, s20;
	_ =	swait.ge [sflag:s18], $0x40  }
0x1d: {  	p0 =	sne.s32 s20, s9;
	[sflag:s18] =	ssyncset.done $0x0  }
.Ltmp1:
0x1e: {  	[sflag:s18] =	ssyncadd.s32 $0xFFFFFFC0;
	(pc) =	sbr.rel @!p0 .LBB2_22-.Ltmp1, $4  }
0x1f: {  	[hbm4b:s8+s2] =	stream.linear.scatter [tilespmem:s17], [sflag:$0x3], $0x40, $0x38;
	[tilespmem:$0x11200] =	vst v63  }
0x20: {  	_ =	swait.ge [sflag:s18], $0x40  }
0x21: {  	[sflag:s18] =	ssyncset.done $0x0  }
0x22: {  	[sflag:s18] =	ssyncadd.s32 $0xFFFFFFC0  }
.LBB2_1:
0x23: {  	[tilespmem:s2], [sflag:$0x1] =	stream.strided.gather [hbm4b:s3+s10], $0x8000, s11, s10, $0x38;
	[tilespmem:$0x11200] =	vst v63  }
0x24: {  	_ = 	snop  }
0x25: {  	[tilespmem:s12], [sflag:$0x2] =	stream.strided.gather [hbm4b:s4+s10], $0x8000, s11, s10, $0x38;
	[tilespmem:$0x11200] =	vst v63  }
0x26: {  	_ =	swait.ge [sflag:s15], $0x8000  }
0x27: {  	[sflag:s15] =	ssyncset.done $0x0  }
0x28: {  	[sflag:s15] =	ssyncadd.s32 $0xFFFF8000  }
0x29: {  	[tilespmem:$0x10000] =	vst v9  }
0x2a: {  	[tilespmem:$0x10010] =	vst v9  }
0x2b: {  	[tilespmem:$0x10020] =	vst v9  }
0x2c: {  	[tilespmem:$0x10030] =	vst v9  }
0x2d: {  	[tilespmem:$0x10040] =	vst v9  }
0x2e: {  	[tilespmem:$0x10050] =	vst v9  }
0x2f: {  	[tilespmem:$0x10060] =	vst v9  }
0x30: {  	[tilespmem:$0x10070] =	vst v9  }
0x31: {  	[tilespmem:$0x10080] =	vst v9  }
0x32: {  	[tilespmem:$0x10090] =	vst v9  }
0x33: {  	[tilespmem:$0x100A0] =	vst v9  }
0x34: {  	[tilespmem:$0x100B0] =	vst v9  }
0x35: {  	[tilespmem:$0x100C0] =	vst v9  }
0x36: {  	[tilespmem:$0x100D0] =	vst v9  }
0x37: {  	[tilespmem:$0x100E0] =	vst v9  }
0x38: {  	[tilespmem:$0x100F0] =	vst v9  }
0x39: {  	[tilespmem:$0x10100] =	vst v9  }
0x3a: {  	[tilespmem:$0x10110] =	vst v9  }
0x3b: {  	[tilespmem:$0x10120] =	vst v9  }
0x3c: {  	[tilespmem:$0x10130] =	vst v9  }
0x3d: {  	[tilespmem:$0x10140] =	vst v9  }
0x3e: {  	[tilespmem:$0x10150] =	vst v9  }
0x3f: {  	[tilespmem:$0x10160] =	vst v9  }
0x40: {  	[tilespmem:$0x10170] =	vst v9  }
0x41: {  	[tilespmem:$0x10180] =	vst v9  }
0x42: {  	[tilespmem:$0x10190] =	vst v9  }
0x43: {  	[tilespmem:$0x101A0] =	vst v9  }
0x44: {  	[tilespmem:$0x101B0] =	vst v9  }
0x45: {  	[tilespmem:$0x101C0] =	vst v9  }
0x46: {  	[tilespmem:$0x101D0] =	vst v9  }
0x47: {  	[tilespmem:$0x101E0] =	vst v9  }
0x48: {  	[tilespmem:$0x101F0] =	vst v9  }
0x49: {  	[tilespmem:$0x10200] =	vst v9  }
0x4a: {  	[tilespmem:$0x10210] =	vst v9  }
0x4b: {  	[tilespmem:$0x10220] =	vst v9  }
0x4c: {  	[tilespmem:$0x10230] =	vst v9  }
0x4d: {  	[tilespmem:$0x10240] =	vst v9  }
0x4e: {  	[tilespmem:$0x10250] =	vst v9  }
0x4f: {  	[tilespmem:$0x10260] =	vst v9  }
0x50: {  	[tilespmem:$0x10270] =	vst v9  }
0x51: {  	[tilespmem:$0x10280] =	vst v9  }
0x52: {  	[tilespmem:$0x10290] =	vst v9  }
0x53: {  	[tilespmem:$0x102A0] =	vst v9  }
0x54: {  	[tilespmem:$0x102B0] =	vst v9  }
0x55: {  	[tilespmem:$0x102C0] =	vst v9  }
0x56: {  	[tilespmem:$0x102D0] =	vst v9  }
0x57: {  	[tilespmem:$0x102E0] =	vst v9  }
0x58: {  	[tilespmem:$0x102F0] =	vst v9  }
0x59: {  	[tilespmem:$0x10300] =	vst v9  }
0x5a: {  	[tilespmem:$0x10310] =	vst v9  }
0x5b: {  	[tilespmem:$0x10320] =	vst v9  }
0x5c: {  	[tilespmem:$0x10330] =	vst v9  }
0x5d: {  	[tilespmem:$0x10340] =	vst v9  }
0x5e: {  	[tilespmem:$0x10350] =	vst v9  }
0x5f: {  	[tilespmem:$0x10360] =	vst v9  }
0x60: {  	[tilespmem:$0x10370] =	vst v9  }
0x61: {  	[tilespmem:$0x10380] =	vst v9  }
0x62: {  	[tilespmem:$0x10390] =	vst v9  }
0x63: {  	[tilespmem:$0x103A0] =	vst v9  }
0x64: {  	[tilespmem:$0x103B0] =	vst v9  }
0x65: {  	[tilespmem:$0x103C0] =	vst v9  }
0x66: {  	[tilespmem:$0x103D0] =	vst v9  }
0x67: {  	[tilespmem:$0x103E0] =	vst v9  }
0x68: {  	[tilespmem:$0x103F0] =	vst v9  }
0x69: {  	[tilespmem:$0x10400] =	vst v9  }
0x6a: {  	[tilespmem:$0x10410] =	vst v9  }
0x6b: {  	[tilespmem:$0x10420] =	vst v9  }
0x6c: {  	[tilespmem:$0x10430] =	vst v9  }
0x6d: {  	[tilespmem:$0x10440] =	vst v9  }
0x6e: {  	[tilespmem:$0x10450] =	vst v9  }
0x6f: {  	[tilespmem:$0x10460] =	vst v9  }
0x70: {  	[tilespmem:$0x10470] =	vst v9  }
0x71: {  	[tilespmem:$0x10480] =	vst v9  }
0x72: {  	[tilespmem:$0x10490] =	vst v9  }
0x73: {  	[tilespmem:$0x104A0] =	vst v9  }
0x74: {  	[tilespmem:$0x104B0] =	vst v9  }
0x75: {  	[tilespmem:$0x104C0] =	vst v9  }
0x76: {  	[tilespmem:$0x104D0] =	vst v9  }
0x77: {  	[tilespmem:$0x104E0] =	vst v9  }
0x78: {  	[tilespmem:$0x104F0] =	vst v9  }
0x79: {  	[tilespmem:$0x10500] =	vst v9  }
0x7a: {  	[tilespmem:$0x10510] =	vst v9  }
0x7b: {  	[tilespmem:$0x10520] =	vst v9  }
0x7c: {  	[tilespmem:$0x10530] =	vst v9  }
0x7d: {  	[tilespmem:$0x10540] =	vst v9  }
0x7e: {  	[tilespmem:$0x10550] =	vst v9  }
0x7f: {  	[tilespmem:$0x10560] =	vst v9  }
0x80: {  	[tilespmem:$0x10570] =	vst v9  }
0x81: {  	[tilespmem:$0x10580] =	vst v9  }
0x82: {  	[tilespmem:$0x10590] =	vst v9  }
0x83: {  	[tilespmem:$0x105A0] =	vst v9  }
0x84: {  	[tilespmem:$0x105B0] =	vst v9  }
0x85: {  	[tilespmem:$0x105C0] =	vst v9  }
0x86: {  	[tilespmem:$0x105D0] =	vst v9  }
0x87: {  	[tilespmem:$0x105E0] =	vst v9  }
0x88: {  	[tilespmem:$0x105F0] =	vst v9  }
0x89: {  	[tilespmem:$0x10600] =	vst v9  }
0x8a: {  	[tilespmem:$0x10610] =	vst v9  }
0x8b: {  	[tilespmem:$0x10620] =	vst v9  }
0x8c: {  	[tilespmem:$0x10630] =	vst v9  }
0x8d: {  	[tilespmem:$0x10640] =	vst v9  }
0x8e: {  	[tilespmem:$0x10650] =	vst v9  }
0x8f: {  	[tilespmem:$0x10660] =	vst v9  }
0x90: {  	[tilespmem:$0x10670] =	vst v9  }
0x91: {  	[tilespmem:$0x10680] =	vst v9  }
0x92: {  	[tilespmem:$0x10690] =	vst v9  }
0x93: {  	[tilespmem:$0x106A0] =	vst v9  }
0x94: {  	[tilespmem:$0x106B0] =	vst v9  }
0x95: {  	[tilespmem:$0x106C0] =	vst v9  }
0x96: {  	[tilespmem:$0x106D0] =	vst v9  }
0x97: {  	[tilespmem:$0x106E0] =	vst v9  }
0x98: {  	[tilespmem:$0x106F0] =	vst v9  }
0x99: {  	[tilespmem:$0x10700] =	vst v9  }
0x9a: {  	[tilespmem:$0x10710] =	vst v9  }
0x9b: {  	[tilespmem:$0x10720] =	vst v9  }
0x9c: {  	[tilespmem:$0x10730] =	vst v9  }
0x9d: {  	[tilespmem:$0x10740] =	vst v9  }
0x9e: {  	[tilespmem:$0x10750] =	vst v9  }
0x9f: {  	[tilespmem:$0x10760] =	vst v9  }
0xa0: {  	[tilespmem:$0x10770] =	vst v9  }
0xa1: {  	[tilespmem:$0x10780] =	vst v9  }
0xa2: {  	[tilespmem:$0x10790] =	vst v9  }
0xa3: {  	[tilespmem:$0x107A0] =	vst v9  }
0xa4: {  	[tilespmem:$0x107B0] =	vst v9  }
0xa5: {  	[tilespmem:$0x107C0] =	vst v9  }
0xa6: {  	[tilespmem:$0x107D0] =	vst v9  }
0xa7: {  	[tilespmem:$0x107E0] =	vst v9  }
0xa8: {  	s21 =	simm.s32 $0x40;
	[tilespmem:$0x107F0] =	vst v9  }
0xa9: {  	v16 =	vld [tilespmem:s21+$0xFFFFFFC0]  }
0xaa: {  	v15 =	vld [tilespmem:s21+$0x30]  }
0xab: {  	v17 =	vld [tilespmem:s21+$0xFFFFFFD0]  }
0xac: {  	v20 =	vld [tilespmem:s21+$0x20]  }
0xad: {  	v24 =	vld [tilespmem:s21+$0xFFFFFFF0];
	_ =	sdelay $0x1  }
0xae: {  	v18 =	vld [tilespmem:s21+$0xFFFFFFE0]  }
0xaf: {  	v19 =	vmul.f32 v16, v16;
	v21 =	vmin.f32 v9, v16  }
0xb0: {  	v23 =	vmax.f32 v9, v16;
	v16 =	vmul.f32 v15, v15;
	v26 =	vmul.f32 v17, v17  }
0xb1: {  	v22 =	vimm.f32 $0.0e+00;
	v30 =	vmul.f32 v20, v20;
	v32 =	vmul.f32 v24, v24  }
0xb2: {  	v25 =	vmax.f32 v9, v21;
	v21 =	vmin.f32 v9, v21;
	v19 =	vadd.f32 v19, v22  }
0xb3: {  	v28 =	vld [tilespmem:s21+$0x0];
	v27 =	vmax.f32 v23, v17;
	v17 =	vmin.f32 v23, v17;
	v23 =	vmul.f32 v18, v18  }
0xb4: {  	v22 =	vmax.f32 v9, v21;
	v21 =	vmin.f32 v9, v21;
	v19 =	vadd.f32 v26, v19  }
0xb5: {  	v31 =	vmin.f32 v25, v17;
	v17 =	vmax.f32 v25, v17;
	v21 =	vmax.f32 v9, v21  }
0xb6: {  	v33 =	vmin.f32 v22, v31;
	v26 =	vmax.f32 v27, v18;
	v19 =	vadd.f32 v23, v19  }
0xb7: {  	v29 =	vld [tilespmem:s21+$0x10];
	v63 =	vmax.f32 v21, v33;
	v18 =	vmin.f32 v27, v18;
	v21 =	vmax.f32 v26, v24  }
0xb8: {  	v23 =	vmin.f32 v26, v24;
	v24 =	vmul.f32 v28, v28;
	v19 =	vadd.f32 v32, v19  }
0xb9: {  	v22 =	vmax.f32 v22, v31;
	v27 =	vmax.f32 v17, v18;
	v17 =	vmin.f32 v17, v18  }
0xba: {  	v25 =	vmin.f32 v21, v28;
	v18 =	vadd.f32 v24, v19;
	v19 =	vmax.f32 v22, v17  }
0xbb: {  	v22 =	vmin.f32 v22, v17;
	v17 =	vmax.f32 v21, v28;
	v21 =	vmin.f32 v27, v23  }
0xbc: {  	v26 =	vmul.f32 v29, v29;
	v24 =	vmax.f32 v27, v23;
	v23 =	vmax.f32 v19, v21  }
0xbd: {  	v27 =	vmin.f32 v19, v21;
	v19 =	vmin.f32 v17, v29;
	v21 =	vmin.f32 v24, v25  }
0xbe: {  	v28 =	vmax.f32 v17, v29;
	v22 =	vmax.f32 v63, v22;
	v18 =	vadd.f32 v26, v18  }
0xbf: {  	v25 =	vmax.f32 v24, v25;
	v17 =	vmax.f32 v23, v21;
	v21 =	vmin.f32 v23, v21  }
0xc0: {  	v23 =	vmax.f32 v22, v27;
	v26 =	vadd.f32 v30, v18;
	v18 =	vmax.f32 v28, v20  }
0xc1: {  	s22 =	simm.s32 $0xC0;
	s21 =	simm.s32 $0x0;
	v22 =	vmin.f32 v25, v19;
	v20 =	vmin.f32 v28, v20;
	v24 =	vmax.f32 v18, v15  }
.LBB2_2:
0xc2: {  	v27 =	vld [tilespmem:s22+$0xFFFFFFC0];
	s21 =	sadd.s32 $0x8, s21;
	v19 =	vmax.f32 v25, v19;
	v25 =	vmin.f32 v17, v22;
	v16 =	vadd.f32 v16, v26  }
0xc3: {  	v21 =	vmax.f32 v23, v21;
	v18 =	vmin.f32 v18, v15;
	p0 =	slt.u32 s21, $0x7F8;
	v23 =	vmax.f32 v19, v20;
	v15 =	vld [tilespmem:s22+$0x30]  }
0xc4: {  	v17 =	vmax.f32 v17, v22;
	v19 =	vmin.f32 v19, v20;
	v28 =	vld [tilespmem:s22+$0x20];
	v20 =	vmax.f32 v23, v18  }
0xc5: {  	v26 =	vmax.f32 v17, v19;
	v17 =	vmin.f32 v17, v19;
	v18 =	vmin.f32 v23, v18;
	v22 =	vld [tilespmem:s22+$0xFFFFFFD0]  }
0xc6: {  	v21 =	vmax.f32 v21, v25;
	v23 =	vmax.f32 v26, v18;
	v18 =	vmin.f32 v26, v18;
	v19 =	vld [tilespmem:s22+$0xFFFFFFE0]  }
0xc7: {  	v25 =	vmul.f32 v27, v27;
	v26 =	vmax.f32 v24, v27;
	v24 =	vmin.f32 v24, v27;
	v27 =	vld [tilespmem:s22+$0xFFFFFFF0]  }
0xc8: {  	v17 =	vmax.f32 v21, v17;
	v29 =	vmax.f32 v20, v24;
	v20 =	vmin.f32 v20, v24  }
0xc9: {  	v17 =	vmax.f32 v17, v18;
	v21 =	vadd.f32 v25, v16;
	v16 =	vmul.f32 v15, v15  }
0xca: {  	v18 =	vmax.f32 v23, v20;
	v20 =	vmin.f32 v23, v20;
	v23 =	vmul.f32 v22, v22  }
0xcb: {  	v24 =	vmax.f32 v26, v22;
	v22 =	vmin.f32 v26, v22;
	v25 =	vmul.f32 v19, v19;
	v26 =	vld [tilespmem:s22+$0x0]  }
0xcc: {  	v31 =	vmul.f32 v28, v28;
	v21 =	vadd.f32 v23, v21;
	v23 =	vmax.f32 v24, v19;
	v30 =	vld [tilespmem:s22+$0x10]  }
0xcd: {  	v17 =	vmax.f32 v17, v20;
	v20 =	vmin.f32 v29, v22;
	v32 =	vmul.f32 v27, v27  }
0xce: {  	v33 =	vmin.f32 v18, v20;
	v21 =	vadd.f32 v25, v21;
	v25 =	vmin.f32 v23, v27  }
0xcf: {  	v18 =	vmax.f32 v18, v20;
	v20 =	vmax.f32 v17, v33;
	v17 =	vmax.f32 v23, v27  }
0xd0: {  	v22 =	vmax.f32 v29, v22;
	v21 =	vadd.f32 v32, v21;
	v23 =	vmul.f32 v26, v26  }
0xd1: {  	v19 =	vmin.f32 v24, v19;
	v24 =	vmin.f32 v17, v26;
	v27 =	vmul.f32 v30, v30  }
0xd2: {  	v29 =	vmax.f32 v22, v19;
	v19 =	vmin.f32 v22, v19;
	v21 =	vadd.f32 v23, v21  }
0xd3: {  	v22 =	vmax.f32 v18, v19;
	v17 =	vmax.f32 v17, v26;
	v23 =	vmin.f32 v18, v19  }
0xd4: {  	v32 =	vmax.f32 v29, v25;
	v18 =	vmin.f32 v29, v25;
	v21 =	vadd.f32 v27, v21  }
.Ltmp2:
0xd5: {  	v19 =	vmin.f32 v17, v30;
	v25 =	vmax.f32 v22, v18;
	v22 =	vmin.f32 v22, v18;
	(pc) =	sbr.rel @p0 .LBB2_2-.Ltmp2, $4  }
0xd6: {  	v18 =	vmin.f32 v32, v24;
	v27 =	vmax.f32 v17, v30;
	v26 =	vadd.f32 v31, v21  }
0xd7: {  	v17 =	vmax.f32 v25, v18;
	v21 =	vmin.f32 v25, v18;
	v18 =	vmax.f32 v27, v28  }
0xd8: {  	v23 =	vmax.f32 v20, v23;
	v20 =	vmin.f32 v27, v28;
	v25 =	vmax.f32 v32, v24  }
0xd9: {  	s22 =	sadd.s32 $0x80, s22;
	v23 =	vmax.f32 v23, v22;
	v22 =	vmin.f32 v25, v19;
	v24 =	vmax.f32 v18, v15  }
0xda: {  	v16 =	vadd.f32 v16, v26;
	_ =	sdelay $0x1  }
0xdb: {  	v24 =	vperm.xlane v16, v3;
	_ =	sdelay $0x1  }
0xdc: {  	v16 =	vadd.f32 v24, v16;
	_ =	sdelay $0x1  }
0xdd: {  	v24 =	vperm.xlane v16, v4;
	_ =	sdelay $0x1  }
0xde: {  	v16 =	vadd.f32 v24, v16;
	_ =	sdelay $0x1  }
0xdf: {  	v24 =	vperm.xlane v16, v5;
	_ =	sdelay $0x1  }
0xe0: {  	v16 =	vadd.f32 v24, v16;
	_ =	sdelay $0x1  }
0xe1: {  	v24 =	vperm.xlane v16, v6;
	_ =	sdelay $0x1  }
0xe2: {  	v16 =	vadd.f32 v24, v16;
	_ =	sdelay $0x1  }
0xe3: {  	v16 =	vmax.f32 v16, $9.999999960e-13  }
0xe4: {  	v58 =	vshra.s32 v16, $0x1;
	v16 =	vmul.f32 $5.000000000e-01, v16  }
0xe5: {  	v24 =	vsub.s32 $0x5F3759DF, v58  }
0xe6: {  	v59 =	vmul.f32 v24, v16;
	_ =	sdelay $0x1  }
0xe7: {  	v26 =	vmul.f32 v24, v59;
	_ =	sdelay $0x1  }
0xe8: {  	v19 =	vmax.f32 v25, v19;
	v60 =	vsub.f32 $1.500000000e+00, v26  }
0xe9: {  	v21 =	vmax.f32 v23, v21;
	v61 =	vmin.f32 v17, v22;
	v17 =	vmax.f32 v17, v22  }
0xea: {  	v62 =	vmax.f32 v19, v20;
	v19 =	vmin.f32 v19, v20;
	v20 =	vmul.f32 v24, v60  }
0xeb: {  	v15 =	vmin.f32 v18, v15;
	v18 =	vmax.f32 v17, v19;
	v17 =	vmin.f32 v17, v19  }
0xec: {  	v15 =	vmin.f32 v62, v15;
	v19 =	vmax.f32 v21, v61;
	v63 =	vmul.f32 v20, v16  }
0xed: {  	v15 =	vmin.f32 v18, v15;
	v17 =	vmax.f32 v19, v17  }
0xee: {  	v15 =	vmax.f32 v17, v15;
	v17 =	vmul.f32 v63, v20  }
0xef: {  	v18 =	vperm.xlane v15, v3  }
0xf0: {  	v17 =	vsub.f32 $1.500000000e+00, v17  }
0xf1: {  	v15 =	vmin.f32 v15, v18  }
0xf2: {  	v18 =	vperm.xlane v15, v4;
	v17 =	vmul.f32 v17, v20;
	_ =	sdelay $0x1  }
0xf3: {  	v15 =	vmin.f32 v15, v18;
	v16 =	vmul.f32 v17, v16  }
0xf4: {  	v18 =	vperm.xlane v15, v5  }
0xf5: {  	v16 =	vmul.f32 v16, v17  }
0xf6: {  	v15 =	vmin.f32 v15, v18  }
0xf7: {  	v18 =	vperm.xlane v15, v6;
	v19 =	vsub.f32 $1.500000000e+00, v16;
	_ =	sdelay $0x1  }
0xf8: {  	s21 =	simm.s32 $0xFFFFFFFE;
	s22 =	simm.s32 $0x40;
	s23 =	simm.s32 $0x40;
	v16 =	vmin.f32 v15, v18;
	v18 =	vimm.s32 $0x0;
	v17 =	vmul.f32 v19, v17  }
.LBB2_4:
0xf9: {  	v19 =	vld [tilespmem:s22+$0xFFFFFFC0]  }
0xfa: {  	v20 =	vld [tilespmem:s22+$0xFFFFFFD0]  }
0xfb: {  	v21 =	vld [tilespmem:s22+$0xFFFFFFE0]  }
0xfc: {  	v22 =	vld [tilespmem:s22+$0xFFFFFFF0];
	_ =	sdelay $0x2  }
0xfd: {  	vm8 =	vlt.s32 v18, $0x80;
	s24 =	sadd.s32 $0xFFFFFFC0, s23  }
0xfe: {  	v26 =	vor.u32 s24, v8;
	vm5 =	vge.f32 v19, v16;
	vm6 =	vge.f32 v20, v16  }
0xff: {  	vm7 =	vge.f32 v21, v16;
	vm4 =	vge.f32 v22, v16;
	v15 =	vsel vm5, $0x1, v7  }
0x100: {  	v23 =	vsel vm6, $0x1, v7;
	v24 =	vsel vm7, $0x1, v7;
	vm5 =	vmand vm8, vm5  }
0x101: {  	v23 =	vadd.s32 v15, v23;
	v25 =	vadd.s32 v15, v18;
	v15 =	vshll.u32 v18, $0x4  }
0x102: {  	v23 =	vadd.s32 v18, v23;
	v18 =	vor.u32 v8, v15;
	v15 =	vor.u32 $0x800, v8  }
0x103: {  	v18 =	vsel vm5, v18, v15;
	vm5 =	vlt.s32 v25, $0x80;
	v25 =	vshll.u32 v25, $0x4  }
0x104: {  	v24 =	vadd.s32 v24, v23;
	vm5 =	vmand vm6, vm5;
	v25 =	vor.u32 v8, v25  }
0x105: {  	v25 =	vsel vm5, v25, v15;
	vm5 =	vlt.s32 v23, $0x80;
	v23 =	vshll.u32 v23, $0x4  }
0x106: {  	v19 =	vmul.f32 v19, v17;
	vm5 =	vmand vm7, vm5;
	v23 =	vor.u32 v8, v23  }
0x107: {  	v27 =	vshll.u32 v24, $0x4;
	v23 =	vsel vm5, v23, v15;
	vm5 =	vlt.s32 v24, $0x80  }
0x108: {  	[tilespmem:v18+s13+$0x0] =	vst.idx.msk $0xffff, v19;
	v19 =	vmul.f32 v20, v17;
	vm5 =	vmand vm4, vm5;
	v20 =	vor.u32 v8, v27  }
0x109: {  	s25 =	sadd.s32 $0xFFFFFFD0, s23;
	[tilespmem:v18+s14+$0x0] =	vst.idx.msk $0xffff, v26;
	v18 =	vsel vm5, v20, v15  }
0x10a: {  	v20 =	vmul.f32 v21, v17;
	[tilespmem:v25+s13+$0x0] =	vst.idx.msk $0xffff, v19;
	v19 =	vor.u32 s25, v8  }
0x10b: {  	s26 =	sadd.s32 $0xFFFFFFE0, s23;
	[tilespmem:v25+s14+$0x0] =	vst.idx.msk $0xffff, v19  }
0x10c: {  	v19 =	vor.u32 s26, v8;
	[tilespmem:v23+s13+$0x0] =	vst.idx.msk $0xffff, v20;
	v20 =	vmul.f32 v22, v17  }
0x10d: {  	s28 =	sadd.s32 $0xFFFFFFF0, s23;
	[tilespmem:v23+s14+$0x0] =	vst.idx.msk $0xffff, v19  }
0x10e: {  	v19 =	vor.u32 s28, v8;
	[tilespmem:v18+s13+$0x0] =	vst.idx.msk $0xffff, v20  }
0x10f: {  	[tilespmem:v18+s14+$0x0] =	vst.idx.msk $0xffff, v19  }
0x110: {  	v18 =	vld [tilespmem:s22+$0x0]  }
0x111: {  	v19 =	vld [tilespmem:s22+$0x10]  }
0x112: {  	v20 =	vld [tilespmem:s22+$0x20]  }
0x113: {  	v54 =	vld [tilespmem:s22+$0x30];
	_ =	sdelay $0x1  }
0x114: {  	v62 =	vor.u32 s23, v8;
	v55 =	vsel vm4, $0x1, v7  }
0x115: {  	v22 =	vadd.s32 v55, v24;
	vm5 =	vge.f32 v18, v16;
	vm13 =	vge.f32 v19, v16  }
0x116: {  	vm15 =	vlt.s32 v22, $0x80;
	v56 =	vsel vm5, $0x1, v7;
	v57 =	vsel vm13, $0x1, v7  }
0x117: {  	vm14 =	vge.f32 v20, v16;
	vm4 =	vge.f32 v54, v16;
	v23 =	vadd.s32 v56, v57  }
0x118: {  	v59 =	vadd.s32 v56, v22;
	v23 =	vadd.s32 v22, v23;
	v22 =	vshll.u32 v22, $0x4  }
0x119: {  	v58 =	vsel vm14, $0x1, v7;
	vm5 =	vmand vm15, vm5;
	v22 =	vor.u32 v8, v22  }
0x11a: {  	v61 =	vshll.u32 v59, $0x4;
	v22 =	vsel vm5, v22, v15;
	vm5 =	vlt.s32 v59, $0x80  }
0x11b: {  	v60 =	vadd.s32 v58, v23;
	v25 =	vor.u32 v8, v61;
	vm5 =	vmand vm13, vm5  }
0x11c: {  	v25 =	vsel vm5, v25, v15;
	vm5 =	vlt.s32 v23, $0x80;
	v23 =	vshll.u32 v23, $0x4  }
0x11d: {  	v18 =	vmul.f32 v18, v17;
	vm5 =	vmand vm14, vm5;
	v23 =	vor.u32 v8, v23  }
0x11e: {  	v63 =	vshll.u32 v60, $0x4;
	v23 =	vsel vm5, v23, v15;
	vm5 =	vlt.s32 v60, $0x80  }
0x11f: {  	[tilespmem:v22+s13+$0x0] =	vst.idx.msk $0xffff, v18;
	v18 =	vmul.f32 v19, v17;
	vm5 =	vmand vm4, vm5;
	v19 =	vor.u32 v8, v63  }
0x120: {  	s29 =	sadd.s32 $0x10, s23;
	s21 =	sadd.s32 $0x2, s21;
	[tilespmem:v22+s14+$0x0] =	vst.idx.msk $0xffff, v62;
	v19 =	vsel vm5, v19, v15  }
0x121: {  	p0 =	slt.u32 s21, $0x1FE;
	v20 =	vmul.f32 v20, v17;
	[tilespmem:v25+s13+$0x0] =	vst.idx.msk $0xffff, v18;
	v18 =	vor.u32 s29, v8  }
.Ltmp3:
0x122: {  	s30 =	sadd.s32 $0x20, s23;
	[tilespmem:v25+s14+$0x0] =	vst.idx.msk $0xffff, v18;
	(pc) =	sbr.rel @p0 .LBB2_4-.Ltmp3, $4  }
0x123: {  	v18 =	vor.u32 s30, v8;
	[tilespmem:v23+s13+$0x0] =	vst.idx.msk $0xffff, v20;
	v20 =	vmul.f32 v54, v17  }
0x124: {  	s31 =	sadd.s32 $0x30, s23;
	[tilespmem:v23+s14+$0x0] =	vst.idx.msk $0xffff, v18  }
0x125: {  	v18 =	vsel vm4, $0x1, v7;
	[tilespmem:v19+s13+$0x0] =	vst.idx.msk $0xffff, v20;
	v20 =	vor.u32 s31, v8  }
0x126: {  	s23 =	sadd.s32 $0x80, s23;
	s22 =	sadd.s32 $0x80, s22;
	v18 =	vadd.s32 v18, v60;
	[tilespmem:v19+s14+$0x0] =	vst.idx.msk $0xffff, v20  }
0x127: {  	v16 =	vperm.xlane v18, v0;
	_ =	sdelay $0x1  }
0x128: {  	vm4 =	vgt.s32 v18, v16  }
0x129: {  	v16 =	vsel vm4, v18, v16  }
0x12a: {  	v17 =	vperm.xlane v16, v1;
	_ =	sdelay $0x1  }
0x12b: {  	vm4 =	vgt.s32 v16, v17  }
0x12c: {  	v16 =	vsel vm4, v16, v17  }
0x12d: {  	v17 =	vperm.xlane v16, v2;
	_ =	sdelay $0x1  }
0x12e: {  	vm4 =	vgt.s32 v16, v17  }
0x12f: {  	v16 =	vsel vm4, v16, v17  }
0x130: {  	v17 =	vperm.xlane v16, v6;
	_ =	sdelay $0x1  }
0x131: {  	vm4 =	vgt.s32 v16, v17  }
0x132: {  	v16 =	vsel vm4, v16, v17  }
0x133: {  	(v2sf) =	vpush v16, $0x0;
	_ =	sdelay $0xb  }
.Ltmp4:
0x134: {  	_ = 	snop;
	(pc) =	sbr.rel .LBB2_6-.Ltmp4, $3  }
0x135: {  	_ =	sdelay $0x1  }
0x136: {  	s21 =	spop (v2sf)  }
0x137: {  	s22 =	simm.s32 $0x0;
	s23 =	simm.s32 $0x0;
	p0 =	slt.s32 s21, $0x1  }
.LBB2_9:
0x138: {  	v17 =	vsel vm4, v18, v17;
	v16 =	vsel vm4, v19, v16  }
.LBB2_10:
0x139: {  	_ =	sdelay $0x3  }
0x13a: {  	v18 =	vld.idx.msk [tilespmem:v16+s14+$0x0], $0xffff;
	_ =	sdelay $0x2  }
0x13b: {  	vm4 =	vlt.f32 v17, $-Inf;
	vm5 =	vgt.f32 v17, $-Inf  }
0x13c: {  	vm4 =	vmor vm5, vm4  }
0x13d: {  	v18 =	vnsel vm4, $0x8000, v18  }
0x13e: {  	v19 =	vperm.xlane v17, v3;
	v20 =	vperm.xlane v18, v3;
	_ =	sdelay $0x1  }
0x13f: {  	vm4 =	veq.f32 v19, v17;
	vm5 =	vlt.s32 v20, v18  }
0x140: {  	vm6 =	vgt.f32 v19, v17;
	vm4 =	vmand vm4, vm5  }
0x141: {  	vm4 =	vmor vm6, vm4  }
0x142: {  	v17 =	vsel vm4, v19, v17;
	v18 =	vsel vm4, v20, v18  }
0x143: {  	v19 =	vperm.xlane v17, v4;
	v20 =	vperm.xlane v18, v4;
	_ =	sdelay $0x1  }
0x144: {  	vm5 =	veq.f32 v19, v17;
	vm6 =	vlt.s32 v20, v18  }
0x145: {  	vm5 =	vmand vm5, vm6;
	vm6 =	vgt.f32 v19, v17  }
0x146: {  	v21 =	vperm.xlane v16, v3;
	vm5 =	vmor vm6, vm5  }
0x147: {  	v17 =	vsel vm5, v19, v17;
	v18 =	vsel vm5, v20, v18  }
0x148: {  	v16 =	vsel vm4, v21, v16;
	v19 =	vperm.xlane v17, v5;
	v20 =	vperm.xlane v18, v5  }
0x149: {  	v21 =	vperm.xlane v16, v4  }
0x14a: {  	vm4 =	veq.f32 v19, v17;
	vm6 =	vlt.s32 v20, v18  }
0x14b: {  	v16 =	vsel vm5, v21, v16;
	vm5 =	vgt.f32 v19, v17;
	vm4 =	vmand vm4, vm6  }
0x14c: {  	v22 =	vnsel vm0, s23, v10;
	vm4 =	vmor vm5, vm4  }
0x14d: {  	v21 =	vperm.xlane v16, v5;
	v17 =	vsel vm4, v19, v17;
	v18 =	vsel vm4, v20, v18  }
0x14e: {  	v22 =	vsel vm1, v11, v22;
	v19 =	vperm.xlane v17, v6;
	v20 =	vperm.xlane v18, v6  }
0x14f: {  	v22 =	vsel vm2, v12, v22  }
0x150: {  	v16 =	vsel vm4, v21, v16;
	vm4 =	veq.f32 v19, v17;
	vm5 =	vlt.s32 v20, v18  }
0x151: {  	v21 =	vperm.xlane v16, v6;
	vm4 =	vmand vm4, vm5;
	vm5 =	vgt.f32 v19, v17  }
0x152: {  	v22 =	vsel vm3, v13, v22;
	vm5 =	vmor vm5, vm4  }
0x153: {  	s23 =	sadd.s32 $0x1, s23;
	vm4 =	vmmov $0x1;
	v16 =	vsel vm5, v21, v16  }
0x154: {  	p1 =	sne.s32 s23, $0x40;
	v16 =	vsel vm4, v16, v14  }
.Ltmp5:
0x155: {  	_ = 	snop;
	(pc) =	sbr.rel @!p1 .LBB2_11-.Ltmp5, $4  }
0x156: {  	v17 =	vsel vm5, v19, v17  }
0x157: {  	v18 =	vsel vm5, v20, v18;
	[tilespmem:v22+s16+$0x0] =	vst.idx.msk $0xffff, v17  }
0x158: {  	[tilespmem:v22+s17+$0x0] =	vst.idx.msk $0xffff, v18  }
0x159: {  	[tilespmem:v16+s13+$0x0] =	vst.idx.msk $0xffff, v9  }
.LBB2_6:
.Ltmp6:
0x15a: {  	(pc) =	sbr.rel @p0 .LBB2_10-.Ltmp6, $2  }
0x15b: {  	_ =	sdelay $0x2  }
0x15c: {  	v17 =	vimm.f32 $-Inf;
	v16 =	vimm.s32 $0x0;
	s25 =	simm.s32 $0x10000  }
0x15d: {  	v18 =	vld [tilespmem:s25+$0x0];
	p1 =	sne.s32 s21, $0x1  }
.Ltmp7:
0x15e: {  	_ = 	snop;
	(pc) =	sbr.rel @!p1 .LBB2_9-.Ltmp7, $2  }
0x15f: {  	_ =	sdelay $0x2  }
0x160: {  	s24 =	sadd.s32 $0xFFFFFFFF, s21;
	v19 =	vor.u32 s22, v8;
	s25 =	sadd.s32 $0x10, s25;
	s26 =	simm.s32 $0x0;
	vm4 =	vgt.f32 v18, v17  }
.LBB2_8:
0x161: {  	p1 =	sne.s32 s24, $0x1;
	s24 =	sadd.s32 $0xFFFFFFFF, s24;
	v17 =	vsel vm4, v18, v17;
	v18 =	vld [tilespmem:s25+$0x0];
	v16 =	vsel vm4, v19, v16  }
.Ltmp8:
0x162: {  	(pc) =	sbr.rel @p1 .LBB2_8-.Ltmp8, $3  }
0x163: {  	_ =	sdelay $0x1  }
0x164: {  	s26 =	sadd.s32 $0x10, s26  }
0x165: {  	s25 =	sadd.s32 $0x10, s25;
	v19 =	vor.u32 s26, v8;
	vm4 =	vgt.f32 v18, v17  }
.Ltmp9:
0x166: {  	_ = 	snop;
	(pc) =	sbr.rel .LBB2_9-.Ltmp9, $1  }
0x167: {  	_ =	sdelay $0x3  }
.LBB2_11:
0x168: {  	[hbm4b:s5+s2] =	stream.linear.scatter [tilespmem:s16], [sflag:$0x3], $0x40, $0x38;
	[tilespmem:$0x11200] =	vst v63  }
0x169: {  	_ =	swait.ge [sflag:s18], $0x40  }
0x16a: {  	[sflag:s18] =	ssyncset.done $0x0  }
0x16b: {  	[sflag:s18] =	ssyncadd.s32 $0xFFFFFFC0  }
0x16c: {  	[hbm4b:s6+s2] =	stream.linear.scatter [tilespmem:s17], [sflag:$0x3], $0x40, $0x38;
	[tilespmem:$0x11200] =	vst v63  }
0x16d: {  	_ =	swait.ge [sflag:s18], $0x40  }
0x16e: {  	[sflag:s18] =	ssyncset.done $0x0  }
0x16f: {  	[sflag:s18] =	ssyncadd.s32 $0xFFFFFFC0  }
0x170: {  	_ =	swait.ge [sflag:s19], $0x8000  }
0x171: {  	[sflag:s19] =	ssyncset.done $0x0  }
0x172: {  	v17 =	vimm.f32 $-Inf;
	[sflag:s19] =	ssyncadd.s32 $0xFFFF8000  }
0x173: {  	[tilespmem:$0x10000] =	vst v17  }
0x174: {  	[tilespmem:$0x10010] =	vst v17  }
0x175: {  	[tilespmem:$0x10020] =	vst v17  }
0x176: {  	[tilespmem:$0x10030] =	vst v17  }
0x177: {  	[tilespmem:$0x10040] =	vst v17  }
0x178: {  	[tilespmem:$0x10050] =	vst v17  }
0x179: {  	[tilespmem:$0x10060] =	vst v17  }
0x17a: {  	[tilespmem:$0x10070] =	vst v17  }
0x17b: {  	[tilespmem:$0x10080] =	vst v17  }
0x17c: {  	[tilespmem:$0x10090] =	vst v17  }
0x17d: {  	[tilespmem:$0x100A0] =	vst v17  }
0x17e: {  	[tilespmem:$0x100B0] =	vst v17  }
0x17f: {  	[tilespmem:$0x100C0] =	vst v17  }
0x180: {  	[tilespmem:$0x100D0] =	vst v17  }
0x181: {  	[tilespmem:$0x100E0] =	vst v17  }
0x182: {  	[tilespmem:$0x100F0] =	vst v17  }
0x183: {  	[tilespmem:$0x10100] =	vst v17  }
0x184: {  	[tilespmem:$0x10110] =	vst v17  }
0x185: {  	[tilespmem:$0x10120] =	vst v17  }
0x186: {  	[tilespmem:$0x10130] =	vst v17  }
0x187: {  	[tilespmem:$0x10140] =	vst v17  }
0x188: {  	[tilespmem:$0x10150] =	vst v17  }
0x189: {  	[tilespmem:$0x10160] =	vst v17  }
0x18a: {  	[tilespmem:$0x10170] =	vst v17  }
0x18b: {  	[tilespmem:$0x10180] =	vst v17  }
0x18c: {  	[tilespmem:$0x10190] =	vst v17  }
0x18d: {  	[tilespmem:$0x101A0] =	vst v17  }
0x18e: {  	[tilespmem:$0x101B0] =	vst v17  }
0x18f: {  	[tilespmem:$0x101C0] =	vst v17  }
0x190: {  	[tilespmem:$0x101D0] =	vst v17  }
0x191: {  	[tilespmem:$0x101E0] =	vst v17  }
0x192: {  	[tilespmem:$0x101F0] =	vst v17  }
0x193: {  	[tilespmem:$0x10200] =	vst v17  }
0x194: {  	[tilespmem:$0x10210] =	vst v17  }
0x195: {  	[tilespmem:$0x10220] =	vst v17  }
0x196: {  	[tilespmem:$0x10230] =	vst v17  }
0x197: {  	[tilespmem:$0x10240] =	vst v17  }
0x198: {  	[tilespmem:$0x10250] =	vst v17  }
0x199: {  	[tilespmem:$0x10260] =	vst v17  }
0x19a: {  	[tilespmem:$0x10270] =	vst v17  }
0x19b: {  	[tilespmem:$0x10280] =	vst v17  }
0x19c: {  	[tilespmem:$0x10290] =	vst v17  }
0x19d: {  	[tilespmem:$0x102A0] =	vst v17  }
0x19e: {  	[tilespmem:$0x102B0] =	vst v17  }
0x19f: {  	[tilespmem:$0x102C0] =	vst v17  }
0x1a0: {  	[tilespmem:$0x102D0] =	vst v17  }
0x1a1: {  	[tilespmem:$0x102E0] =	vst v17  }
0x1a2: {  	[tilespmem:$0x102F0] =	vst v17  }
0x1a3: {  	[tilespmem:$0x10300] =	vst v17  }
0x1a4: {  	[tilespmem:$0x10310] =	vst v17  }
0x1a5: {  	[tilespmem:$0x10320] =	vst v17  }
0x1a6: {  	[tilespmem:$0x10330] =	vst v17  }
0x1a7: {  	[tilespmem:$0x10340] =	vst v17  }
0x1a8: {  	[tilespmem:$0x10350] =	vst v17  }
0x1a9: {  	[tilespmem:$0x10360] =	vst v17  }
0x1aa: {  	[tilespmem:$0x10370] =	vst v17  }
0x1ab: {  	[tilespmem:$0x10380] =	vst v17  }
0x1ac: {  	[tilespmem:$0x10390] =	vst v17  }
0x1ad: {  	[tilespmem:$0x103A0] =	vst v17  }
0x1ae: {  	[tilespmem:$0x103B0] =	vst v17  }
0x1af: {  	[tilespmem:$0x103C0] =	vst v17  }
0x1b0: {  	[tilespmem:$0x103D0] =	vst v17  }
0x1b1: {  	[tilespmem:$0x103E0] =	vst v17  }
0x1b2: {  	[tilespmem:$0x103F0] =	vst v17  }
0x1b3: {  	[tilespmem:$0x10400] =	vst v17  }
0x1b4: {  	[tilespmem:$0x10410] =	vst v17  }
0x1b5: {  	[tilespmem:$0x10420] =	vst v17  }
0x1b6: {  	[tilespmem:$0x10430] =	vst v17  }
0x1b7: {  	[tilespmem:$0x10440] =	vst v17  }
0x1b8: {  	[tilespmem:$0x10450] =	vst v17  }
0x1b9: {  	[tilespmem:$0x10460] =	vst v17  }
0x1ba: {  	[tilespmem:$0x10470] =	vst v17  }
0x1bb: {  	[tilespmem:$0x10480] =	vst v17  }
0x1bc: {  	[tilespmem:$0x10490] =	vst v17  }
0x1bd: {  	[tilespmem:$0x104A0] =	vst v17  }
0x1be: {  	[tilespmem:$0x104B0] =	vst v17  }
0x1bf: {  	[tilespmem:$0x104C0] =	vst v17  }
0x1c0: {  	[tilespmem:$0x104D0] =	vst v17  }
0x1c1: {  	[tilespmem:$0x104E0] =	vst v17  }
0x1c2: {  	[tilespmem:$0x104F0] =	vst v17  }
0x1c3: {  	[tilespmem:$0x10500] =	vst v17  }
0x1c4: {  	[tilespmem:$0x10510] =	vst v17  }
0x1c5: {  	[tilespmem:$0x10520] =	vst v17  }
0x1c6: {  	[tilespmem:$0x10530] =	vst v17  }
0x1c7: {  	[tilespmem:$0x10540] =	vst v17  }
0x1c8: {  	[tilespmem:$0x10550] =	vst v17  }
0x1c9: {  	[tilespmem:$0x10560] =	vst v17  }
0x1ca: {  	[tilespmem:$0x10570] =	vst v17  }
0x1cb: {  	[tilespmem:$0x10580] =	vst v17  }
0x1cc: {  	[tilespmem:$0x10590] =	vst v17  }
0x1cd: {  	[tilespmem:$0x105A0] =	vst v17  }
0x1ce: {  	[tilespmem:$0x105B0] =	vst v17  }
0x1cf: {  	[tilespmem:$0x105C0] =	vst v17  }
0x1d0: {  	[tilespmem:$0x105D0] =	vst v17  }
0x1d1: {  	[tilespmem:$0x105E0] =	vst v17  }
0x1d2: {  	[tilespmem:$0x105F0] =	vst v17  }
0x1d3: {  	[tilespmem:$0x10600] =	vst v17  }
0x1d4: {  	[tilespmem:$0x10610] =	vst v17  }
0x1d5: {  	[tilespmem:$0x10620] =	vst v17  }
0x1d6: {  	[tilespmem:$0x10630] =	vst v17  }
0x1d7: {  	[tilespmem:$0x10640] =	vst v17  }
0x1d8: {  	[tilespmem:$0x10650] =	vst v17  }
0x1d9: {  	[tilespmem:$0x10660] =	vst v17  }
0x1da: {  	[tilespmem:$0x10670] =	vst v17  }
0x1db: {  	[tilespmem:$0x10680] =	vst v17  }
0x1dc: {  	[tilespmem:$0x10690] =	vst v17  }
0x1dd: {  	[tilespmem:$0x106A0] =	vst v17  }
0x1de: {  	[tilespmem:$0x106B0] =	vst v17  }
0x1df: {  	[tilespmem:$0x106C0] =	vst v17  }
0x1e0: {  	[tilespmem:$0x106D0] =	vst v17  }
0x1e1: {  	[tilespmem:$0x106E0] =	vst v17  }
0x1e2: {  	[tilespmem:$0x106F0] =	vst v17  }
0x1e3: {  	[tilespmem:$0x10700] =	vst v17  }
0x1e4: {  	[tilespmem:$0x10710] =	vst v17  }
0x1e5: {  	[tilespmem:$0x10720] =	vst v17  }
0x1e6: {  	[tilespmem:$0x10730] =	vst v17  }
0x1e7: {  	[tilespmem:$0x10740] =	vst v17  }
0x1e8: {  	[tilespmem:$0x10750] =	vst v17  }
0x1e9: {  	[tilespmem:$0x10760] =	vst v17  }
0x1ea: {  	[tilespmem:$0x10770] =	vst v17  }
0x1eb: {  	[tilespmem:$0x10780] =	vst v17  }
0x1ec: {  	[tilespmem:$0x10790] =	vst v17  }
0x1ed: {  	[tilespmem:$0x107A0] =	vst v17  }
0x1ee: {  	[tilespmem:$0x107B0] =	vst v17  }
0x1ef: {  	[tilespmem:$0x107C0] =	vst v17  }
0x1f0: {  	[tilespmem:$0x107D0] =	vst v17  }
0x1f1: {  	[tilespmem:$0x107E0] =	vst v17  }
0x1f2: {  	s21 =	simm.s32 $0x8040;
	[tilespmem:$0x107F0] =	vst v17  }
0x1f3: {  	v18 =	vld [tilespmem:s21+$0xFFFFFFC0]  }
0x1f4: {  	v16 =	vld [tilespmem:s21+$0x30]  }
0x1f5: {  	v19 =	vld [tilespmem:s21+$0xFFFFFFD0]  }
0x1f6: {  	v26 =	vld [tilespmem:s21+$0xFFFFFFF0];
	_ =	sdelay $0x2  }
0x1f7: {  	v24 =	vimm.f32 $0.0e+00;
	v20 =	vld [tilespmem:s21+$0xFFFFFFE0];
	v22 =	vmul.f32 v18, v18  }
0x1f8: {  	v23 =	vmin.f32 v17, v18;
	v25 =	vmax.f32 v17, v18;
	v18 =	vmul.f32 v16, v16  }
0x1f9: {  	v28 =	vmul.f32 v19, v19;
	v33 =	vmul.f32 v26, v26;
	v27 =	vmax.f32 v17, v23  }
0x1fa: {  	v21 =	vld [tilespmem:s21+$0x20];
	v23 =	vmin.f32 v17, v23;
	v29 =	vmax.f32 v25, v19;
	v22 =	vadd.f32 v22, v24  }
0x1fb: {  	v30 =	vld [tilespmem:s21+$0x0];
	v19 =	vmin.f32 v25, v19;
	v24 =	vmax.f32 v17, v23;
	v23 =	vmin.f32 v17, v23  }
0x1fc: {  	v31 =	vld [tilespmem:s21+$0x10];
	v25 =	vmul.f32 v20, v20;
	v17 =	vmax.f32 v17, v23;
	v22 =	vadd.f32 v28, v22  }
0x1fd: {  	v23 =	vmin.f32 v27, v19;
	v19 =	vmax.f32 v27, v19;
	v28 =	vmax.f32 v29, v20  }
0x1fe: {  	v34 =	vmin.f32 v24, v23;
	v23 =	vmax.f32 v24, v23;
	v22 =	vadd.f32 v25, v22  }
0x1ff: {  	v20 =	vmin.f32 v29, v20;
	v24 =	vmax.f32 v17, v34;
	v17 =	vmax.f32 v28, v26  }
0x200: {  	v25 =	vmin.f32 v28, v26;
	v26 =	vmul.f32 v30, v30;
	v22 =	vadd.f32 v33, v22  }
0x201: {  	v32 =	vmul.f32 v21, v21;
	v27 =	vmul.f32 v31, v31;
	v29 =	vmax.f32 v19, v20  }
0x202: {  	v19 =	vmin.f32 v19, v20;
	v28 =	vmin.f32 v17, v30;
	v20 =	vadd.f32 v26, v22  }
0x203: {  	v22 =	vmax.f32 v23, v19;
	v23 =	vmin.f32 v23, v19;
	v19 =	vmin.f32 v29, v25  }
0x204: {  	v17 =	vmax.f32 v17, v30;
	v26 =	vmax.f32 v29, v25;
	v29 =	vmax.f32 v22, v19  }
0x205: {  	v63 =	vmin.f32 v22, v19;
	v19 =	vmin.f32 v26, v28;
	v23 =	vmax.f32 v24, v23  }
0x206: {  	v26 =	vmax.f32 v26, v28;
	v25 =	vadd.f32 v27, v20;
	v20 =	vmin.f32 v17, v31  }
0x207: {  	v31 =	vmax.f32 v17, v31;
	v17 =	vmax.f32 v29, v19;
	v22 =	vmin.f32 v29, v19  }
0x208: {  	v24 =	vmax.f32 v23, v63;
	v19 =	vmax.f32 v31, v21;
	v27 =	vadd.f32 v32, v25  }
0x209: {  	s22 =	simm.s32 $0x80C0;
	s21 =	simm.s32 $0x0;
	v21 =	vmin.f32 v31, v21;
	v23 =	vmin.f32 v26, v20;
	v25 =	vmax.f32 v19, v16  }
.LBB2_12:
0x20a: {  	v28 =	vld [tilespmem:s22+$0xFFFFFFC0];
	s21 =	sadd.s32 $0x8, s21;
	v20 =	vmax.f32 v26, v20;
	v26 =	vmin.f32 v17, v23;
	v18 =	vadd.f32 v18, v27  }
0x20b: {  	v22 =	vmax.f32 v24, v22;
	v19 =	vmin.f32 v19, v16;
	p0 =	slt.u32 s21, $0x7F8;
	v24 =	vmax.f32 v20, v21;
	v16 =	vld [tilespmem:s22+$0x30]  }
0x20c: {  	v17 =	vmax.f32 v17, v23;
	v20 =	vmin.f32 v20, v21;
	v29 =	vld [tilespmem:s22+$0x20];
	v21 =	vmax.f32 v24, v19  }
0x20d: {  	v27 =	vmax.f32 v17, v20;
	v17 =	vmin.f32 v17, v20;
	v19 =	vmin.f32 v24, v19;
	v23 =	vld [tilespmem:s22+$0xFFFFFFD0]  }
0x20e: {  	v22 =	vmax.f32 v22, v26;
	v24 =	vmax.f32 v27, v19;
	v19 =	vmin.f32 v27, v19;
	v20 =	vld [tilespmem:s22+$0xFFFFFFE0]  }
0x20f: {  	v26 =	vmul.f32 v28, v28;
	v27 =	vmax.f32 v25, v28;
	v25 =	vmin.f32 v25, v28;
	v28 =	vld [tilespmem:s22+$0xFFFFFFF0]  }
0x210: {  	v17 =	vmax.f32 v22, v17;
	v30 =	vmax.f32 v21, v25;
	v21 =	vmin.f32 v21, v25  }
0x211: {  	v17 =	vmax.f32 v17, v19;
	v22 =	vadd.f32 v26, v18;
	v18 =	vmul.f32 v16, v16  }
0x212: {  	v19 =	vmax.f32 v24, v21;
	v21 =	vmin.f32 v24, v21;
	v24 =	vmul.f32 v23, v23  }
0x213: {  	v25 =	vmax.f32 v27, v23;
	v23 =	vmin.f32 v27, v23;
	v26 =	vmul.f32 v20, v20;
	v27 =	vld [tilespmem:s22+$0x0]  }
0x214: {  	v32 =	vmul.f32 v29, v29;
	v22 =	vadd.f32 v24, v22;
	v24 =	vmax.f32 v25, v20;
	v31 =	vld [tilespmem:s22+$0x10]  }
0x215: {  	v17 =	vmax.f32 v17, v21;
	v21 =	vmin.f32 v30, v23;
	v33 =	vmul.f32 v28, v28  }
0x216: {  	v34 =	vmin.f32 v19, v21;
	v22 =	vadd.f32 v26, v22;
	v26 =	vmin.f32 v24, v28  }
0x217: {  	v19 =	vmax.f32 v19, v21;
	v21 =	vmax.f32 v17, v34;
	v17 =	vmax.f32 v24, v28  }
0x218: {  	v23 =	vmax.f32 v30, v23;
	v22 =	vadd.f32 v33, v22;
	v24 =	vmul.f32 v27, v27  }
0x219: {  	v20 =	vmin.f32 v25, v20;
	v25 =	vmin.f32 v17, v27;
	v28 =	vmul.f32 v31, v31  }
0x21a: {  	v30 =	vmax.f32 v23, v20;
	v20 =	vmin.f32 v23, v20;
	v22 =	vadd.f32 v24, v22  }
0x21b: {  	v23 =	vmax.f32 v19, v20;
	v17 =	vmax.f32 v17, v27;
	v24 =	vmin.f32 v19, v20  }
0x21c: {  	v33 =	vmax.f32 v30, v26;
	v19 =	vmin.f32 v30, v26;
	v22 =	vadd.f32 v28, v22  }
.Ltmp10:
0x21d: {  	v20 =	vmin.f32 v17, v31;
	v26 =	vmax.f32 v23, v19;
	v23 =	vmin.f32 v23, v19;
	(pc) =	sbr.rel @p0 .LBB2_12-.Ltmp10, $4  }
0x21e: {  	v19 =	vmin.f32 v33, v25;
	v28 =	vmax.f32 v17, v31;
	v27 =	vadd.f32 v32, v22  }
0x21f: {  	v17 =	vmax.f32 v26, v19;
	v22 =	vmin.f32 v26, v19;
	v19 =	vmax.f32 v28, v29  }
0x220: {  	v24 =	vmax.f32 v21, v24;
	v21 =	vmin.f32 v28, v29;
	v26 =	vmax.f32 v33, v25  }
0x221: {  	s22 =	sadd.s32 $0x80, s22;
	v24 =	vmax.f32 v24, v23;
	v23 =	vmin.f32 v26, v20;
	v25 =	vmax.f32 v19, v16  }
0x222: {  	v18 =	vadd.f32 v18, v27;
	_ =	sdelay $0x1  }
0x223: {  	v25 =	vperm.xlane v18, v3;
	_ =	sdelay $0x1  }
0x224: {  	v18 =	vadd.f32 v25, v18;
	_ =	sdelay $0x1  }
0x225: {  	v25 =	vperm.xlane v18, v4;
	_ =	sdelay $0x1  }
0x226: {  	v18 =	vadd.f32 v25, v18;
	_ =	sdelay $0x1  }
0x227: {  	v25 =	vperm.xlane v18, v5;
	_ =	sdelay $0x1  }
0x228: {  	v18 =	vadd.f32 v25, v18;
	_ =	sdelay $0x1  }
0x229: {  	v25 =	vperm.xlane v18, v6;
	_ =	sdelay $0x1  }
0x22a: {  	v18 =	vadd.f32 v25, v18;
	_ =	sdelay $0x1  }
0x22b: {  	v18 =	vmax.f32 v18, $9.999999960e-13  }
0x22c: {  	v57 =	vshra.s32 v18, $0x1;
	v18 =	vmul.f32 $5.000000000e-01, v18  }
0x22d: {  	v25 =	vsub.s32 $0x5F3759DF, v57  }
0x22e: {  	v58 =	vmul.f32 v25, v18;
	_ =	sdelay $0x1  }
0x22f: {  	v27 =	vmul.f32 v25, v58;
	_ =	sdelay $0x1  }
0x230: {  	v20 =	vmax.f32 v26, v20;
	v59 =	vsub.f32 $1.500000000e+00, v27  }
0x231: {  	v22 =	vmax.f32 v24, v22;
	v60 =	vmin.f32 v17, v23;
	v17 =	vmax.f32 v17, v23  }
0x232: {  	v61 =	vmax.f32 v20, v21;
	v20 =	vmin.f32 v20, v21;
	v62 =	vmul.f32 v25, v59  }
0x233: {  	v16 =	vmin.f32 v19, v16;
	v19 =	vmax.f32 v17, v20;
	v17 =	vmin.f32 v17, v20  }
0x234: {  	v16 =	vmin.f32 v61, v16;
	v20 =	vmax.f32 v22, v60;
	v63 =	vmul.f32 v62, v18  }
0x235: {  	v16 =	vmin.f32 v19, v16;
	v17 =	vmax.f32 v20, v17  }
0x236: {  	v16 =	vmax.f32 v17, v16;
	v17 =	vmul.f32 v63, v62  }
0x237: {  	v19 =	vperm.xlane v16, v3  }
0x238: {  	v17 =	vsub.f32 $1.500000000e+00, v17  }
0x239: {  	v16 =	vmin.f32 v16, v19  }
0x23a: {  	v19 =	vperm.xlane v16, v4;
	v17 =	vmul.f32 v17, v62;
	_ =	sdelay $0x1  }
0x23b: {  	v16 =	vmin.f32 v16, v19;
	v18 =	vmul.f32 v17, v18  }
0x23c: {  	v19 =	vperm.xlane v16, v5  }
0x23d: {  	v18 =	vmul.f32 v18, v17  }
0x23e: {  	v16 =	vmin.f32 v16, v19  }
0x23f: {  	v19 =	vperm.xlane v16, v6;
	v18 =	vsub.f32 $1.500000000e+00, v18;
	_ =	sdelay $0x1  }
0x240: {  	s21 =	simm.s32 $0xFFFFFFFE;
	s22 =	simm.s32 $0x40;
	s23 =	simm.s32 $0x8040;
	v16 =	vmin.f32 v16, v19;
	v17 =	vmul.f32 v18, v17;
	v18 =	vimm.s32 $0x0  }
.LBB2_14:
0x241: {  	v19 =	vld [tilespmem:s23+$0xFFFFFFC0]  }
0x242: {  	v20 =	vld [tilespmem:s23+$0xFFFFFFD0];
	_ =	sdelay $0x1  }
0x243: {  	v21 =	vld [tilespmem:s23+$0xFFFFFFE0]  }
0x244: {  	v22 =	vld [tilespmem:s23+$0xFFFFFFF0];
	_ =	sdelay $0x1  }
0x245: {  	vm9 =	vlt.s32 v18, $0x80;
	s24 =	sadd.s32 $0xFFFFFFC0, s22;
	vm6 =	vge.f32 v19, v16;
	vm7 =	vge.f32 v20, v16  }
0x246: {  	v53 =	vor.u32 s24, v8;
	v23 =	vsel vm6, $0x1, v7;
	v24 =	vsel vm7, $0x1, v7  }
0x247: {  	vm8 =	vge.f32 v21, v16;
	v26 =	vadd.s32 v23, v18;
	v23 =	vadd.s32 v23, v24  }
0x248: {  	vm5 =	vge.f32 v22, v16;
	v23 =	vadd.s32 v18, v23;
	v18 =	vshll.u32 v18, $0x4  }
0x249: {  	v25 =	vsel vm8, $0x1, v7;
	vm6 =	vmand vm9, vm6;
	v18 =	vor.u32 v8, v18  }
0x24a: {  	v52 =	vshll.u32 v26, $0x4;
	v18 =	vsel vm6, v18, v15;
	vm6 =	vlt.s32 v26, $0x80  }
0x24b: {  	v51 =	vadd.s32 v25, v23;
	v25 =	vor.u32 v8, v52;
	vm6 =	vmand vm7, vm6  }
0x24c: {  	v25 =	vsel vm6, v25, v15;
	vm6 =	vlt.s32 v23, $0x80;
	v23 =	vshll.u32 v23, $0x4  }
0x24d: {  	v19 =	vmul.f32 v19, v17;
	vm6 =	vmand vm8, vm6;
	v23 =	vor.u32 v8, v23  }
0x24e: {  	v27 =	vshll.u32 v51, $0x4;
	v23 =	vsel vm6, v23, v15;
	vm6 =	vlt.s32 v51, $0x80  }
0x24f: {  	[tilespmem:v18+s13+$0x0] =	vst.idx.msk $0xffff, v19;
	v19 =	vmul.f32 v20, v17;
	vm6 =	vmand vm5, vm6;
	v20 =	vor.u32 v8, v27  }
0x250: {  	s25 =	sadd.s32 $0xFFFFFFD0, s22;
	[tilespmem:v18+s14+$0x0] =	vst.idx.msk $0xffff, v53;
	v18 =	vsel vm6, v20, v15  }
0x251: {  	v20 =	vmul.f32 v21, v17;
	[tilespmem:v25+s13+$0x0] =	vst.idx.msk $0xffff, v19;
	v19 =	vor.u32 s25, v8  }
0x252: {  	s26 =	sadd.s32 $0xFFFFFFE0, s22;
	[tilespmem:v25+s14+$0x0] =	vst.idx.msk $0xffff, v19  }
0x253: {  	v19 =	vor.u32 s26, v8;
	[tilespmem:v23+s13+$0x0] =	vst.idx.msk $0xffff, v20;
	v20 =	vmul.f32 v22, v17  }
0x254: {  	s28 =	sadd.s32 $0xFFFFFFF0, s22;
	[tilespmem:v23+s14+$0x0] =	vst.idx.msk $0xffff, v19  }
0x255: {  	v19 =	vor.u32 s28, v8;
	[tilespmem:v18+s13+$0x0] =	vst.idx.msk $0xffff, v20  }
0x256: {  	[tilespmem:v18+s14+$0x0] =	vst.idx.msk $0xffff, v19  }
0x257: {  	v18 =	vld [tilespmem:s23+$0x0]  }
0x258: {  	v19 =	vld [tilespmem:s23+$0x10]  }
0x259: {  	v20 =	vld [tilespmem:s23+$0x20]  }
0x25a: {  	v54 =	vld [tilespmem:s23+$0x30];
	_ =	sdelay $0x1  }
0x25b: {  	v62 =	vor.u32 s22, v8;
	v55 =	vsel vm5, $0x1, v7  }
0x25c: {  	v22 =	vadd.s32 v55, v51;
	vm6 =	vge.f32 v18, v16;
	vm7 =	vge.f32 v19, v16  }
0x25d: {  	vm15 =	vlt.s32 v22, $0x80;
	v56 =	vsel vm6, $0x1, v7;
	v57 =	vsel vm7, $0x1, v7  }
0x25e: {  	vm14 =	vge.f32 v20, v16;
	vm5 =	vge.f32 v54, v16;
	v23 =	vadd.s32 v56, v57  }
0x25f: {  	v59 =	vadd.s32 v56, v22;
	v23 =	vadd.s32 v22, v23;
	v22 =	vshll.u32 v22, $0x4  }
0x260: {  	v58 =	vsel vm14, $0x1, v7;
	vm6 =	vmand vm15, vm6;
	v22 =	vor.u32 v8, v22  }
0x261: {  	v61 =	vshll.u32 v59, $0x4;
	v22 =	vsel vm6, v22, v15;
	vm6 =	vlt.s32 v59, $0x80  }
0x262: {  	v60 =	vadd.s32 v58, v23;
	v25 =	vor.u32 v8, v61;
	vm6 =	vmand vm7, vm6  }
0x263: {  	v25 =	vsel vm6, v25, v15;
	vm6 =	vlt.s32 v23, $0x80;
	v23 =	vshll.u32 v23, $0x4  }
0x264: {  	v18 =	vmul.f32 v18, v17;
	vm6 =	vmand vm14, vm6;
	v23 =	vor.u32 v8, v23  }
0x265: {  	v63 =	vshll.u32 v60, $0x4;
	v23 =	vsel vm6, v23, v15;
	vm6 =	vlt.s32 v60, $0x80  }
0x266: {  	[tilespmem:v22+s13+$0x0] =	vst.idx.msk $0xffff, v18;
	v18 =	vmul.f32 v19, v17;
	vm6 =	vmand vm5, vm6;
	v19 =	vor.u32 v8, v63  }
0x267: {  	s29 =	sadd.s32 $0x10, s22;
	s21 =	sadd.s32 $0x2, s21;
	[tilespmem:v22+s14+$0x0] =	vst.idx.msk $0xffff, v62;
	v19 =	vsel vm6, v19, v15  }
0x268: {  	p0 =	slt.u32 s21, $0x1FE;
	v20 =	vmul.f32 v20, v17;
	[tilespmem:v25+s13+$0x0] =	vst.idx.msk $0xffff, v18;
	v18 =	vor.u32 s29, v8  }
.Ltmp11:
0x269: {  	s30 =	sadd.s32 $0x20, s22;
	[tilespmem:v25+s14+$0x0] =	vst.idx.msk $0xffff, v18;
	(pc) =	sbr.rel @p0 .LBB2_14-.Ltmp11, $4  }
0x26a: {  	v18 =	vor.u32 s30, v8;
	[tilespmem:v23+s13+$0x0] =	vst.idx.msk $0xffff, v20;
	v20 =	vmul.f32 v54, v17  }
0x26b: {  	s31 =	sadd.s32 $0x30, s22;
	[tilespmem:v23+s14+$0x0] =	vst.idx.msk $0xffff, v18  }
0x26c: {  	v18 =	vsel vm5, $0x1, v7;
	[tilespmem:v19+s13+$0x0] =	vst.idx.msk $0xffff, v20;
	v20 =	vor.u32 s31, v8  }
0x26d: {  	s22 =	sadd.s32 $0x80, s22;
	s23 =	sadd.s32 $0x80, s23;
	v18 =	vadd.s32 v18, v60;
	[tilespmem:v19+s14+$0x0] =	vst.idx.msk $0xffff, v20  }
0x26e: {  	v15 =	vperm.xlane v18, v0;
	_ =	sdelay $0x1  }
0x26f: {  	vm5 =	vgt.s32 v18, v15  }
0x270: {  	v15 =	vsel vm5, v18, v15  }
0x271: {  	v16 =	vperm.xlane v15, v1;
	_ =	sdelay $0x1  }
0x272: {  	vm5 =	vgt.s32 v15, v16  }
0x273: {  	v15 =	vsel vm5, v15, v16  }
0x274: {  	v16 =	vperm.xlane v15, v2;
	_ =	sdelay $0x1  }
0x275: {  	vm5 =	vgt.s32 v15, v16  }
0x276: {  	v15 =	vsel vm5, v15, v16  }
0x277: {  	v16 =	vperm.xlane v15, v6;
	_ =	sdelay $0x1  }
0x278: {  	vm5 =	vgt.s32 v15, v16  }
0x279: {  	v15 =	vsel vm5, v15, v16  }
0x27a: {  	(v2sf) =	vpush v15, $0x0;
	_ =	sdelay $0xb  }
.Ltmp12:
0x27b: {  	_ = 	snop;
	(pc) =	sbr.rel .LBB2_16-.Ltmp12, $3  }
0x27c: {  	_ =	sdelay $0x1  }
0x27d: {  	s21 =	spop (v2sf)  }
0x27e: {  	s22 =	simm.s32 $0x0;
	s23 =	simm.s32 $0x0;
	p0 =	slt.s32 s21, $0x1  }
.LBB2_19:
0x27f: {  	v16 =	vsel vm5, v17, v16;
	v15 =	vsel vm5, v18, v15  }
.LBB2_20:
0x280: {  	_ =	sdelay $0x3  }
0x281: {  	v17 =	vld.idx.msk [tilespmem:v15+s14+$0x0], $0xffff;
	_ =	sdelay $0x2  }
0x282: {  	vm5 =	vlt.f32 v16, $-Inf;
	vm6 =	vgt.f32 v16, $-Inf  }
0x283: {  	vm5 =	vmor vm6, vm5  }
0x284: {  	v17 =	vnsel vm5, $0x8000, v17  }
0x285: {  	v18 =	vperm.xlane v16, v3;
	v19 =	vperm.xlane v17, v3;
	_ =	sdelay $0x1  }
0x286: {  	vm5 =	veq.f32 v18, v16;
	vm6 =	vlt.s32 v19, v17  }
0x287: {  	vm7 =	vgt.f32 v18, v16;
	vm5 =	vmand vm5, vm6  }
0x288: {  	vm5 =	vmor vm7, vm5  }
0x289: {  	v63 =	vsel vm5, v18, v16;
	v17 =	vsel vm5, v19, v17  }
0x28a: {  	v18 =	vperm.xlane v63, v4;
	v19 =	vperm.xlane v17, v4;
	_ =	sdelay $0x1  }
0x28b: {  	vm6 =	veq.f32 v18, v63;
	vm7 =	vlt.s32 v19, v17  }
0x28c: {  	vm6 =	vmand vm6, vm7;
	vm7 =	vgt.f32 v18, v63  }
0x28d: {  	v20 =	vperm.xlane v15, v3;
	vm6 =	vmor vm7, vm6  }
0x28e: {  	v16 =	vsel vm6, v18, v63;
	v17 =	vsel vm6, v19, v17  }
0x28f: {  	v15 =	vsel vm5, v20, v15;
	v18 =	vperm.xlane v16, v5;
	v19 =	vperm.xlane v17, v5  }
0x290: {  	v20 =	vperm.xlane v15, v4  }
0x291: {  	vm5 =	veq.f32 v18, v16;
	vm7 =	vlt.s32 v19, v17  }
0x292: {  	v15 =	vsel vm6, v20, v15;
	vm6 =	vgt.f32 v18, v16;
	vm5 =	vmand vm5, vm7  }
0x293: {  	v21 =	vnsel vm0, s23, v10;
	vm5 =	vmor vm6, vm5  }
0x294: {  	v20 =	vperm.xlane v15, v5;
	v16 =	vsel vm5, v18, v16;
	v17 =	vsel vm5, v19, v17  }
0x295: {  	v21 =	vsel vm1, v11, v21;
	v18 =	vperm.xlane v16, v6;
	v19 =	vperm.xlane v17, v6  }
0x296: {  	v21 =	vsel vm2, v12, v21  }
0x297: {  	v15 =	vsel vm5, v20, v15;
	vm5 =	veq.f32 v18, v16;
	vm6 =	vlt.s32 v19, v17  }
0x298: {  	v20 =	vperm.xlane v15, v6;
	vm5 =	vmand vm5, vm6;
	vm6 =	vgt.f32 v18, v16  }
0x299: {  	v21 =	vsel vm3, v13, v21;
	vm5 =	vmor vm6, vm5  }
0x29a: {  	s23 =	sadd.s32 $0x1, s23;
	v15 =	vsel vm5, v20, v15  }
0x29b: {  	p1 =	sne.s32 s23, $0x40;
	v15 =	vsel vm4, v15, v14  }
.Ltmp13:
0x29c: {  	_ = 	snop;
	(pc) =	sbr.rel @!p1 .LBB2_21-.Ltmp13, $4  }
0x29d: {  	v16 =	vsel vm5, v18, v16  }
0x29e: {  	v17 =	vsel vm5, v19, v17;
	[tilespmem:v21+s16+$0x0] =	vst.idx.msk $0xffff, v16  }
0x29f: {  	[tilespmem:v21+s17+$0x0] =	vst.idx.msk $0xffff, v17  }
0x2a0: {  	[tilespmem:v15+s13+$0x0] =	vst.idx.msk $0xffff, v9  }
.LBB2_16:
.Ltmp14:
0x2a1: {  	(pc) =	sbr.rel @p0 .LBB2_20-.Ltmp14, $2  }
0x2a2: {  	_ =	sdelay $0x2  }
0x2a3: {  	v16 =	vimm.f32 $-Inf;
	v15 =	vimm.s32 $0x0;
	s25 =	simm.s32 $0x10000  }
0x2a4: {  	v17 =	vld [tilespmem:s25+$0x0];
	p1 =	sne.s32 s21, $0x1  }
.Ltmp15:
0x2a5: {  	_ = 	snop;
	(pc) =	sbr.rel @!p1 .LBB2_19-.Ltmp15, $2  }
0x2a6: {  	_ =	sdelay $0x2  }
0x2a7: {  	s24 =	sadd.s32 $0xFFFFFFFF, s21;
	v18 =	vor.u32 s22, v8;
	s25 =	sadd.s32 $0x10, s25;
	s26 =	simm.s32 $0x0;
	vm5 =	vgt.f32 v17, v16  }
.LBB2_18:
0x2a8: {  	p1 =	sne.s32 s24, $0x1;
	s24 =	sadd.s32 $0xFFFFFFFF, s24;
	v16 =	vsel vm5, v17, v16;
	v17 =	vld [tilespmem:s25+$0x0];
	v15 =	vsel vm5, v18, v15  }
.Ltmp16:
0x2a9: {  	(pc) =	sbr.rel @p1 .LBB2_18-.Ltmp16, $3  }
0x2aa: {  	_ =	sdelay $0x1  }
0x2ab: {  	s26 =	sadd.s32 $0x10, s26  }
0x2ac: {  	s25 =	sadd.s32 $0x10, s25;
	v18 =	vor.u32 s26, v8;
	vm5 =	vgt.f32 v17, v16  }
.Ltmp17:
0x2ad: {  	_ = 	snop;
	(pc) =	sbr.rel .LBB2_19-.Ltmp17, $1  }
0x2ae: {  	_ =	sdelay $0x3  }
.LBB2_22:
0x2af: {  	_ =	sfence.sel $0x180000  }
0x2b0: {  	[bflag:$0x0] =	sbarrier.arrive $0xFFFF  }
0x2b1: {  	p0 =	sne.s32 s1, $0x0;
	_ =	strace $0x90000047  }
0x2b2: {  	s0 =	sadd.s32 @!p0 $0x100000, s0;
	[bflag:$0x2] =	sbarrier.arrive $0xFFFF  }
0x2b3: {  	[sflag:s0] =	ssyncadd.tile.s32 @!p0 $0x1;
	_ =	shalt  }
.Lfunc_end2:
_tile_overlayer_lowered:
.L_overlay_start_2:
0x2b4: {  	(tag) =	ssettag $0x2  }
0x2b5: {  	s0 =	rddreg [dreg:$0x0];
	s2 =	stileid.u32  }
0x2b6: {  	s1 =	rddreg [dreg:$0x1];
	p0 =	sne.s32 s2, $0x0  }
0x2b7: {  	s3 =	rddreg [dreg:$0x2];
	[bflag:$0x3] =	sbarrier.arrive $0xFFFF;
	s2 =	simm.s32 @!p0 $0x1C03  }
0x2b8: {  	[timem:s3], [sflag:s2] =	dma.local @!p0 [hbm:s0], s1  }
0x2b9: {  	s0 =	simm.s32 @!p0 $0x3  }
0x2ba: {  	_ =	swait.ge @!p0 [sflag:s0], s1  }
0x2bb: {  	s1 =	ssub.s32 @!p0 $0x0, s1;
	[sflag:s0] =	ssyncset.done @!p0 $0x0  }
0x2bc: {  	[sflag:s0] =	ssyncadd.s32 @!p0 s1  }
0x2bd: {  	[bflag:$0x3] =	sbarrier.arrive $0xFFFF  }
0x2be: {  	_ =	shalt  }

</sc_bundles>
